<compile_context>
chip_gen: v7x
topology: tpu7x:2x2x1
jax: 0.10.2.dev20260603
libtpu: 0.0.44.dev20260713+nightly
codegen_flags: <defaults>
</compile_context>

<pallas_src>
import jax
import jax.numpy as jnp
import numpy as np
from jax import lax
from jax.experimental import pallas as pl
from jax.experimental.pallas import tpu as pltpu
from jax.experimental.pallas import tpu_sc as plsc

_B = 16
_N = 4096
_S = 512
_K = 32
_C = 64
_R2 = np.float32(0.2 * 0.2)
_P = _B * _S * _K
_ROWS = 2048
_GRID = _P // _ROWS
_CEN = _ROWS // _K



def _fps_body(xs_ref, ys_ref, zs_ref, cx_ref, cy_ref, cz_ref, dist_ref):
    iota = lax.broadcasted_iota(jnp.int32, (_B, _N), 1)
    iota_s = lax.broadcasted_iota(jnp.int32, (_B, _S), 1)
    dist_ref[...] = jnp.full((_B, _N), 1e10, jnp.float32)
    xs = xs_ref[...]
    ys = ys_ref[...]
    zs = zs_ref[...]

    def step(i, carry):
        cx, cy, cz, ax, ay, az = carry
        sel_o = iota_s == i
        ax = jnp.where(sel_o, cx, ax)
        ay = jnp.where(sel_o, cy, ay)
        az = jnp.where(sel_o, cz, az)
        dx = xs - cx
        dy = ys - cy
        dz = zs - cz
        d = dx * dx + dy * dy + dz * dz
        dist = jnp.minimum(dist_ref[...], d)
        dist_ref[...] = dist
        m = jnp.max(dist, axis=1, keepdims=True)
        sel = dist == m
        cx = jnp.max(jnp.where(sel, xs, -1e30), axis=1, keepdims=True)
        cy = jnp.max(jnp.where(sel, ys, -1e30), axis=1, keepdims=True)
        cz = jnp.max(jnp.where(sel, zs, -1e30), axis=1, keepdims=True)
        return cx, cy, cz, ax, ay, az

    zc = jnp.zeros((_B, _S), jnp.float32)
    _, _, _, ax, ay, az = lax.fori_loop(
        0, _S, step,
        (xs[:, 0:1], ys[:, 0:1], zs[:, 0:1], zc, zc, zc))
    cx_ref[...] = ax
    cy_ref[...] = ay
    cz_ref[...] = az


def _fps(xs, ys, zs):
    return pl.pallas_call(
        _fps_body,
        out_shape=[jax.ShapeDtypeStruct((_B, _S), jnp.float32)] * 3,
        scratch_shapes=[pltpu.VMEM((_B, _N), jnp.float32)],
    )(xs, ys, zs)



def _table2_body(pts_ref, xyz8_ref, w0f_ref, w0x_ref, b0_ref, out_ref):
    t = jnp.dot(pts_ref[0].astype(jnp.bfloat16), w0f_ref[...].astype(jnp.bfloat16),
                preferred_element_type=jnp.float32)
    t += jnp.dot(xyz8_ref[0].astype(jnp.bfloat16), w0x_ref[...].astype(jnp.bfloat16),
                 preferred_element_type=jnp.float32)
    out_ref[0] = t + b0_ref[0:1, :_C]


def _table2(pts_t, xyz8, w0f, w0x, b0):
    return pl.pallas_call(
        _table2_body,
        grid=(_B,),
        in_specs=[
            pl.BlockSpec((1, _N, _C), lambda b: (b, 0, 0)),
            pl.BlockSpec((1, _N, 8), lambda b: (b, 0, 0)),
            pl.BlockSpec((_C, _C), lambda b: (0, 0)),
            pl.BlockSpec((8, _C), lambda b: (0, 0)),
            pl.BlockSpec((8, 128), lambda b: (0, 0)),
        ],
        out_specs=pl.BlockSpec((1, _N, _C), lambda b: (b, 0, 0)),
        out_shape=jax.ShapeDtypeStruct((_B, _N, _C), jnp.float32),
        compiler_params=pltpu.CompilerParams(dimension_semantics=("arbitrary",)),
    )(pts_t, xyz8, w0f, w0x, b0)



_SH = _S // 2
_CHUNK = 256
_BUF = _K - 1 + _CHUNK + 16


_QUAD = 4
_NQ = _SH // _QUAD
_D = 4


def _sc_body(xs_h, ys_h, zs_h, cx_h, cy_h, cz_h, tab_h, feat_h,
             x_v, y_v, z_v, cx_v, cy_v, cz_v, idxb, idxring, featring,
             semg, semo):
    wid = lax.axis_index("s") * 2 + lax.axis_index("c")
    b = wid // 2
    s0 = (wid % 2) * _SH
    pltpu.sync_copy(xs_h.at[b], x_v)
    pltpu.sync_copy(ys_h.at[b], y_v)
    pltpu.sync_copy(zs_h.at[b], z_v)
    pltpu.sync_copy(cx_h.at[b, pl.ds(s0, _SH)], cx_v.at[pl.ds(0, _SH)])
    pltpu.sync_copy(cy_h.at[b, pl.ds(s0, _SH)], cy_v.at[pl.ds(0, _SH)])
    pltpu.sync_copy(cz_h.at[b, pl.ds(s0, _SH)], cz_v.at[pl.ds(0, _SH)])

    lane = lax.iota(jnp.int32, 16)
    _CLAMP = _BUF - 16

    def ball_query4(q, slot):
        sl0 = q * _QUAD
        cen = [(cx_v[pl.ds(sl0 + j, 16)][0],
                cy_v[pl.ds(sl0 + j, 16)][0],
                cz_v[pl.ds(sl0 + j, 16)][0]) for j in range(_QUAD)]

        def big_chunk(g, cnts):
            def subchunk(u, cs):
                n0 = g * _CHUNK + u * 16
                xv = x_v[pl.ds(n0, 16)]
                yv = y_v[pl.ds(n0, 16)]
                zv = z_v[pl.ds(n0, 16)]
                out = []
                for j in range(_QUAD):
                    cxs, cys, czs = cen[j]
                    dx = xv - cxs
                    dy = yv - cys
                    dz = zv - czs
                    d = dx * dx + dy * dy + dz * dz
                    mi = jnp.where(d <= _R2, 1, 0)
                    incl = mi
                    for k in (1, 2, 4, 8):
                        incl = incl + jnp.where(
                            lane >= k, incl[jnp.maximum(lane - k, 0)], 0)
                    lo = jnp.zeros((16,), jnp.int32)
                    for step in (8, 4, 2, 1):
                        t = incl[lo + (step - 1)]
                        lo = jnp.where(t <= lane, lo + step, lo)
                    c = cs[j]
                    idxb[j, pl.ds(jnp.minimum(c, _CLAMP), 16)] = n0 + lo
                    out.append(c + incl[15])
                return tuple(out)

            def scan256(cs):
                return lax.fori_loop(0, _CHUNK // 16, subchunk, cs)

            mn = jnp.minimum(jnp.minimum(cnts[0], cnts[1]),
                             jnp.minimum(cnts[2], cnts[3]))
            return lax.cond(mn < _K, scan256, lambda cs: cs, cnts)

        zero = jnp.int32(0)
        cnts = lax.fori_loop(0, _N // _CHUNK, big_chunk,
                             (zero, zero, zero, zero))

        for j in range(_QUAD):
            i0 = idxb[j, pl.ds(0, 16)][0]
            for h in range(2):
                lanepos = h * 16 + lane
                idxring[slot, pl.ds(j * _K + h * 16, 16)] = jnp.where(
                    lanepos < cnts[j], idxb[j, pl.ds(h * 16, 16)], i0)

    def out_slice(q):
        p0 = (b * _S + s0 + q * _QUAD) * _K
        return feat_h.at[pl.ds(p0, _QUAD * _K), :]

    def per_quad(q, carry):
        slot = lax.rem(q, _D)

        @pl.when(q >= _D)
        def _():
            pltpu.make_async_copy(
                featring.at[slot], out_slice(q), semo.at[slot]).wait()

        ball_query4(q, slot)

        pltpu.async_copy(tab_h.at[b].at[idxring.at[slot]], featring.at[slot],
                         semg.at[slot])

        @pl.when(q >= 1)
        def _():
            slot2 = lax.rem(q - 1, _D)
            pltpu.make_async_copy(
                tab_h.at[b, pl.ds(0, _QUAD * _K), :], featring.at[slot2],
                semg.at[slot2]).wait()
            pltpu.async_copy(featring.at[slot2], out_slice(q - 1),
                             semo.at[slot2])

        return carry

    lax.fori_loop(0, _NQ, per_quad, jnp.int32(0))

    lastslot = (_NQ - 1) % _D
    pltpu.make_async_copy(tab_h.at[b, pl.ds(0, _QUAD * _K), :],
                          featring.at[lastslot], semg.at[lastslot]).wait()
    pltpu.async_copy(featring.at[lastslot], out_slice(_NQ - 1),
                     semo.at[lastslot])
    for k in range(_D):
        pltpu.make_async_copy(featring.at[k], out_slice(0),
                              semo.at[k]).wait()


def _ball_gather(xs, ys, zs, cx, cy, cz, tab):
    kern = pl.kernel(
        _sc_body,
        out_type=[jax.ShapeDtypeStruct((_P, _C), jnp.float32)],
        mesh=plsc.VectorSubcoreMesh(
            core_axis_name="c", subcore_axis_name="s",
            num_cores=2, num_subcores=16),
        compiler_params=pltpu.CompilerParams(use_tc_tiling_on_sc=False),
        scratch_types=[
            pltpu.VMEM((_N,), jnp.float32),
            pltpu.VMEM((_N,), jnp.float32),
            pltpu.VMEM((_N,), jnp.float32),
            pltpu.VMEM((_SH + 16,), jnp.float32),
            pltpu.VMEM((_SH + 16,), jnp.float32),
            pltpu.VMEM((_SH + 16,), jnp.float32),
            pltpu.VMEM((_QUAD, _BUF), jnp.int32),
            pltpu.VMEM((_D, _QUAD * _K), jnp.int32),
            pltpu.VMEM((_D, _QUAD * _K, _C), jnp.float32),
            pltpu.SemaphoreType.DMA((_D,)),
            pltpu.SemaphoreType.DMA((_D,)),
        ],
    )
    (feat,) = kern(xs, ys, zs, cx, cy, cz, tab)
    return feat



def _bf(x):
    return x.astype(jnp.bfloat16)


def _y0_tile(g_ref, cen8_ref, w0x_ref):
    vt = jnp.dot(_bf(cen8_ref[...]), _bf(w0x_ref[...]),
                 preferred_element_type=jnp.float32)
    vt = jnp.broadcast_to(vt[:, None, :], (_CEN, _K, _C)).reshape(_ROWS, _C)
    return g_ref[...] - vt


def _next_layer(z, w_ref, b_ref, co):
    y = jnp.dot(_bf(z), _bf(w_ref[...]), preferred_element_type=jnp.float32)
    return y + b_ref[0:1, :co]


def _apply_bn_relu(y, a_ref, c_ref, co):
    return jnp.maximum(y * a_ref[0:1, :co] + c_ref[0:1, :co], 0.0)


def _acc_stats(y, co, sum_ref, ssq_ref):
    @pl.when(pl.program_id(0) == 0)
    def _():
        sum_ref[...] = jnp.zeros_like(sum_ref)
        ssq_ref[...] = jnp.zeros_like(ssq_ref)

    sum_ref[0:1, :co] += jnp.sum(y, axis=0, keepdims=True)
    ssq_ref[0:1, :co] += jnp.sum(y * y, axis=0, keepdims=True)


def _sweep1_body(g, cen8, w0x, sum_ref, ssq_ref):
    y0 = _y0_tile(g, cen8, w0x)
    _acc_stats(y0, _C, sum_ref, ssq_ref)


def _sweep2_body(g, cen8, w0x, a0, c0, w1, b1, sum_ref, ssq_ref):
    y0 = _y0_tile(g, cen8, w0x)
    z0 = _apply_bn_relu(y0, a0, c0, _C)
    y1 = _next_layer(z0, w1, b1, _C)
    _acc_stats(y1, _C, sum_ref, ssq_ref)


def _sweep3_body(g, cen8, w0x, a0, c0, w1, b1, a1, c1, w2, b2,
                 sum_ref, ssq_ref):
    y0 = _y0_tile(g, cen8, w0x)
    z0 = _apply_bn_relu(y0, a0, c0, _C)
    y1 = _next_layer(z0, w1, b1, _C)
    z1 = _apply_bn_relu(y1, a1, c1, _C)
    y2 = _next_layer(z1, w2, b2, 128)
    _acc_stats(y2, 128, sum_ref, ssq_ref)


def _sweep4_body(g, cen8, w0x, a0, c0, w1, b1, a1, c1, w2, b2, a2, c2,
                 out_ref):
    y0 = _y0_tile(g, cen8, w0x)
    z0 = _apply_bn_relu(y0, a0, c0, _C)
    y1 = _next_layer(z0, w1, b1, _C)
    z1 = _apply_bn_relu(y1, a1, c1, _C)
    y2 = _next_layer(z1, w2, b2, 128)
    z2 = _apply_bn_relu(y2, a2, c2, 128)
    out_ref[...] = jnp.max(z2.reshape(_CEN, _K, 128), axis=1)


def _const_spec(shape):
    return pl.BlockSpec(shape, lambda i: (0, 0))


_G_SPEC = pl.BlockSpec((_ROWS, _C), lambda i: (i, 0))
_CEN_SPEC = pl.BlockSpec((_CEN, 8), lambda i: (i, 0))
_STATS_SPEC = pl.BlockSpec((8, 128), lambda i: (0, 0))
_STATS_SHAPE = jax.ShapeDtypeStruct((8, 128), jnp.float32)
_CPARAMS = pltpu.CompilerParams(dimension_semantics=("arbitrary",))


def _sweep(body, small_shapes, out_shapes, out_specs):
    return pl.pallas_call(
        body,
        grid=(_GRID,),
        in_specs=[_G_SPEC, _CEN_SPEC] + [_const_spec(s) for s in small_shapes],
        out_specs=out_specs,
        out_shape=out_shapes,
        compiler_params=_CPARAMS,
    )


def _stats_to_affine(stats, gamma, beta, co):
    sum_o, ssq_o = stats
    s = sum_o[0, :co]
    q = ssq_o[0, :co]
    mean = s / _P
    var = q / _P - mean * mean
    a = gamma / jnp.sqrt(var + 1e-5)
    c = beta - mean * a
    return _pad_row(a), _pad_row(c)


def _pad_row(v):
    out = jnp.zeros((8, 128), jnp.float32)
    return out.at[0, :v.shape[0]].set(v)


def kernel(xyz, points, params):
    xyz_t = jnp.transpose(xyz, (2, 0, 1))
    xs, ys, zs = xyz_t[0], xyz_t[1], xyz_t[2]
    pts_t = jnp.transpose(points, (0, 2, 1))
    xyz8 = jnp.pad(xyz, ((0, 0), (0, 0), (0, 5)))

    w0 = params["W0"]
    w0f = jnp.transpose(w0[:, :_C])
    w0x = jnp.zeros((8, _C), jnp.float32).at[:3].set(jnp.transpose(w0[:, _C:]))
    b0 = _pad_row(params["b0"])
    w1 = jnp.transpose(params["W1"])
    b1 = _pad_row(params["b1"])
    w2 = jnp.transpose(params["W2"])
    b2 = _pad_row(params["b2"])

    cx, cy, cz = _fps(xs, ys, zs)
    new_xyz = jnp.stack([cx, cy, cz], axis=-1)
    cen8 = jnp.pad(new_xyz.reshape(_B * _S, 3), ((0, 0), (0, 5)))

    tab = _table2(pts_t, xyz8, w0f, w0x, b0)
    g = _ball_gather(xs, ys, zs, cx, cy, cz, tab)

    stats0 = _sweep(
        _sweep1_body, [(8, _C)],
        [_STATS_SHAPE] * 2, [_STATS_SPEC] * 2,
    )(g, cen8, w0x)
    a0, c0 = _stats_to_affine(stats0, params["gamma0"], params["beta0"], _C)

    stats1 = _sweep(
        _sweep2_body, [(8, _C), (8, 128), (8, 128), (64, _C), (8, 128)],
        [_STATS_SHAPE] * 2, [_STATS_SPEC] * 2,
    )(g, cen8, w0x, a0, c0, w1, b1)
    a1, c1 = _stats_to_affine(stats1, params["gamma1"], params["beta1"], _C)

    stats2 = _sweep(
        _sweep3_body,
        [(8, _C), (8, 128), (8, 128), (64, _C), (8, 128),
         (8, 128), (8, 128), (64, 128), (8, 128)],
        [_STATS_SHAPE] * 2, [_STATS_SPEC] * 2,
    )(g, cen8, w0x, a0, c0, w1, b1, a1, c1, w2, b2)
    a2, c2 = _stats_to_affine(stats2, params["gamma2"], params["beta2"], 128)

    pooled = _sweep(
        _sweep4_body,
        [(8, _C), (8, 128), (8, 128), (64, _C), (8, 128),
         (8, 128), (8, 128), (64, 128), (8, 128), (8, 128), (8, 128)],
        jax.ShapeDtypeStruct((_P // _K, 128), jnp.float32),
        pl.BlockSpec((_CEN, 128), lambda i: (i, 0)),
    )(g, cen8, w0x, a0, c0, w1, b1, a1, c1, w2, b2, a2, c2)

    new_points = jnp.transpose(pooled.reshape(_B, _S, 128), (0, 2, 1))
    return new_xyz, new_points

# --- scband reference (transcript-rebuilt; emitter-appended) ---
"""Pipeline reference for scband-point-net-set-abstraction-11965778886750 (READ-ONLY COPY).

The authoritative reference and input builder live on the scoring server;
editing this copy changes nothing except your own understanding.
"""

import jax, jax.numpy as jnp
import numpy as np

NPOINT = 512
RADIUS = 0.2
NSAMPLE = 32
MLP_DIMS = [(67, 64), (64, 64), (64, 128)]


def setup_inputs(seed: int = 0) -> dict:
    key = jax.random.key(seed)
    ks = jax.random.split(key, 2 + len(MLP_DIMS))
    xyz = jax.random.uniform(ks[0], (16, 4096, 3), dtype=jnp.float32)
    points = jax.random.normal(ks[1], (16, 64, 4096), dtype=jnp.float32)
    params = {}
    for i, (ci, co) in enumerate(MLP_DIMS):
        params[f"W{i}"] = jax.random.normal(ks[2 + i], (co, ci), dtype=jnp.float32) * (1.0 / np.sqrt(ci))
        params[f"b{i}"] = jnp.zeros((co,), dtype=jnp.float32)
        params[f"gamma{i}"] = jnp.ones((co,), dtype=jnp.float32)
        params[f"beta{i}"] = jnp.zeros((co,), dtype=jnp.float32)
    return {"xyz": xyz, "points": points, "params": params}


def farthest_point_sample(xyz, npoint):
    B, N, _ = xyz.shape
    def step(carry, _):
        distance, farthest = carry
        centroid = jnp.take_along_axis(xyz, farthest[:, None, None], axis=1)  # (B,1,3)
        dist = jnp.sum((xyz - centroid) ** 2, axis=-1)
        distance = jnp.minimum(distance, dist)
        new_far = jnp.argmax(distance, axis=-1).astype(jnp.int32)
        return (distance, new_far), farthest
    init = (jnp.full((B, N), 1e10, dtype=xyz.dtype), jnp.zeros((B,), dtype=jnp.int32))
    _, cents = jax.lax.scan(step, init, None, length=npoint)
    return jnp.transpose(cents, (1, 0))  # (B, npoint)


def ball_query(radius, nsample, xyz, new_xyz):
    B, N, _ = xyz.shape
    S = new_xyz.shape[1]
    sqrdists = jnp.sum((new_xyz[:, :, None, :] - xyz[:, None, :, :]) ** 2, axis=-1)  # (B,S,N)
    group_idx = jnp.broadcast_to(jnp.arange(N, dtype=jnp.int32), (B, S, N))
    group_idx = jnp.where(sqrdists > radius ** 2, N, group_idx)
    group_idx = jnp.sort(group_idx, axis=-1)[:, :, :nsample]
    group_first = group_idx[:, :, 0:1]
    group_idx = jnp.where(group_idx == N, group_first, group_idx)
    return group_idx


def index_points(points, idx):
    # points: (B, N, C), idx: (B, ...) -> (B, ..., C)
    return jax.vmap(lambda p, i: p[i])(points, idx)


def reference(xyz, points, params):
    B, N, _ = xyz.shape
    fps_idx = farthest_point_sample(xyz, NPOINT)
    new_xyz = index_points(xyz, fps_idx)  # (B, S, 3)
    idx = ball_query(RADIUS, NSAMPLE, xyz, new_xyz)  # (B, S, K)
    grouped_xyz = index_points(xyz, idx) - new_xyz[:, :, None, :]  # (B,S,K,3)
    gp = index_points(jnp.transpose(points, (0, 2, 1)), idx)  # (B,S,K,C)
    gp = jnp.transpose(gp, (0, 3, 2, 1))  # (B,C,K,S)
    gx = jnp.transpose(grouped_xyz, (0, 3, 2, 1))  # (B,3,K,S)
    x = jnp.concatenate([gp, gx], axis=1)  # (B, C+3, K, S)
    for i in range(len(MLP_DIMS)):
        W = params[f"W{i}"]
        b = params[f"b{i}"]
        x = jnp.einsum('oc,bcks->boks', W, x) + b[None, :, None, None]
        mean = jnp.mean(x, axis=(0, 2, 3), keepdims=True)
        var = jnp.var(x, axis=(0, 2, 3), keepdims=True)
        x = (x - mean) / jnp.sqrt(var + 1e-5)
        x = x * params[f"gamma{i}"][None, :, None, None] + params[f"beta{i}"][None, :, None, None]
        x = jax.nn.relu(x)
    new_points = jnp.max(x, axis=2)  # (B, C', S)
    return new_xyz, new_points

if __name__ == "__main__":
    import jax
    _d = setup_inputs()
    print(jax.jit(kernel)(*tuple(_d.values())))

</pallas_src>

<mosaic_0001>
#map = affine_map<(d0, d1) -> (0, 0)>
#map1 = affine_map<(d0, d1) -> (0, 0, 0)>
module attributes {stable_mosaic.version = 14 : i64} {
  func.func @_sc_body(%arg0: i32, %arg1: i32, %arg2: memref<16x4096xf32, #tpu.memory_space<hbm>>, %arg3: memref<16x4096xf32, #tpu.memory_space<hbm>>, %arg4: memref<16x4096xf32, #tpu.memory_space<hbm>>, %arg5: memref<16x512xf32, #tpu.memory_space<hbm>>, %arg6: memref<16x512xf32, #tpu.memory_space<hbm>>, %arg7: memref<16x512xf32, #tpu.memory_space<hbm>>, %arg8: memref<16x4096x64xf32, #tpu.memory_space<hbm>>, %arg9: memref<262144x64xf32, #tpu.memory_space<hbm>>, %arg10: memref<4096xf32, #tpu.memory_space<vmem>>, %arg11: memref<4096xf32, #tpu.memory_space<vmem>>, %arg12: memref<4096xf32, #tpu.memory_space<vmem>>, %arg13: memref<272xf32, #tpu.memory_space<vmem>>, %arg14: memref<272xf32, #tpu.memory_space<vmem>>, %arg15: memref<272xf32, #tpu.memory_space<vmem>>, %arg16: memref<4x303xi32, #tpu.memory_space<vmem>>, %arg17: memref<4x128xi32, #tpu.memory_space<vmem>>, %arg18: memref<4x128x64xf32, #tpu.memory_space<vmem>>, %arg19: memref<4x!tpu.dma_semaphore, #tpu.memory_space<semaphore_mem>>, %arg20: memref<4x!tpu.dma_semaphore, #tpu.memory_space<semaphore_mem>>) attributes {dimension_semantics = [#tpu.dimension_semantics<core_parallel>, #tpu.dimension_semantics<subcore_parallel>], iteration_bounds = array<i64: 2, 16>, scalar_prefetch = 0 : i64, scratch_operands = 11 : i64, tpu.core_type = #tpu.core_type<sc_vector_subcore>, window_params = [{transform_indices = #map}, {transform_indices = #map}, {transform_indices = #map}, {transform_indices = #map}, {transform_indices = #map}, {transform_indices = #map}, {transform_indices = #map1}, {transform_indices = #map}]} {
    %mul3A = arith.constant 2 : i32
    %mul3A_0 = arith.muli %arg1, %mul3A : i32
    %add3A = arith.addi %mul3A_0, %arg0 : i32
    %jit3A = arith.constant 2 : i32
    %div3A = arith.divsi %add3A, %jit3A : i32
    %sign3A = arith.constant 0 : i32
    %sign3A_1 = arith.cmpi sgt, %add3A, %sign3A : i32
    %sign3A_2 = arith.extui %sign3A_1 : i1 to i32
    %sign3A_3 = arith.constant 0 : i32
    %sign3A_4 = arith.cmpi slt, %add3A, %sign3A_3 : i32
    %sign3A_5 = arith.extui %sign3A_4 : i1 to i32
    %sign3A_6 = arith.subi %sign3A_2, %sign3A_5 : i32
    %sign3A_7 = arith.constant 0 : i32
    %sign3A_8 = arith.cmpi sgt, %jit3A, %sign3A_7 : i32
    %sign3A_9 = arith.extui %sign3A_8 : i1 to i32
    %sign3A_10 = arith.constant 0 : i32
    %sign3A_11 = arith.cmpi slt, %jit3A, %sign3A_10 : i32
    %sign3A_12 = arith.extui %sign3A_11 : i1 to i32
    %sign3A_13 = arith.subi %sign3A_9, %sign3A_12 : i32
    %ne3A = arith.cmpi ne, %sign3A_6, %sign3A_13 : i32
    %rem3A = arith.remsi %add3A, %jit3A : i32
    %ne3A_14 = arith.constant 0 : i32
    %ne3A_15 = arith.cmpi ne, %rem3A, %ne3A_14 : i32
    %and3A = arith.andi %ne3A, %ne3A_15 : i1
    %sub3A = arith.constant 1 : i32
    %sub3A_16 = arith.subi %div3A, %sub3A : i32
    %select_n3A = arith.select %and3A, %sub3A_16, %div3A : i32
    %jit3A_17 = arith.constant 2 : i32
    %eq3A = arith.constant 0 : i32
    %eq3A_18 = arith.cmpi eq, %jit3A_17, %eq3A : i32
    %jit3A_19 = arith.constant 1 : i32
    %select_n3A_20 = arith.select %eq3A_18, %jit3A_19, %jit3A_17 : i32
    %rem3A_21 = arith.remsi %add3A, %select_n3A_20 : i32
    %ne3A_22 = arith.constant 0 : i32
    %ne3A_23 = arith.cmpi ne, %rem3A_21, %ne3A_22 : i32
    %lt3A = arith.constant 0 : i32
    %lt3A_24 = arith.cmpi slt, %rem3A_21, %lt3A : i32
    %lt3A_25 = arith.constant 0 : i32
    %lt3A_26 = arith.cmpi slt, %select_n3A_20, %lt3A_25 : i32
    %ne3A_27 = arith.xori %lt3A_24, %lt3A_26 : i1
    %and3A_28 = arith.andi %ne3A_27, %ne3A_23 : i1
    %add3A_29 = arith.addi %rem3A_21, %select_n3A_20 : i32
    %select_n3A_30 = arith.select %and3A_28, %add3A_29, %rem3A_21 : i32
    %mul3A_31 = arith.constant 256 : i32
    %mul3A_32 = arith.muli %select_n3A_30, %mul3A_31 : i32
    "tpu.region"() ({
      %run_scoped3A = tpu.sem_alloc : memref<!tpu.dma_semaphore, #tpu.memory_space<semaphore_mem>>
      %dma_start3A_171 = arith.constant 0 : i32
      %dma_start3A_172 = tpu.memref_slice %arg2[%select_n3A, %dma_start3A_171] : memref<16x4096xf32, #tpu.memory_space<hbm>> -> memref<1x4096xf32, #tpu.memory_space<hbm>>
      %dma_start3A_173 = tpu.memref_squeeze %dma_start3A_172 : memref<1x4096xf32, #tpu.memory_space<hbm>> -> memref<4096xf32, #tpu.memory_space<hbm>>
      %dma_start3A_174 = arith.constant 0 : i32
      %dma_start3A_175 = tpu.memref_slice %arg2[%select_n3A, %dma_start3A_174] : memref<16x4096xf32, #tpu.memory_space<hbm>> -> memref<1x4096xf32, #tpu.memory_space<hbm>>
      %dma_start3A_176 = tpu.memref_squeeze %dma_start3A_175 : memref<1x4096xf32, #tpu.memory_space<hbm>> -> memref<4096xf32, #tpu.memory_space<hbm>>
      tpu.enqueue_dma source(%dma_start3A_176 : memref<4096xf32, #tpu.memory_space<hbm>>) target(%arg10 : memref<4096xf32, #tpu.memory_space<vmem>>) target_semaphore(%run_scoped3A : memref<!tpu.dma_semaphore, #tpu.memory_space<semaphore_mem>>)
      %dma_wait3A_177 = arith.constant 0 : i32
      %dma_wait3A_178 = tpu.memref_slice %arg2[%select_n3A, %dma_wait3A_177] : memref<16x4096xf32, #tpu.memory_space<hbm>> -> memref<1x4096xf32, #tpu.memory_space<hbm>>
      %dma_wait3A_179 = tpu.memref_squeeze %dma_wait3A_178 : memref<1x4096xf32, #tpu.memory_space<hbm>> -> memref<4096xf32, #tpu.memory_space<hbm>>
      %dma_wait3A_180 = arith.constant 0 : i32
      %dma_wait3A_181 = tpu.memref_slice %arg2[%select_n3A, %dma_wait3A_180] : memref<16x4096xf32, #tpu.memory_space<hbm>> -> memref<1x4096xf32, #tpu.memory_space<hbm>>
      %dma_wait3A_182 = tpu.memref_squeeze %dma_wait3A_181 : memref<1x4096xf32, #tpu.memory_space<hbm>> -> memref<4096xf32, #tpu.memory_space<hbm>>
      tpu.wait_dma2 semaphore(%run_scoped3A : memref<!tpu.dma_semaphore, #tpu.memory_space<semaphore_mem>>) src(%dma_wait3A_182 : memref<4096xf32, #tpu.memory_space<hbm>>) dst(%arg10 : memref<4096xf32, #tpu.memory_space<vmem>>)
      tpu.yield
    }) : () -> ()
    "tpu.region"() ({
      %run_scoped3A = tpu.sem_alloc : memref<!tpu.dma_semaphore, #tpu.memory_space<semaphore_mem>>
      %dma_start3A_171 = arith.constant 0 : i32
      %dma_start3A_172 = tpu.memref_slice %arg3[%select_n3A, %dma_start3A_171] : memref<16x4096xf32, #tpu.memory_space<hbm>> -> memref<1x4096xf32, #tpu.memory_space<hbm>>
      %dma_start3A_173 = tpu.memref_squeeze %dma_start3A_172 : memref<1x4096xf32, #tpu.memory_space<hbm>> -> memref<4096xf32, #tpu.memory_space<hbm>>
      %dma_start3A_174 = arith.constant 0 : i32
      %dma_start3A_175 = tpu.memref_slice %arg3[%select_n3A, %dma_start3A_174] : memref<16x4096xf32, #tpu.memory_space<hbm>> -> memref<1x4096xf32, #tpu.memory_space<hbm>>
      %dma_start3A_176 = tpu.memref_squeeze %dma_start3A_175 : memref<1x4096xf32, #tpu.memory_space<hbm>> -> memref<4096xf32, #tpu.memory_space<hbm>>
      tpu.enqueue_dma source(%dma_start3A_176 : memref<4096xf32, #tpu.memory_space<hbm>>) target(%arg11 : memref<4096xf32, #tpu.memory_space<vmem>>) target_semaphore(%run_scoped3A : memref<!tpu.dma_semaphore, #tpu.memory_space<semaphore_mem>>)
      %dma_wait3A_177 = arith.constant 0 : i32
      %dma_wait3A_178 = tpu.memref_slice %arg3[%select_n3A, %dma_wait3A_177] : memref<16x4096xf32, #tpu.memory_space<hbm>> -> memref<1x4096xf32, #tpu.memory_space<hbm>>
      %dma_wait3A_179 = tpu.memref_squeeze %dma_wait3A_178 : memref<1x4096xf32, #tpu.memory_space<hbm>> -> memref<4096xf32, #tpu.memory_space<hbm>>
      %dma_wait3A_180 = arith.constant 0 : i32
      %dma_wait3A_181 = tpu.memref_slice %arg3[%select_n3A, %dma_wait3A_180] : memref<16x4096xf32, #tpu.memory_space<hbm>> -> memref<1x4096xf32, #tpu.memory_space<hbm>>
      %dma_wait3A_182 = tpu.memref_squeeze %dma_wait3A_181 : memref<1x4096xf32, #tpu.memory_space<hbm>> -> memref<4096xf32, #tpu.memory_space<hbm>>
      tpu.wait_dma2 semaphore(%run_scoped3A : memref<!tpu.dma_semaphore, #tpu.memory_space<semaphore_mem>>) src(%dma_wait3A_182 : memref<4096xf32, #tpu.memory_space<hbm>>) dst(%arg11 : memref<4096xf32, #tpu.memory_space<vmem>>)
      tpu.yield
    }) : () -> ()
    "tpu.region"() ({
      %run_scoped3A = tpu.sem_alloc : memref<!tpu.dma_semaphore, #tpu.memory_space<semaphore_mem>>
      %dma_start3A_171 = arith.constant 0 : i32
      %dma_start3A_172 = tpu.memref_slice %arg4[%select_n3A, %dma_start3A_171] : memref<16x4096xf32, #tpu.memory_space<hbm>> -> memref<1x4096xf32, #tpu.memory_space<hbm>>
      %dma_start3A_173 = tpu.memref_squeeze %dma_start3A_172 : memref<1x4096xf32, #tpu.memory_space<hbm>> -> memref<4096xf32, #tpu.memory_space<hbm>>
      %dma_start3A_174 = arith.constant 0 : i32
      %dma_start3A_175 = tpu.memref_slice %arg4[%select_n3A, %dma_start3A_174] : memref<16x4096xf32, #tpu.memory_space<hbm>> -> memref<1x4096xf32, #tpu.memory_space<hbm>>
      %dma_start3A_176 = tpu.memref_squeeze %dma_start3A_175 : memref<1x4096xf32, #tpu.memory_space<hbm>> -> memref<4096xf32, #tpu.memory_space<hbm>>
      tpu.enqueue_dma source(%dma_start3A_176 : memref<4096xf32, #tpu.memory_space<hbm>>) target(%arg12 : memref<4096xf32, #tpu.memory_space<vmem>>) target_semaphore(%run_scoped3A : memref<!tpu.dma_semaphore, #tpu.memory_space<semaphore_mem>>)
      %dma_wait3A_177 = arith.constant 0 : i32
      %dma_wait3A_178 = tpu.memref_slice %arg4[%select_n3A, %dma_wait3A_177] : memref<16x4096xf32, #tpu.memory_space<hbm>> -> memref<1x4096xf32, #tpu.memory_space<hbm>>
      %dma_wait3A_179 = tpu.memref_squeeze %dma_wait3A_178 : memref<1x4096xf32, #tpu.memory_space<hbm>> -> memref<4096xf32, #tpu.memory_space<hbm>>
      %dma_wait3A_180 = arith.constant 0 : i32
      %dma_wait3A_181 = tpu.memref_slice %arg4[%select_n3A, %dma_wait3A_180] : memref<16x4096xf32, #tpu.memory_space<hbm>> -> memref<1x4096xf32, #tpu.memory_space<hbm>>
      %dma_wait3A_182 = tpu.memref_squeeze %dma_wait3A_181 : memref<1x4096xf32, #tpu.memory_space<hbm>> -> memref<4096xf32, #tpu.memory_space<hbm>>
      tpu.wait_dma2 semaphore(%run_scoped3A : memref<!tpu.dma_semaphore, #tpu.memory_space<semaphore_mem>>) src(%dma_wait3A_182 : memref<4096xf32, #tpu.memory_space<hbm>>) dst(%arg12 : memref<4096xf32, #tpu.memory_space<vmem>>)
      tpu.yield
    }) : () -> ()
    "tpu.region"() ({
      %run_scoped3A = tpu.sem_alloc : memref<!tpu.dma_semaphore, #tpu.memory_space<semaphore_mem>>
      %dma_start3A_171 = arith.constant 0 : i32
      %dma_start3A_172 = tpu.memref_slice %arg13[%dma_start3A_171] : memref<272xf32, #tpu.memory_space<vmem>> -> memref<256xf32, #tpu.memory_space<vmem>>
      %dma_start3A_173 = tpu.memref_slice %arg5[%select_n3A, %mul3A_32] : memref<16x512xf32, #tpu.memory_space<hbm>> -> memref<1x256xf32, #tpu.memory_space<hbm>>
      %dma_start3A_174 = tpu.memref_squeeze %dma_start3A_173 : memref<1x256xf32, #tpu.memory_space<hbm>> -> memref<256xf32, #tpu.memory_space<hbm>>
      %dma_start3A_175 = arith.constant 0 : i32
      %dma_start3A_176 = tpu.memref_slice %arg13[%dma_start3A_175] : memref<272xf32, #tpu.memory_space<vmem>> -> memref<256xf32, #tpu.memory_space<vmem>>
      %dma_start3A_177 = tpu.memref_slice %arg5[%select_n3A, %mul3A_32] : memref<16x512xf32, #tpu.memory_space<hbm>> -> memref<1x256xf32, #tpu.memory_space<hbm>>
      %dma_start3A_178 = tpu.memref_squeeze %dma_start3A_177 : memref<1x256xf32, #tpu.memory_space<hbm>> -> memref<256xf32, #tpu.memory_space<hbm>>
      tpu.enqueue_dma source(%dma_start3A_178 : memref<256xf32, #tpu.memory_space<hbm>>) target(%dma_start3A_176 : memref<256xf32, #tpu.memory_space<vmem>>) target_semaphore(%run_scoped3A : memref<!tpu.dma_semaphore, #tpu.memory_space<semaphore_mem>>)
      %dma_wait3A_179 = arith.constant 0 : i32
      %dma_wait3A_180 = tpu.memref_slice %arg13[%dma_wait3A_179] : memref<272xf32, #tpu.memory_space<vmem>> -> memref<256xf32, #tpu.memory_space<vmem>>
      %dma_wait3A_181 = tpu.memref_slice %arg5[%select_n3A, %mul3A_32] : memref<16x512xf32, #tpu.memory_space<hbm>> -> memref<1x256xf32, #tpu.memory_space<hbm>>
      %dma_wait3A_182 = tpu.memref_squeeze %dma_wait3A_181 : memref<1x256xf32, #tpu.memory_space<hbm>> -> memref<256xf32, #tpu.memory_space<hbm>>
      %dma_wait3A_183 = arith.constant 0 : i32
      %dma_wait3A_184 = tpu.memref_slice %arg13[%dma_wait3A_183] : memref<272xf32, #tpu.memory_space<vmem>> -> memref<256xf32, #tpu.memory_space<vmem>>
      %dma_wait3A_185 = tpu.memref_slice %arg5[%select_n3A, %mul3A_32] : memref<16x512xf32, #tpu.memory_space<hbm>> -> memref<1x256xf32, #tpu.memory_space<hbm>>
      %dma_wait3A_186 = tpu.memref_squeeze %dma_wait3A_185 : memref<1x256xf32, #tpu.memory_space<hbm>> -> memref<256xf32, #tpu.memory_space<hbm>>
      tpu.wait_dma2 semaphore(%run_scoped3A : memref<!tpu.dma_semaphore, #tpu.memory_space<semaphore_mem>>) src(%dma_wait3A_186 : memref<256xf32, #tpu.memory_space<hbm>>) dst(%dma_wait3A_184 : memref<256xf32, #tpu.memory_space<vmem>>)
      tpu.yield
    }) : () -> ()
    "tpu.region"() ({
      %run_scoped3A = tpu.sem_alloc : memref<!tpu.dma_semaphore, #tpu.memory_space<semaphore_mem>>
      %dma_start3A_171 = arith.constant 0 : i32
      %dma_start3A_172 = tpu.memref_slice %arg14[%dma_start3A_171] : memref<272xf32, #tpu.memory_space<vmem>> -> memref<256xf32, #tpu.memory_space<vmem>>
      %dma_start3A_173 = tpu.memref_slice %arg6[%select_n3A, %mul3A_32] : memref<16x512xf32, #tpu.memory_space<hbm>> -> memref<1x256xf32, #tpu.memory_space<hbm>>
      %dma_start3A_174 = tpu.memref_squeeze %dma_start3A_173 : memref<1x256xf32, #tpu.memory_space<hbm>> -> memref<256xf32, #tpu.memory_space<hbm>>
      %dma_start3A_175 = arith.constant 0 : i32
      %dma_start3A_176 = tpu.memref_slice %arg14[%dma_start3A_175] : memref<272xf32, #tpu.memory_space<vmem>> -> memref<256xf32, #tpu.memory_space<vmem>>
      %dma_start3A_177 = tpu.memref_slice %arg6[%select_n3A, %mul3A_32] : memref<16x512xf32, #tpu.memory_space<hbm>> -> memref<1x256xf32, #tpu.memory_space<hbm>>
      %dma_start3A_178 = tpu.memref_squeeze %dma_start3A_177 : memref<1x256xf32, #tpu.memory_space<hbm>> -> memref<256xf32, #tpu.memory_space<hbm>>
      tpu.enqueue_dma source(%dma_start3A_178 : memref<256xf32, #tpu.memory_space<hbm>>) target(%dma_start3A_176 : memref<256xf32, #tpu.memory_space<vmem>>) target_semaphore(%run_scoped3A : memref<!tpu.dma_semaphore, #tpu.memory_space<semaphore_mem>>)
      %dma_wait3A_179 = arith.constant 0 : i32
      %dma_wait3A_180 = tpu.memref_slice %arg14[%dma_wait3A_179] : memref<272xf32, #tpu.memory_space<vmem>> -> memref<256xf32, #tpu.memory_space<vmem>>
      %dma_wait3A_181 = tpu.memref_slice %arg6[%select_n3A, %mul3A_32] : memref<16x512xf32, #tpu.memory_space<hbm>> -> memref<1x256xf32, #tpu.memory_space<hbm>>
      %dma_wait3A_182 = tpu.memref_squeeze %dma_wait3A_181 : memref<1x256xf32, #tpu.memory_space<hbm>> -> memref<256xf32, #tpu.memory_space<hbm>>
      %dma_wait3A_183 = arith.constant 0 : i32
      %dma_wait3A_184 = tpu.memref_slice %arg14[%dma_wait3A_183] : memref<272xf32, #tpu.memory_space<vmem>> -> memref<256xf32, #tpu.memory_space<vmem>>
      %dma_wait3A_185 = tpu.memref_slice %arg6[%select_n3A, %mul3A_32] : memref<16x512xf32, #tpu.memory_space<hbm>> -> memref<1x256xf32, #tpu.memory_space<hbm>>
      %dma_wait3A_186 = tpu.memref_squeeze %dma_wait3A_185 : memref<1x256xf32, #tpu.memory_space<hbm>> -> memref<256xf32, #tpu.memory_space<hbm>>
      tpu.wait_dma2 semaphore(%run_scoped3A : memref<!tpu.dma_semaphore, #tpu.memory_space<semaphore_mem>>) src(%dma_wait3A_186 : memref<256xf32, #tpu.memory_space<hbm>>) dst(%dma_wait3A_184 : memref<256xf32, #tpu.memory_space<vmem>>)
      tpu.yield
    }) : () -> ()
    "tpu.region"() ({
      %run_scoped3A = tpu.sem_alloc : memref<!tpu.dma_semaphore, #tpu.memory_space<semaphore_mem>>
      %dma_start3A_171 = arith.constant 0 : i32
      %dma_start3A_172 = tpu.memref_slice %arg15[%dma_start3A_171] : memref<272xf32, #tpu.memory_space<vmem>> -> memref<256xf32, #tpu.memory_space<vmem>>
      %dma_start3A_173 = tpu.memref_slice %arg7[%select_n3A, %mul3A_32] : memref<16x512xf32, #tpu.memory_space<hbm>> -> memref<1x256xf32, #tpu.memory_space<hbm>>
      %dma_start3A_174 = tpu.memref_squeeze %dma_start3A_173 : memref<1x256xf32, #tpu.memory_space<hbm>> -> memref<256xf32, #tpu.memory_space<hbm>>
      %dma_start3A_175 = arith.constant 0 : i32
      %dma_start3A_176 = tpu.memref_slice %arg15[%dma_start3A_175] : memref<272xf32, #tpu.memory_space<vmem>> -> memref<256xf32, #tpu.memory_space<vmem>>
      %dma_start3A_177 = tpu.memref_slice %arg7[%select_n3A, %mul3A_32] : memref<16x512xf32, #tpu.memory_space<hbm>> -> memref<1x256xf32, #tpu.memory_space<hbm>>
      %dma_start3A_178 = tpu.memref_squeeze %dma_start3A_177 : memref<1x256xf32, #tpu.memory_space<hbm>> -> memref<256xf32, #tpu.memory_space<hbm>>
      tpu.enqueue_dma source(%dma_start3A_178 : memref<256xf32, #tpu.memory_space<hbm>>) target(%dma_start3A_176 : memref<256xf32, #tpu.memory_space<vmem>>) target_semaphore(%run_scoped3A : memref<!tpu.dma_semaphore, #tpu.memory_space<semaphore_mem>>)
      %dma_wait3A_179 = arith.constant 0 : i32
      %dma_wait3A_180 = tpu.memref_slice %arg15[%dma_wait3A_179] : memref<272xf32, #tpu.memory_space<vmem>> -> memref<256xf32, #tpu.memory_space<vmem>>
      %dma_wait3A_181 = tpu.memref_slice %arg7[%select_n3A, %mul3A_32] : memref<16x512xf32, #tpu.memory_space<hbm>> -> memref<1x256xf32, #tpu.memory_space<hbm>>
      %dma_wait3A_182 = tpu.memref_squeeze %dma_wait3A_181 : memref<1x256xf32, #tpu.memory_space<hbm>> -> memref<256xf32, #tpu.memory_space<hbm>>
      %dma_wait3A_183 = arith.constant 0 : i32
      %dma_wait3A_184 = tpu.memref_slice %arg15[%dma_wait3A_183] : memref<272xf32, #tpu.memory_space<vmem>> -> memref<256xf32, #tpu.memory_space<vmem>>
      %dma_wait3A_185 = tpu.memref_slice %arg7[%select_n3A, %mul3A_32] : memref<16x512xf32, #tpu.memory_space<hbm>> -> memref<1x256xf32, #tpu.memory_space<hbm>>
      %dma_wait3A_186 = tpu.memref_squeeze %dma_wait3A_185 : memref<1x256xf32, #tpu.memory_space<hbm>> -> memref<256xf32, #tpu.memory_space<hbm>>
      tpu.wait_dma2 semaphore(%run_scoped3A : memref<!tpu.dma_semaphore, #tpu.memory_space<semaphore_mem>>) src(%dma_wait3A_186 : memref<256xf32, #tpu.memory_space<hbm>>) dst(%dma_wait3A_184 : memref<256xf32, #tpu.memory_space<vmem>>)
      tpu.yield
    }) : () -> ()
    %iota3A = tpu.iota {dimensions = array<i32: 0>} : vector<16xi32>
    %scan3A = arith.constant 0 : i32
    %scan3A_33 = arith.constant 0 : i32
    %scan3A_34 = arith.constant 64 : i32
    %scan3A_35 = arith.addi %scan3A_33, %scan3A_34 : i32
    %scan3A_36 = arith.constant 1 : i32
    scf.for %scan3A_171 = %scan3A_33 to %scan3A_35 step %scan3A_36  : i32 {
      %rem3A_172 = arith.constant 4 : i32
      %rem3A_173 = arith.remsi %scan3A_171, %rem3A_172 : i32
      %ge3A = arith.constant 4 : i32
      %ge3A_174 = arith.cmpi sge, %scan3A_171, %ge3A : i32
      %convert_element_type3A = arith.extui %ge3A_174 : i1 to i32
      %cond3A = arith.constant 0 : i32
      %cond3A_175 = arith.cmpi ne, %convert_element_type3A, %cond3A : i32
      scf.if %cond3A_175 {
        %mul3A_452 = arith.constant 512 : i32
        %mul3A_453 = arith.muli %select_n3A, %mul3A_452 : i32
        %add3A_454 = arith.addi %mul3A_453, %mul3A_32 : i32
        %mul3A_455 = arith.constant 4 : i32
        %mul3A_456 = arith.muli %scan3A_171, %mul3A_455 : i32
        %add3A_457 = arith.addi %add3A_454, %mul3A_456 : i32
        %mul3A_458 = arith.constant 32 : i32
        %mul3A_459 = arith.muli %add3A_457, %mul3A_458 : i32
        %dma_wait3A_460 = arith.constant 0 : i32
        %dma_wait3A_461 = arith.constant 0 : i32
        %dma_wait3A_462 = tpu.memref_slice %arg18[%rem3A_173, %dma_wait3A_460, %dma_wait3A_461] : memref<4x128x64xf32, #tpu.memory_space<vmem>> -> memref<1x128x64xf32, #tpu.memory_space<vmem>>
        %dma_wait3A_463 = tpu.memref_squeeze %dma_wait3A_462 : memref<1x128x64xf32, #tpu.memory_space<vmem>> -> memref<128x64xf32, #tpu.memory_space<vmem>>
        %dma_wait3A_464 = arith.constant 0 : i32
        %dma_wait3A_465 = tpu.memref_slice %arg9[%mul3A_459, %dma_wait3A_464] : memref<262144x64xf32, #tpu.memory_space<hbm>> -> memref<128x64xf32, #tpu.memory_space<hbm>>
        %dma_wait3A_466 = tpu.memref_slice %arg20[%rem3A_173] : memref<4x!tpu.dma_semaphore, #tpu.memory_space<semaphore_mem>> -> memref<1x!tpu.dma_semaphore, #tpu.memory_space<semaphore_mem>>
        %dma_wait3A_467 = tpu.memref_squeeze %dma_wait3A_466 : memref<1x!tpu.dma_semaphore, #tpu.memory_space<semaphore_mem>> -> memref<!tpu.dma_semaphore, #tpu.memory_space<semaphore_mem>>
        %dma_wait3A_468 = arith.constant 0 : i32
        %dma_wait3A_469 = tpu.memref_slice %arg9[%mul3A_459, %dma_wait3A_468] : memref<262144x64xf32, #tpu.memory_space<hbm>> -> memref<128x64xf32, #tpu.memory_space<hbm>>
        %dma_wait3A_470 = arith.constant 0 : i32
        %dma_wait3A_471 = arith.constant 0 : i32
        %dma_wait3A_472 = tpu.memref_slice %arg18[%rem3A_173, %dma_wait3A_470, %dma_wait3A_471] : memref<4x128x64xf32, #tpu.memory_space<vmem>> -> memref<1x128x64xf32, #tpu.memory_space<vmem>>
        %dma_wait3A_473 = tpu.memref_squeeze %dma_wait3A_472 : memref<1x128x64xf32, #tpu.memory_space<vmem>> -> memref<128x64xf32, #tpu.memory_space<vmem>>
        tpu.wait_dma2 semaphore(%dma_wait3A_467 : memref<!tpu.dma_semaphore, #tpu.memory_space<semaphore_mem>>) src(%dma_wait3A_473 : memref<128x64xf32, #tpu.memory_space<vmem>>) dst(%dma_wait3A_469 : memref<128x64xf32, #tpu.memory_space<hbm>>)
      } else {
      }
      %mul3A_176 = arith.constant 4 : i32
      %mul3A_177 = arith.muli %scan3A_171, %mul3A_176 : i32
      %add3A_178 = arith.constant 0 : i32
      %add3A_179 = arith.addi %mul3A_177, %add3A_178 : i32
      %get3A = arith.index_cast %add3A_179 : i32 to index
      %get3A_180 = tpu.vector_load %arg13[%get3A] {strides = array<i32>} : memref<272xf32, #tpu.memory_space<vmem>>, vector<16xf32>,
      %get3A_181 = vector.shape_cast %get3A_180 : vector<16xf32> to vector<16xf32>
      %slice3A = vector.extract_strided_slice %get3A_181 {offsets = [0], sizes = [1], strides = [1]} : vector<16xf32> to vector<1xf32>
      %squeeze3A = vector.extract %slice3A[0] : f32 from vector<1xf32>
      %add3A_182 = arith.constant 0 : i32
      %add3A_183 = arith.addi %mul3A_177, %add3A_182 : i32
      %get3A_184 = arith.index_cast %add3A_183 : i32 to index
      %get3A_185 = tpu.vector_load %arg14[%get3A_184] {strides = array<i32>} : memref<272xf32, #tpu.memory_space<vmem>>, vector<16xf32>,
      %get3A_186 = vector.shape_cast %get3A_185 : vector<16xf32> to vector<16xf32>
      %slice3A_187 = vector.extract_strided_slice %get3A_186 {offsets = [0], sizes = [1], strides = [1]} : vector<16xf32> to vector<1xf32>
      %squeeze3A_188 = vector.extract %slice3A_187[0] : f32 from vector<1xf32>
      %add3A_189 = arith.constant 0 : i32
      %add3A_190 = arith.addi %mul3A_177, %add3A_189 : i32
      %get3A_191 = arith.index_cast %add3A_190 : i32 to index
      %get3A_192 = tpu.vector_load %arg15[%get3A_191] {strides = array<i32>} : memref<272xf32, #tpu.memory_space<vmem>>, vector<16xf32>,
      %get3A_193 = vector.shape_cast %get3A_192 : vector<16xf32> to vector<16xf32>
      %slice3A_194 = vector.extract_strided_slice %get3A_193 {offsets = [0], sizes = [1], strides = [1]} : vector<16xf32> to vector<1xf32>
      %squeeze3A_195 = vector.extract %slice3A_194[0] : f32 from vector<1xf32>
      %add3A_196 = arith.constant 1 : i32
      %add3A_197 = arith.addi %mul3A_177, %add3A_196 : i32
      %get3A_198 = arith.index_cast %add3A_197 : i32 to index
      %get3A_199 = tpu.vector_load %arg13[%get3A_198] {strides = array<i32>} : memref<272xf32, #tpu.memory_space<vmem>>, vector<16xf32>,
      %get3A_200 = vector.shape_cast %get3A_199 : vector<16xf32> to vector<16xf32>
      %slice3A_201 = vector.extract_strided_slice %get3A_200 {offsets = [0], sizes = [1], strides = [1]} : vector<16xf32> to vector<1xf32>
      %squeeze3A_202 = vector.extract %slice3A_201[0] : f32 from vector<1xf32>
      %add3A_203 = arith.constant 1 : i32
      %add3A_204 = arith.addi %mul3A_177, %add3A_203 : i32
      %get3A_205 = arith.index_cast %add3A_204 : i32 to index
      %get3A_206 = tpu.vector_load %arg14[%get3A_205] {strides = array<i32>} : memref<272xf32, #tpu.memory_space<vmem>>, vector<16xf32>,
      %get3A_207 = vector.shape_cast %get3A_206 : vector<16xf32> to vector<16xf32>
      %slice3A_208 = vector.extract_strided_slice %get3A_207 {offsets = [0], sizes = [1], strides = [1]} : vector<16xf32> to vector<1xf32>
      %squeeze3A_209 = vector.extract %slice3A_208[0] : f32 from vector<1xf32>
      %add3A_210 = arith.constant 1 : i32
      %add3A_211 = arith.addi %mul3A_177, %add3A_210 : i32
      %get3A_212 = arith.index_cast %add3A_211 : i32 to index
      %get3A_213 = tpu.vector_load %arg15[%get3A_212] {strides = array<i32>} : memref<272xf32, #tpu.memory_space<vmem>>, vector<16xf32>,
      %get3A_214 = vector.shape_cast %get3A_213 : vector<16xf32> to vector<16xf32>
      %slice3A_215 = vector.extract_strided_slice %get3A_214 {offsets = [0], sizes = [1], strides = [1]} : vector<16xf32> to vector<1xf32>
      %squeeze3A_216 = vector.extract %slice3A_215[0] : f32 from vector<1xf32>
      %add3A_217 = arith.constant 2 : i32
      %add3A_218 = arith.addi %mul3A_177, %add3A_217 : i32
      %get3A_219 = arith.index_cast %add3A_218 : i32 to index
      %get3A_220 = tpu.vector_load %arg13[%get3A_219] {strides = array<i32>} : memref<272xf32, #tpu.memory_space<vmem>>, vector<16xf32>,
      %get3A_221 = vector.shape_cast %get3A_220 : vector<16xf32> to vector<16xf32>
      %slice3A_222 = vector.extract_strided_slice %get3A_221 {offsets = [0], sizes = [1], strides = [1]} : vector<16xf32> to vector<1xf32>
      %squeeze3A_223 = vector.extract %slice3A_222[0] : f32 from vector<1xf32>
      %add3A_224 = arith.constant 2 : i32
      %add3A_225 = arith.addi %mul3A_177, %add3A_224 : i32
      %get3A_226 = arith.index_cast %add3A_225 : i32 to index
      %get3A_227 = tpu.vector_load %arg14[%get3A_226] {strides = array<i32>} : memref<272xf32, #tpu.memory_space<vmem>>, vector<16xf32>,
      %get3A_228 = vector.shape_cast %get3A_227 : vector<16xf32> to vector<16xf32>
      %slice3A_229 = vector.extract_strided_slice %get3A_228 {offsets = [0], sizes = [1], strides = [1]} : vector<16xf32> to vector<1xf32>
      %squeeze3A_230 = vector.extract %slice3A_229[0] : f32 from vector<1xf32>
      %add3A_231 = arith.constant 2 : i32
      %add3A_232 = arith.addi %mul3A_177, %add3A_231 : i32
      %get3A_233 = arith.index_cast %add3A_232 : i32 to index
      %get3A_234 = tpu.vector_load %arg15[%get3A_233] {strides = array<i32>} : memref<272xf32, #tpu.memory_space<vmem>>, vector<16xf32>,
      %get3A_235 = vector.shape_cast %get3A_234 : vector<16xf32> to vector<16xf32>
      %slice3A_236 = vector.extract_strided_slice %get3A_235 {offsets = [0], sizes = [1], strides = [1]} : vector<16xf32> to vector<1xf32>
      %squeeze3A_237 = vector.extract %slice3A_236[0] : f32 from vector<1xf32>
      %add3A_238 = arith.constant 3 : i32
      %add3A_239 = arith.addi %mul3A_177, %add3A_238 : i32
      %get3A_240 = arith.index_cast %add3A_239 : i32 to index
      %get3A_241 = tpu.vector_load %arg13[%get3A_240] {strides = array<i32>} : memref<272xf32, #tpu.memory_space<vmem>>, vector<16xf32>,
      %get3A_242 = vector.shape_cast %get3A_241 : vector<16xf32> to vector<16xf32>
      %slice3A_243 = vector.extract_strided_slice %get3A_242 {offsets = [0], sizes = [1], strides = [1]} : vector<16xf32> to vector<1xf32>
      %squeeze3A_244 = vector.extract %slice3A_243[0] : f32 from vector<1xf32>
      %add3A_245 = arith.constant 3 : i32
      %add3A_246 = arith.addi %mul3A_177, %add3A_245 : i32
      %get3A_247 = arith.index_cast %add3A_246 : i32 to index
      %get3A_248 = tpu.vector_load %arg14[%get3A_247] {strides = array<i32>} : memref<272xf32, #tpu.memory_space<vmem>>, vector<16xf32>,
      %get3A_249 = vector.shape_cast %get3A_248 : vector<16xf32> to vector<16xf32>
      %slice3A_250 = vector.extract_strided_slice %get3A_249 {offsets = [0], sizes = [1], strides = [1]} : vector<16xf32> to vector<1xf32>
      %squeeze3A_251 = vector.extract %slice3A_250[0] : f32 from vector<1xf32>
      %add3A_252 = arith.constant 3 : i32
      %add3A_253 = arith.addi %mul3A_177, %add3A_252 : i32
      %get3A_254 = arith.index_cast %add3A_253 : i32 to index
      %get3A_255 = tpu.vector_load %arg15[%get3A_254] {strides = array<i32>} : memref<272xf32, #tpu.memory_space<vmem>>, vector<16xf32>,
      %get3A_256 = vector.shape_cast %get3A_255 : vector<16xf32> to vector<16xf32>
      %slice3A_257 = vector.extract_strided_slice %get3A_256 {offsets = [0], sizes = [1], strides = [1]} : vector<16xf32> to vector<1xf32>
      %squeeze3A_258 = vector.extract %slice3A_257[0] : f32 from vector<1xf32>
      %scan3A_259 = arith.constant 0 : i32
      %scan3A_260 = arith.constant 0 : i32
      %scan3A_261 = arith.constant 0 : i32
      %scan3A_262 = arith.constant 0 : i32
      %scan3A_263 = arith.constant 0 : i32
      %scan3A_264 = arith.constant 16 : i32
      %scan3A_265 = arith.addi %scan3A_263, %scan3A_264 : i32
      %scan3A_266 = arith.constant 1 : i32
      %scan3A_267:4 = scf.for %scan3A_452 = %scan3A_263 to %scan3A_265 step %scan3A_266 iter_args(%scan3A_453 = %scan3A_259, %scan3A_454 = %scan3A_260, %scan3A_455 = %scan3A_261, %scan3A_456 = %scan3A_262) -> (i32, i32, i32, i32)  : i32 {
        %min3A = arith.minsi %scan3A_453, %scan3A_454 : i32
        %min3A_457 = arith.minsi %scan3A_455, %scan3A_456 : i32
        %min3A_458 = arith.minsi %min3A, %min3A_457 : i32
        %lt3A_459 = arith.constant 32 : i32
        %lt3A_460 = arith.cmpi slt, %min3A_458, %lt3A_459 : i32
        %convert_element_type3A_461 = arith.extui %lt3A_460 : i1 to i32
        %cond3A_462 = arith.constant 0 : i32
        %cond3A_463 = arith.cmpi ne, %convert_element_type3A_461, %cond3A_462 : i32
        %cond3A_464:4 = scf.if %cond3A_463 -> (i32, i32, i32, i32) {
          %scan3A_465 = arith.constant 0 : i32
          %scan3A_466 = arith.constant 16 : i32
          %scan3A_467 = arith.addi %scan3A_465, %scan3A_466 : i32
          %scan3A_468 = arith.constant 1 : i32
          %scan3A_469:4 = scf.for %scan3A_471 = %scan3A_465 to %scan3A_467 step %scan3A_468 iter_args(%scan3A_472 = %scan3A_453, %scan3A_473 = %scan3A_454, %scan3A_474 = %scan3A_455, %scan3A_475 = %scan3A_456) -> (i32, i32, i32, i32)  : i32 {
            %mul3A_476 = arith.constant 256 : i32
            %mul3A_477 = arith.muli %scan3A_452, %mul3A_476 : i32
            %mul3A_478 = arith.constant 16 : i32
            %mul3A_479 = arith.muli %scan3A_471, %mul3A_478 : i32
            %add3A_480 = arith.addi %mul3A_477, %mul3A_479 : i32
            %get3A_481 = arith.index_cast %add3A_480 : i32 to index
            %get3A_482 = tpu.vector_load %arg10[%get3A_481] {strides = array<i32>} : memref<4096xf32, #tpu.memory_space<vmem>>, vector<16xf32>,
            %get3A_483 = vector.shape_cast %get3A_482 : vector<16xf32> to vector<16xf32>
            %get3A_484 = arith.index_cast %add3A_480 : i32 to index
            %get3A_485 = tpu.vector_load %arg11[%get3A_484] {strides = array<i32>} : memref<4096xf32, #tpu.memory_space<vmem>>, vector<16xf32>,
            %get3A_486 = vector.shape_cast %get3A_485 : vector<16xf32> to vector<16xf32>
            %get3A_487 = arith.index_cast %add3A_480 : i32 to index
            %get3A_488 = tpu.vector_load %arg12[%get3A_487] {strides = array<i32>} : memref<4096xf32, #tpu.memory_space<vmem>>, vector<16xf32>,
            %get3A_489 = vector.shape_cast %get3A_488 : vector<16xf32> to vector<16xf32>
            %sub3A_490 = vector.broadcast %squeeze3A : f32 to vector<16xf32>
            %sub3A_491 = arith.subf %get3A_483, %sub3A_490 : vector<16xf32>
            %sub3A_492 = vector.broadcast %squeeze3A_188 : f32 to vector<16xf32>
            %sub3A_493 = arith.subf %get3A_486, %sub3A_492 : vector<16xf32>
            %sub3A_494 = vector.broadcast %squeeze3A_195 : f32 to vector<16xf32>
            %sub3A_495 = arith.subf %get3A_489, %sub3A_494 : vector<16xf32>
            %mul3A_496 = arith.mulf %sub3A_491, %sub3A_491 : vector<16xf32>
            %mul3A_497 = arith.mulf %sub3A_493, %sub3A_493 : vector<16xf32>
            %add3A_498 = arith.addf %mul3A_496, %mul3A_497 : vector<16xf32>
            %mul3A_499 = arith.mulf %sub3A_495, %sub3A_495 : vector<16xf32>
            %add3A_500 = arith.addf %add3A_498, %mul3A_499 : vector<16xf32>
            %le3A = arith.constant 4.000000e-02 : f32
            %le3A_501 = vector.broadcast %le3A : f32 to vector<16xf32>
            %le3A_502 = arith.cmpf ole, %add3A_500, %le3A_501 : vector<16xf32>
            %jit3A_503 = arith.constant 1 : i32
            %jit3A_504 = arith.constant 0 : i32
            %broadcast_in_dim3A_505 = vector.broadcast %jit3A_503 : i32 to vector<16xi32>
            %broadcast_in_dim3A_506 = vector.broadcast %jit3A_504 : i32 to vector<16xi32>
            %select_n3A_507 = arith.select %le3A_502, %broadcast_in_dim3A_505, %broadcast_in_dim3A_506 : vector<16xi1>, vector<16xi32>
            %ge3A_508 = arith.constant 1 : i32
            %ge3A_509 = vector.broadcast %ge3A_508 : i32 to vector<16xi32>
            %ge3A_510 = arith.cmpi sge, %iota3A, %ge3A_509 : vector<16xi32>
            %sub3A_511 = arith.constant 1 : i32
            %sub3A_512 = vector.broadcast %sub3A_511 : i32 to vector<16xi32>
            %sub3A_513 = arith.subi %iota3A, %sub3A_512 : vector<16xi32>
            %max3A = arith.constant 0 : i32
            %max3A_514 = vector.broadcast %max3A : i32 to vector<16xi32>
            %max3A_515 = arith.maxsi %sub3A_513, %max3A_514 : vector<16xi32>
            %lt3A_516 = arith.constant 0 : i32
            %lt3A_517 = vector.broadcast %lt3A_516 : i32 to vector<16xi32>
            %lt3A_518 = arith.cmpi slt, %max3A_515, %lt3A_517 : vector<16xi32>
            %add3A_519 = arith.constant 16 : i32
            %add3A_520 = vector.broadcast %add3A_519 : i32 to vector<16xi32>
            %add3A_521 = arith.addi %max3A_515, %add3A_520 : vector<16xi32>
            %select_n3A_522 = arith.select %lt3A_518, %add3A_521, %max3A_515 : vector<16xi1>, vector<16xi32>
            %broadcast_in_dim3A_523 = vector.shape_cast %select_n3A_522 : vector<16xi32> to vector<16x1xi32>
            %gather3A = vector.shape_cast %broadcast_in_dim3A_523 : vector<16x1xi32> to vector<16xi32>
            %gather3A_524 = tpu.dynamic_gather %select_n3A_507[%gather3A] in [0] : vector<16xi32>, vector<16xi32> -> vector<16xi32>
            %jit3A_525 = arith.constant 0 : i32
            %broadcast_in_dim3A_526 = vector.broadcast %jit3A_525 : i32 to vector<16xi32>
            %select_n3A_527 = arith.select %ge3A_510, %gather3A_524, %broadcast_in_dim3A_526 : vector<16xi1>, vector<16xi32>
            %add3A_528 = arith.addi %select_n3A_507, %select_n3A_527 : vector<16xi32>
            %ge3A_529 = arith.constant 2 : i32
            %ge3A_530 = vector.broadcast %ge3A_529 : i32 to vector<16xi32>
            %ge3A_531 = arith.cmpi sge, %iota3A, %ge3A_530 : vector<16xi32>
            %sub3A_532 = arith.constant 2 : i32
            %sub3A_533 = vector.broadcast %sub3A_532 : i32 to vector<16xi32>
            %sub3A_534 = arith.subi %iota3A, %sub3A_533 : vector<16xi32>
            %max3A_535 = arith.constant 0 : i32
            %max3A_536 = vector.broadcast %max3A_535 : i32 to vector<16xi32>
            %max3A_537 = arith.maxsi %sub3A_534, %max3A_536 : vector<16xi32>
            %lt3A_538 = arith.constant 0 : i32
            %lt3A_539 = vector.broadcast %lt3A_538 : i32 to vector<16xi32>
            %lt3A_540 = arith.cmpi slt, %max3A_537, %lt3A_539 : vector<16xi32>
            %add3A_541 = arith.constant 16 : i32
            %add3A_542 = vector.broadcast %add3A_541 : i32 to vector<16xi32>
            %add3A_543 = arith.addi %max3A_537, %add3A_542 : vector<16xi32>
            %select_n3A_544 = arith.select %lt3A_540, %add3A_543, %max3A_537 : vector<16xi1>, vector<16xi32>
            %broadcast_in_dim3A_545 = vector.shape_cast %select_n3A_544 : vector<16xi32> to vector<16x1xi32>
            %gather3A_546 = vector.shape_cast %broadcast_in_dim3A_545 : vector<16x1xi32> to vector<16xi32>
            %gather3A_547 = tpu.dynamic_gather %add3A_528[%gather3A_546] in [0] : vector<16xi32>, vector<16xi32> -> vector<16xi32>
            %jit3A_548 = arith.constant 0 : i32
            %broadcast_in_dim3A_549 = vector.broadcast %jit3A_548 : i32 to vector<16xi32>
            %select_n3A_550 = arith.select %ge3A_531, %gather3A_547, %broadcast_in_dim3A_549 : vector<16xi1>, vector<16xi32>
            %add3A_551 = arith.addi %add3A_528, %select_n3A_550 : vector<16xi32>
            %ge3A_552 = arith.constant 4 : i32
            %ge3A_553 = vector.broadcast %ge3A_552 : i32 to vector<16xi32>
            %ge3A_554 = arith.cmpi sge, %iota3A, %ge3A_553 : vector<16xi32>
            %sub3A_555 = arith.constant 4 : i32
            %sub3A_556 = vector.broadcast %sub3A_555 : i32 to vector<16xi32>
            %sub3A_557 = arith.subi %iota3A, %sub3A_556 : vector<16xi32>
            %max3A_558 = arith.constant 0 : i32
            %max3A_559 = vector.broadcast %max3A_558 : i32 to vector<16xi32>
            %max3A_560 = arith.maxsi %sub3A_557, %max3A_559 : vector<16xi32>
            %lt3A_561 = arith.constant 0 : i32
            %lt3A_562 = vector.broadcast %lt3A_561 : i32 to vector<16xi32>
            %lt3A_563 = arith.cmpi slt, %max3A_560, %lt3A_562 : vector<16xi32>
            %add3A_564 = arith.constant 16 : i32
            %add3A_565 = vector.broadcast %add3A_564 : i32 to vector<16xi32>
            %add3A_566 = arith.addi %max3A_560, %add3A_565 : vector<16xi32>
            %select_n3A_567 = arith.select %lt3A_563, %add3A_566, %max3A_560 : vector<16xi1>, vector<16xi32>
            %broadcast_in_dim3A_568 = vector.shape_cast %select_n3A_567 : vector<16xi32> to vector<16x1xi32>
            %gather3A_569 = vector.shape_cast %broadcast_in_dim3A_568 : vector<16x1xi32> to vector<16xi32>
            %gather3A_570 = tpu.dynamic_gather %add3A_551[%gather3A_569] in [0] : vector<16xi32>, vector<16xi32> -> vector<16xi32>
            %jit3A_571 = arith.constant 0 : i32
            %broadcast_in_dim3A_572 = vector.broadcast %jit3A_571 : i32 to vector<16xi32>
            %select_n3A_573 = arith.select %ge3A_554, %gather3A_570, %broadcast_in_dim3A_572 : vector<16xi1>, vector<16xi32>
            %add3A_574 = arith.addi %add3A_551, %select_n3A_573 : vector<16xi32>
            %ge3A_575 = arith.constant 8 : i32
            %ge3A_576 = vector.broadcast %ge3A_575 : i32 to vector<16xi32>
            %ge3A_577 = arith.cmpi sge, %iota3A, %ge3A_576 : vector<16xi32>
            %sub3A_578 = arith.constant 8 : i32
            %sub3A_579 = vector.broadcast %sub3A_578 : i32 to vector<16xi32>
            %sub3A_580 = arith.subi %iota3A, %sub3A_579 : vector<16xi32>
            %max3A_581 = arith.constant 0 : i32
            %max3A_582 = vector.broadcast %max3A_581 : i32 to vector<16xi32>
            %max3A_583 = arith.maxsi %sub3A_580, %max3A_582 : vector<16xi32>
            %lt3A_584 = arith.constant 0 : i32
            %lt3A_585 = vector.broadcast %lt3A_584 : i32 to vector<16xi32>
            %lt3A_586 = arith.cmpi slt, %max3A_583, %lt3A_585 : vector<16xi32>
            %add3A_587 = arith.constant 16 : i32
            %add3A_588 = vector.broadcast %add3A_587 : i32 to vector<16xi32>
            %add3A_589 = arith.addi %max3A_583, %add3A_588 : vector<16xi32>
            %select_n3A_590 = arith.select %lt3A_586, %add3A_589, %max3A_583 : vector<16xi1>, vector<16xi32>
            %broadcast_in_dim3A_591 = vector.shape_cast %select_n3A_590 : vector<16xi32> to vector<16x1xi32>
            %gather3A_592 = vector.shape_cast %broadcast_in_dim3A_591 : vector<16x1xi32> to vector<16xi32>
            %gather3A_593 = tpu.dynamic_gather %add3A_574[%gather3A_592] in [0] : vector<16xi32>, vector<16xi32> -> vector<16xi32>
            %jit3A_594 = arith.constant 0 : i32
            %broadcast_in_dim3A_595 = vector.broadcast %jit3A_594 : i32 to vector<16xi32>
            %select_n3A_596 = arith.select %ge3A_577, %gather3A_593, %broadcast_in_dim3A_595 : vector<16xi1>, vector<16xi32>
            %add3A_597 = arith.addi %add3A_574, %select_n3A_596 : vector<16xi32>
            %broadcast_in_dim3A_598 = arith.constant 0 : i32
            %broadcast_in_dim3A_599 = vector.broadcast %broadcast_in_dim3A_598 : i32 to vector<16xi32>
            %add3A_600 = arith.constant 7 : i32
            %add3A_601 = vector.broadcast %add3A_600 : i32 to vector<16xi32>
            %add3A_602 = arith.addi %broadcast_in_dim3A_599, %add3A_601 : vector<16xi32>
            %lt3A_603 = arith.constant 0 : i32
            %lt3A_604 = vector.broadcast %lt3A_603 : i32 to vector<16xi32>
            %lt3A_605 = arith.cmpi slt, %add3A_602, %lt3A_604 : vector<16xi32>
            %add3A_606 = arith.constant 16 : i32
            %add3A_607 = vector.broadcast %add3A_606 : i32 to vector<16xi32>
            %add3A_608 = arith.addi %add3A_602, %add3A_607 : vector<16xi32>
            %select_n3A_609 = arith.select %lt3A_605, %add3A_608, %add3A_602 : vector<16xi1>, vector<16xi32>
            %broadcast_in_dim3A_610 = vector.shape_cast %select_n3A_609 : vector<16xi32> to vector<16x1xi32>
            %gather3A_611 = vector.shape_cast %broadcast_in_dim3A_610 : vector<16x1xi32> to vector<16xi32>
            %gather3A_612 = tpu.dynamic_gather %add3A_597[%gather3A_611] in [0] : vector<16xi32>, vector<16xi32> -> vector<16xi32>
            %le3A_613 = arith.cmpi sle, %gather3A_612, %iota3A : vector<16xi32>
            %add3A_614 = arith.constant 8 : i32
            %add3A_615 = vector.broadcast %add3A_614 : i32 to vector<16xi32>
            %add3A_616 = arith.addi %broadcast_in_dim3A_599, %add3A_615 : vector<16xi32>
            %select_n3A_617 = arith.select %le3A_613, %add3A_616, %broadcast_in_dim3A_599 : vector<16xi1>, vector<16xi32>
            %add3A_618 = arith.constant 3 : i32
            %add3A_619 = vector.broadcast %add3A_618 : i32 to vector<16xi32>
            %add3A_620 = arith.addi %select_n3A_617, %add3A_619 : vector<16xi32>
            %lt3A_621 = arith.constant 0 : i32
            %lt3A_622 = vector.broadcast %lt3A_621 : i32 to vector<16xi32>
            %lt3A_623 = arith.cmpi slt, %add3A_620, %lt3A_622 : vector<16xi32>
            %add3A_624 = arith.constant 16 : i32
            %add3A_625 = vector.broadcast %add3A_624 : i32 to vector<16xi32>
            %add3A_626 = arith.addi %add3A_620, %add3A_625 : vector<16xi32>
            %select_n3A_627 = arith.select %lt3A_623, %add3A_626, %add3A_620 : vector<16xi1>, vector<16xi32>
            %broadcast_in_dim3A_628 = vector.shape_cast %select_n3A_627 : vector<16xi32> to vector<16x1xi32>
            %gather3A_629 = vector.shape_cast %broadcast_in_dim3A_628 : vector<16x1xi32> to vector<16xi32>
            %gather3A_630 = tpu.dynamic_gather %add3A_597[%gather3A_629] in [0] : vector<16xi32>, vector<16xi32> -> vector<16xi32>
            %le3A_631 = arith.cmpi sle, %gather3A_630, %iota3A : vector<16xi32>
            %add3A_632 = arith.constant 4 : i32
            %add3A_633 = vector.broadcast %add3A_632 : i32 to vector<16xi32>
            %add3A_634 = arith.addi %select_n3A_617, %add3A_633 : vector<16xi32>
            %select_n3A_635 = arith.select %le3A_631, %add3A_634, %select_n3A_617 : vector<16xi1>, vector<16xi32>
            %add3A_636 = arith.constant 1 : i32
            %add3A_637 = vector.broadcast %add3A_636 : i32 to vector<16xi32>
            %add3A_638 = arith.addi %select_n3A_635, %add3A_637 : vector<16xi32>
            %lt3A_639 = arith.constant 0 : i32
            %lt3A_640 = vector.broadcast %lt3A_639 : i32 to vector<16xi32>
            %lt3A_641 = arith.cmpi slt, %add3A_638, %lt3A_640 : vector<16xi32>
            %add3A_642 = arith.constant 16 : i32
            %add3A_643 = vector.broadcast %add3A_642 : i32 to vector<16xi32>
            %add3A_644 = arith.addi %add3A_638, %add3A_643 : vector<16xi32>
            %select_n3A_645 = arith.select %lt3A_641, %add3A_644, %add3A_638 : vector<16xi1>, vector<16xi32>
            %broadcast_in_dim3A_646 = vector.shape_cast %select_n3A_645 : vector<16xi32> to vector<16x1xi32>
            %gather3A_647 = vector.shape_cast %broadcast_in_dim3A_646 : vector<16x1xi32> to vector<16xi32>
            %gather3A_648 = tpu.dynamic_gather %add3A_597[%gather3A_647] in [0] : vector<16xi32>, vector<16xi32> -> vector<16xi32>
            %le3A_649 = arith.cmpi sle, %gather3A_648, %iota3A : vector<16xi32>
            %add3A_650 = arith.constant 2 : i32
            %add3A_651 = vector.broadcast %add3A_650 : i32 to vector<16xi32>
            %add3A_652 = arith.addi %select_n3A_635, %add3A_651 : vector<16xi32>
            %select_n3A_653 = arith.select %le3A_649, %add3A_652, %select_n3A_635 : vector<16xi1>, vector<16xi32>
            %add3A_654 = arith.constant 0 : i32
            %add3A_655 = vector.broadcast %add3A_654 : i32 to vector<16xi32>
            %add3A_656 = arith.addi %select_n3A_653, %add3A_655 : vector<16xi32>
            %lt3A_657 = arith.constant 0 : i32
            %lt3A_658 = vector.broadcast %lt3A_657 : i32 to vector<16xi32>
            %lt3A_659 = arith.cmpi slt, %add3A_656, %lt3A_658 : vector<16xi32>
            %add3A_660 = arith.constant 16 : i32
            %add3A_661 = vector.broadcast %add3A_660 : i32 to vector<16xi32>
            %add3A_662 = arith.addi %add3A_656, %add3A_661 : vector<16xi32>
            %select_n3A_663 = arith.select %lt3A_659, %add3A_662, %add3A_656 : vector<16xi1>, vector<16xi32>
            %broadcast_in_dim3A_664 = vector.shape_cast %select_n3A_663 : vector<16xi32> to vector<16x1xi32>
            %gather3A_665 = vector.shape_cast %broadcast_in_dim3A_664 : vector<16x1xi32> to vector<16xi32>
            %gather3A_666 = tpu.dynamic_gather %add3A_597[%gather3A_665] in [0] : vector<16xi32>, vector<16xi32> -> vector<16xi32>
            %le3A_667 = arith.cmpi sle, %gather3A_666, %iota3A : vector<16xi32>
            %add3A_668 = arith.constant 1 : i32
            %add3A_669 = vector.broadcast %add3A_668 : i32 to vector<16xi32>
            %add3A_670 = arith.addi %select_n3A_653, %add3A_669 : vector<16xi32>
            %select_n3A_671 = arith.select %le3A_667, %add3A_670, %select_n3A_653 : vector<16xi1>, vector<16xi32>
            %add3A_672 = vector.broadcast %add3A_480 : i32 to vector<16xi32>
            %add3A_673 = arith.addi %add3A_672, %select_n3A_671 : vector<16xi32>
            %min3A_674 = arith.constant 287 : i32
            %min3A_675 = arith.minsi %scan3A_472, %min3A_674 : i32
            %swap3A_676 = arith.constant 0 : i32
            %swap3A_677 = arith.index_cast %swap3A_676 : i32 to index
            %swap3A_678 = arith.index_cast %min3A_675 : i32 to index
            %swap3A_679 = tpu.vector_load %arg16[%swap3A_677, %swap3A_678] {strides = array<i32>} : memref<4x303xi32, #tpu.memory_space<vmem>>, vector<1x16xi32>,
            %swap3A_680 = vector.shape_cast %swap3A_679 : vector<1x16xi32> to vector<16xi32>
            %swap3A_681 = vector.shape_cast %add3A_673 : vector<16xi32> to vector<1x16xi32>
            tpu.vector_store %arg16[%swap3A_677, %swap3A_678], %swap3A_681 {strides = array<i32>} : memref<4x303xi32, #tpu.memory_space<vmem>>, vector<1x16xi32>,
            %slice3A_682 = vector.extract_strided_slice %add3A_597 {offsets = [15], sizes = [1], strides = [1]} : vector<16xi32> to vector<1xi32>
            %squeeze3A_683 = vector.extract %slice3A_682[0] : i32 from vector<1xi32>
            %add3A_684 = arith.addi %scan3A_472, %squeeze3A_683 : i32
            %sub3A_685 = vector.broadcast %squeeze3A_202 : f32 to vector<16xf32>
            %sub3A_686 = arith.subf %get3A_483, %sub3A_685 : vector<16xf32>
            %sub3A_687 = vector.broadcast %squeeze3A_209 : f32 to vector<16xf32>
            %sub3A_688 = arith.subf %get3A_486, %sub3A_687 : vector<16xf32>
            %sub3A_689 = vector.broadcast %squeeze3A_216 : f32 to vector<16xf32>
            %sub3A_690 = arith.subf %get3A_489, %sub3A_689 : vector<16xf32>
            %mul3A_691 = arith.mulf %sub3A_686, %sub3A_686 : vector<16xf32>
            %mul3A_692 = arith.mulf %sub3A_688, %sub3A_688 : vector<16xf32>
            %add3A_693 = arith.addf %mul3A_691, %mul3A_692 : vector<16xf32>
            %mul3A_694 = arith.mulf %sub3A_690, %sub3A_690 : vector<16xf32>
            %add3A_695 = arith.addf %add3A_693, %mul3A_694 : vector<16xf32>
            %le3A_696 = arith.constant 4.000000e-02 : f32
            %le3A_697 = vector.broadcast %le3A_696 : f32 to vector<16xf32>
            %le3A_698 = arith.cmpf ole, %add3A_695, %le3A_697 : vector<16xf32>
            %jit3A_699 = arith.constant 1 : i32
            %jit3A_700 = arith.constant 0 : i32
            %broadcast_in_dim3A_701 = vector.broadcast %jit3A_699 : i32 to vector<16xi32>
            %broadcast_in_dim3A_702 = vector.broadcast %jit3A_700 : i32 to vector<16xi32>
            %select_n3A_703 = arith.select %le3A_698, %broadcast_in_dim3A_701, %broadcast_in_dim3A_702 : vector<16xi1>, vector<16xi32>
            %ge3A_704 = arith.constant 1 : i32
            %ge3A_705 = vector.broadcast %ge3A_704 : i32 to vector<16xi32>
            %ge3A_706 = arith.cmpi sge, %iota3A, %ge3A_705 : vector<16xi32>
            %sub3A_707 = arith.constant 1 : i32
            %sub3A_708 = vector.broadcast %sub3A_707 : i32 to vector<16xi32>
            %sub3A_709 = arith.subi %iota3A, %sub3A_708 : vector<16xi32>
            %max3A_710 = arith.constant 0 : i32
            %max3A_711 = vector.broadcast %max3A_710 : i32 to vector<16xi32>
            %max3A_712 = arith.maxsi %sub3A_709, %max3A_711 : vector<16xi32>
            %lt3A_713 = arith.constant 0 : i32
            %lt3A_714 = vector.broadcast %lt3A_713 : i32 to vector<16xi32>
            %lt3A_715 = arith.cmpi slt, %max3A_712, %lt3A_714 : vector<16xi32>
            %add3A_716 = arith.constant 16 : i32
            %add3A_717 = vector.broadcast %add3A_716 : i32 to vector<16xi32>
            %add3A_718 = arith.addi %max3A_712, %add3A_717 : vector<16xi32>
            %select_n3A_719 = arith.select %lt3A_715, %add3A_718, %max3A_712 : vector<16xi1>, vector<16xi32>
            %broadcast_in_dim3A_720 = vector.shape_cast %select_n3A_719 : vector<16xi32> to vector<16x1xi32>
            %gather3A_721 = vector.shape_cast %broadcast_in_dim3A_720 : vector<16x1xi32> to vector<16xi32>
            %gather3A_722 = tpu.dynamic_gather %select_n3A_703[%gather3A_721] in [0] : vector<16xi32>, vector<16xi32> -> vector<16xi32>
            %jit3A_723 = arith.constant 0 : i32
            %broadcast_in_dim3A_724 = vector.broadcast %jit3A_723 : i32 to vector<16xi32>
            %select_n3A_725 = arith.select %ge3A_706, %gather3A_722, %broadcast_in_dim3A_724 : vector<16xi1>, vector<16xi32>
            %add3A_726 = arith.addi %select_n3A_703, %select_n3A_725 : vector<16xi32>
            %ge3A_727 = arith.constant 2 : i32
            %ge3A_728 = vector.broadcast %ge3A_727 : i32 to vector<16xi32>
            %ge3A_729 = arith.cmpi sge, %iota3A, %ge3A_728 : vector<16xi32>
            %sub3A_730 = arith.constant 2 : i32
            %sub3A_731 = vector.broadcast %sub3A_730 : i32 to vector<16xi32>
            %sub3A_732 = arith.subi %iota3A, %sub3A_731 : vector<16xi32>
            %max3A_733 = arith.constant 0 : i32
            %max3A_734 = vector.broadcast %max3A_733 : i32 to vector<16xi32>
            %max3A_735 = arith.maxsi %sub3A_732, %max3A_734 : vector<16xi32>
            %lt3A_736 = arith.constant 0 : i32
            %lt3A_737 = vector.broadcast %lt3A_736 : i32 to vector<16xi32>
            %lt3A_738 = arith.cmpi slt, %max3A_735, %lt3A_737 : vector<16xi32>
            %add3A_739 = arith.constant 16 : i32
            %add3A_740 = vector.broadcast %add3A_739 : i32 to vector<16xi32>
            %add3A_741 = arith.addi %max3A_735, %add3A_740 : vector<16xi32>
            %select_n3A_742 = arith.select %lt3A_738, %add3A_741, %max3A_735 : vector<16xi1>, vector<16xi32>
            %broadcast_in_dim3A_743 = vector.shape_cast %select_n3A_742 : vector<16xi32> to vector<16x1xi32>
            %gather3A_744 = vector.shape_cast %broadcast_in_dim3A_743 : vector<16x1xi32> to vector<16xi32>
            %gather3A_745 = tpu.dynamic_gather %add3A_726[%gather3A_744] in [0] : vector<16xi32>, vector<16xi32> -> vector<16xi32>
            %jit3A_746 = arith.constant 0 : i32
            %broadcast_in_dim3A_747 = vector.broadcast %jit3A_746 : i32 to vector<16xi32>
            %select_n3A_748 = arith.select %ge3A_729, %gather3A_745, %broadcast_in_dim3A_747 : vector<16xi1>, vector<16xi32>
            %add3A_749 = arith.addi %add3A_726, %select_n3A_748 : vector<16xi32>
            %ge3A_750 = arith.constant 4 : i32
            %ge3A_751 = vector.broadcast %ge3A_750 : i32 to vector<16xi32>
            %ge3A_752 = arith.cmpi sge, %iota3A, %ge3A_751 : vector<16xi32>
            %sub3A_753 = arith.constant 4 : i32
            %sub3A_754 = vector.broadcast %sub3A_753 : i32 to vector<16xi32>
            %sub3A_755 = arith.subi %iota3A, %sub3A_754 : vector<16xi32>
            %max3A_756 = arith.constant 0 : i32
            %max3A_757 = vector.broadcast %max3A_756 : i32 to vector<16xi32>
            %max3A_758 = arith.maxsi %sub3A_755, %max3A_757 : vector<16xi32>
            %lt3A_759 = arith.constant 0 : i32
            %lt3A_760 = vector.broadcast %lt3A_759 : i32 to vector<16xi32>
            %lt3A_761 = arith.cmpi slt, %max3A_758, %lt3A_760 : vector<16xi32>
            %add3A_762 = arith.constant 16 : i32
            %add3A_763 = vector.broadcast %add3A_762 : i32 to vector<16xi32>
            %add3A_764 = arith.addi %max3A_758, %add3A_763 : vector<16xi32>
            %select_n3A_765 = arith.select %lt3A_761, %add3A_764, %max3A_758 : vector<16xi1>, vector<16xi32>
            %broadcast_in_dim3A_766 = vector.shape_cast %select_n3A_765 : vector<16xi32> to vector<16x1xi32>
            %gather3A_767 = vector.shape_cast %broadcast_in_dim3A_766 : vector<16x1xi32> to vector<16xi32>
            %gather3A_768 = tpu.dynamic_gather %add3A_749[%gather3A_767] in [0] : vector<16xi32>, vector<16xi32> -> vector<16xi32>
            %jit3A_769 = arith.constant 0 : i32
            %broadcast_in_dim3A_770 = vector.broadcast %jit3A_769 : i32 to vector<16xi32>
            %select_n3A_771 = arith.select %ge3A_752, %gather3A_768, %broadcast_in_dim3A_770 : vector<16xi1>, vector<16xi32>
            %add3A_772 = arith.addi %add3A_749, %select_n3A_771 : vector<16xi32>
            %ge3A_773 = arith.constant 8 : i32
            %ge3A_774 = vector.broadcast %ge3A_773 : i32 to vector<16xi32>
            %ge3A_775 = arith.cmpi sge, %iota3A, %ge3A_774 : vector<16xi32>
            %sub3A_776 = arith.constant 8 : i32
            %sub3A_777 = vector.broadcast %sub3A_776 : i32 to vector<16xi32>
            %sub3A_778 = arith.subi %iota3A, %sub3A_777 : vector<16xi32>
            %max3A_779 = arith.constant 0 : i32
            %max3A_780 = vector.broadcast %max3A_779 : i32 to vector<16xi32>
            %max3A_781 = arith.maxsi %sub3A_778, %max3A_780 : vector<16xi32>
            %lt3A_782 = arith.constant 0 : i32
            %lt3A_783 = vector.broadcast %lt3A_782 : i32 to vector<16xi32>
            %lt3A_784 = arith.cmpi slt, %max3A_781, %lt3A_783 : vector<16xi32>
            %add3A_785 = arith.constant 16 : i32
            %add3A_786 = vector.broadcast %add3A_785 : i32 to vector<16xi32>
            %add3A_787 = arith.addi %max3A_781, %add3A_786 : vector<16xi32>
            %select_n3A_788 = arith.select %lt3A_784, %add3A_787, %max3A_781 : vector<16xi1>, vector<16xi32>
            %broadcast_in_dim3A_789 = vector.shape_cast %select_n3A_788 : vector<16xi32> to vector<16x1xi32>
            %gather3A_790 = vector.shape_cast %broadcast_in_dim3A_789 : vector<16x1xi32> to vector<16xi32>
            %gather3A_791 = tpu.dynamic_gather %add3A_772[%gather3A_790] in [0] : vector<16xi32>, vector<16xi32> -> vector<16xi32>
            %jit3A_792 = arith.constant 0 : i32
            %broadcast_in_dim3A_793 = vector.broadcast %jit3A_792 : i32 to vector<16xi32>
            %select_n3A_794 = arith.select %ge3A_775, %gather3A_791, %broadcast_in_dim3A_793 : vector<16xi1>, vector<16xi32>
            %add3A_795 = arith.addi %add3A_772, %select_n3A_794 : vector<16xi32>
            %broadcast_in_dim3A_796 = arith.constant 0 : i32
            %broadcast_in_dim3A_797 = vector.broadcast %broadcast_in_dim3A_796 : i32 to vector<16xi32>
            %add3A_798 = arith.constant 7 : i32
            %add3A_799 = vector.broadcast %add3A_798 : i32 to vector<16xi32>
            %add3A_800 = arith.addi %broadcast_in_dim3A_797, %add3A_799 : vector<16xi32>
            %lt3A_801 = arith.constant 0 : i32
            %lt3A_802 = vector.broadcast %lt3A_801 : i32 to vector<16xi32>
            %lt3A_803 = arith.cmpi slt, %add3A_800, %lt3A_802 : vector<16xi32>
            %add3A_804 = arith.constant 16 : i32
            %add3A_805 = vector.broadcast %add3A_804 : i32 to vector<16xi32>
            %add3A_806 = arith.addi %add3A_800, %add3A_805 : vector<16xi32>
            %select_n3A_807 = arith.select %lt3A_803, %add3A_806, %add3A_800 : vector<16xi1>, vector<16xi32>
            %broadcast_in_dim3A_808 = vector.shape_cast %select_n3A_807 : vector<16xi32> to vector<16x1xi32>
            %gather3A_809 = vector.shape_cast %broadcast_in_dim3A_808 : vector<16x1xi32> to vector<16xi32>
            %gather3A_810 = tpu.dynamic_gather %add3A_795[%gather3A_809] in [0] : vector<16xi32>, vector<16xi32> -> vector<16xi32>
            %le3A_811 = arith.cmpi sle, %gather3A_810, %iota3A : vector<16xi32>
            %add3A_812 = arith.constant 8 : i32
            %add3A_813 = vector.broadcast %add3A_812 : i32 to vector<16xi32>
            %add3A_814 = arith.addi %broadcast_in_dim3A_797, %add3A_813 : vector<16xi32>
            %select_n3A_815 = arith.select %le3A_811, %add3A_814, %broadcast_in_dim3A_797 : vector<16xi1>, vector<16xi32>
            %add3A_816 = arith.constant 3 : i32
            %add3A_817 = vector.broadcast %add3A_816 : i32 to vector<16xi32>
            %add3A_818 = arith.addi %select_n3A_815, %add3A_817 : vector<16xi32>
            %lt3A_819 = arith.constant 0 : i32
            %lt3A_820 = vector.broadcast %lt3A_819 : i32 to vector<16xi32>
            %lt3A_821 = arith.cmpi slt, %add3A_818, %lt3A_820 : vector<16xi32>
            %add3A_822 = arith.constant 16 : i32
            %add3A_823 = vector.broadcast %add3A_822 : i32 to vector<16xi32>
            %add3A_824 = arith.addi %add3A_818, %add3A_823 : vector<16xi32>
            %select_n3A_825 = arith.select %lt3A_821, %add3A_824, %add3A_818 : vector<16xi1>, vector<16xi32>
            %broadcast_in_dim3A_826 = vector.shape_cast %select_n3A_825 : vector<16xi32> to vector<16x1xi32>
            %gather3A_827 = vector.shape_cast %broadcast_in_dim3A_826 : vector<16x1xi32> to vector<16xi32>
            %gather3A_828 = tpu.dynamic_gather %add3A_795[%gather3A_827] in [0] : vector<16xi32>, vector<16xi32> -> vector<16xi32>
            %le3A_829 = arith.cmpi sle, %gather3A_828, %iota3A : vector<16xi32>
            %add3A_830 = arith.constant 4 : i32
            %add3A_831 = vector.broadcast %add3A_830 : i32 to vector<16xi32>
            %add3A_832 = arith.addi %select_n3A_815, %add3A_831 : vector<16xi32>
            %select_n3A_833 = arith.select %le3A_829, %add3A_832, %select_n3A_815 : vector<16xi1>, vector<16xi32>
            %add3A_834 = arith.constant 1 : i32
            %add3A_835 = vector.broadcast %add3A_834 : i32 to vector<16xi32>
            %add3A_836 = arith.addi %select_n3A_833, %add3A_835 : vector<16xi32>
            %lt3A_837 = arith.constant 0 : i32
            %lt3A_838 = vector.broadcast %lt3A_837 : i32 to vector<16xi32>
            %lt3A_839 = arith.cmpi slt, %add3A_836, %lt3A_838 : vector<16xi32>
            %add3A_840 = arith.constant 16 : i32
            %add3A_841 = vector.broadcast %add3A_840 : i32 to vector<16xi32>
            %add3A_842 = arith.addi %add3A_836, %add3A_841 : vector<16xi32>
            %select_n3A_843 = arith.select %lt3A_839, %add3A_842, %add3A_836 : vector<16xi1>, vector<16xi32>
            %broadcast_in_dim3A_844 = vector.shape_cast %select_n3A_843 : vector<16xi32> to vector<16x1xi32>
            %gather3A_845 = vector.shape_cast %broadcast_in_dim3A_844 : vector<16x1xi32> to vector<16xi32>
            %gather3A_846 = tpu.dynamic_gather %add3A_795[%gather3A_845] in [0] : vector<16xi32>, vector<16xi32> -> vector<16xi32>
            %le3A_847 = arith.cmpi sle, %gather3A_846, %iota3A : vector<16xi32>
            %add3A_848 = arith.constant 2 : i32
            %add3A_849 = vector.broadcast %add3A_848 : i32 to vector<16xi32>
            %add3A_850 = arith.addi %select_n3A_833, %add3A_849 : vector<16xi32>
            %select_n3A_851 = arith.select %le3A_847, %add3A_850, %select_n3A_833 : vector<16xi1>, vector<16xi32>
            %add3A_852 = arith.constant 0 : i32
            %add3A_853 = vector.broadcast %add3A_852 : i32 to vector<16xi32>
            %add3A_854 = arith.addi %select_n3A_851, %add3A_853 : vector<16xi32>
            %lt3A_855 = arith.constant 0 : i32
            %lt3A_856 = vector.broadcast %lt3A_855 : i32 to vector<16xi32>
            %lt3A_857 = arith.cmpi slt, %add3A_854, %lt3A_856 : vector<16xi32>
            %add3A_858 = arith.constant 16 : i32
            %add3A_859 = vector.broadcast %add3A_858 : i32 to vector<16xi32>
            %add3A_860 = arith.addi %add3A_854, %add3A_859 : vector<16xi32>
            %select_n3A_861 = arith.select %lt3A_857, %add3A_860, %add3A_854 : vector<16xi1>, vector<16xi32>
            %broadcast_in_dim3A_862 = vector.shape_cast %select_n3A_861 : vector<16xi32> to vector<16x1xi32>
            %gather3A_863 = vector.shape_cast %broadcast_in_dim3A_862 : vector<16x1xi32> to vector<16xi32>
            %gather3A_864 = tpu.dynamic_gather %add3A_795[%gather3A_863] in [0] : vector<16xi32>, vector<16xi32> -> vector<16xi32>
            %le3A_865 = arith.cmpi sle, %gather3A_864, %iota3A : vector<16xi32>
            %add3A_866 = arith.constant 1 : i32
            %add3A_867 = vector.broadcast %add3A_866 : i32 to vector<16xi32>
            %add3A_868 = arith.addi %select_n3A_851, %add3A_867 : vector<16xi32>
            %select_n3A_869 = arith.select %le3A_865, %add3A_868, %select_n3A_851 : vector<16xi1>, vector<16xi32>
            %add3A_870 = vector.broadcast %add3A_480 : i32 to vector<16xi32>
            %add3A_871 = arith.addi %add3A_870, %select_n3A_869 : vector<16xi32>
            %min3A_872 = arith.constant 287 : i32
            %min3A_873 = arith.minsi %scan3A_473, %min3A_872 : i32
            %swap3A_874 = arith.constant 1 : i32
            %swap3A_875 = arith.index_cast %swap3A_874 : i32 to index
            %swap3A_876 = arith.index_cast %min3A_873 : i32 to index
            %swap3A_877 = tpu.vector_load %arg16[%swap3A_875, %swap3A_876] {strides = array<i32>} : memref<4x303xi32, #tpu.memory_space<vmem>>, vector<1x16xi32>,
            %swap3A_878 = vector.shape_cast %swap3A_877 : vector<1x16xi32> to vector<16xi32>
            %swap3A_879 = vector.shape_cast %add3A_871 : vector<16xi32> to vector<1x16xi32>
            tpu.vector_store %arg16[%swap3A_875, %swap3A_876], %swap3A_879 {strides = array<i32>} : memref<4x303xi32, #tpu.memory_space<vmem>>, vector<1x16xi32>,
            %slice3A_880 = vector.extract_strided_slice %add3A_795 {offsets = [15], sizes = [1], strides = [1]} : vector<16xi32> to vector<1xi32>
            %squeeze3A_881 = vector.extract %slice3A_880[0] : i32 from vector<1xi32>
            %add3A_882 = arith.addi %scan3A_473, %squeeze3A_881 : i32
            %sub3A_883 = vector.broadcast %squeeze3A_223 : f32 to vector<16xf32>
            %sub3A_884 = arith.subf %get3A_483, %sub3A_883 : vector<16xf32>
            %sub3A_885 = vector.broadcast %squeeze3A_230 : f32 to vector<16xf32>
            %sub3A_886 = arith.subf %get3A_486, %sub3A_885 : vector<16xf32>
            %sub3A_887 = vector.broadcast %squeeze3A_237 : f32 to vector<16xf32>
            %sub3A_888 = arith.subf %get3A_489, %sub3A_887 : vector<16xf32>
            %mul3A_889 = arith.mulf %sub3A_884, %sub3A_884 : vector<16xf32>
            %mul3A_890 = arith.mulf %sub3A_886, %sub3A_886 : vector<16xf32>
            %add3A_891 = arith.addf %mul3A_889, %mul3A_890 : vector<16xf32>
            %mul3A_892 = arith.mulf %sub3A_888, %sub3A_888 : vector<16xf32>
            %add3A_893 = arith.addf %add3A_891, %mul3A_892 : vector<16xf32>
            %le3A_894 = arith.constant 4.000000e-02 : f32
            %le3A_895 = vector.broadcast %le3A_894 : f32 to vector<16xf32>
            %le3A_896 = arith.cmpf ole, %add3A_893, %le3A_895 : vector<16xf32>
            %jit3A_897 = arith.constant 1 : i32
            %jit3A_898 = arith.constant 0 : i32
            %broadcast_in_dim3A_899 = vector.broadcast %jit3A_897 : i32 to vector<16xi32>
            %broadcast_in_dim3A_900 = vector.broadcast %jit3A_898 : i32 to vector<16xi32>
            %select_n3A_901 = arith.select %le3A_896, %broadcast_in_dim3A_899, %broadcast_in_dim3A_900 : vector<16xi1>, vector<16xi32>
            %ge3A_902 = arith.constant 1 : i32
            %ge3A_903 = vector.broadcast %ge3A_902 : i32 to vector<16xi32>
            %ge3A_904 = arith.cmpi sge, %iota3A, %ge3A_903 : vector<16xi32>
            %sub3A_905 = arith.constant 1 : i32
            %sub3A_906 = vector.broadcast %sub3A_905 : i32 to vector<16xi32>
            %sub3A_907 = arith.subi %iota3A, %sub3A_906 : vector<16xi32>
            %max3A_908 = arith.constant 0 : i32
            %max3A_909 = vector.broadcast %max3A_908 : i32 to vector<16xi32>
            %max3A_910 = arith.maxsi %sub3A_907, %max3A_909 : vector<16xi32>
            %lt3A_911 = arith.constant 0 : i32
            %lt3A_912 = vector.broadcast %lt3A_911 : i32 to vector<16xi32>
            %lt3A_913 = arith.cmpi slt, %max3A_910, %lt3A_912 : vector<16xi32>
            %add3A_914 = arith.constant 16 : i32
            %add3A_915 = vector.broadcast %add3A_914 : i32 to vector<16xi32>
            %add3A_916 = arith.addi %max3A_910, %add3A_915 : vector<16xi32>
            %select_n3A_917 = arith.select %lt3A_913, %add3A_916, %max3A_910 : vector<16xi1>, vector<16xi32>
            %broadcast_in_dim3A_918 = vector.shape_cast %select_n3A_917 : vector<16xi32> to vector<16x1xi32>
            %gather3A_919 = vector.shape_cast %broadcast_in_dim3A_918 : vector<16x1xi32> to vector<16xi32>
            %gather3A_920 = tpu.dynamic_gather %select_n3A_901[%gather3A_919] in [0] : vector<16xi32>, vector<16xi32> -> vector<16xi32>
            %jit3A_921 = arith.constant 0 : i32
            %broadcast_in_dim3A_922 = vector.broadcast %jit3A_921 : i32 to vector<16xi32>
            %select_n3A_923 = arith.select %ge3A_904, %gather3A_920, %broadcast_in_dim3A_922 : vector<16xi1>, vector<16xi32>
            %add3A_924 = arith.addi %select_n3A_901, %select_n3A_923 : vector<16xi32>
            %ge3A_925 = arith.constant 2 : i32
            %ge3A_926 = vector.broadcast %ge3A_925 : i32 to vector<16xi32>
            %ge3A_927 = arith.cmpi sge, %iota3A, %ge3A_926 : vector<16xi32>
            %sub3A_928 = arith.constant 2 : i32
            %sub3A_929 = vector.broadcast %sub3A_928 : i32 to vector<16xi32>
            %sub3A_930 = arith.subi %iota3A, %sub3A_929 : vector<16xi32>
            %max3A_931 = arith.constant 0 : i32
            %max3A_932 = vector.broadcast %max3A_931 : i32 to vector<16xi32>
            %max3A_933 = arith.maxsi %sub3A_930, %max3A_932 : vector<16xi32>
            %lt3A_934 = arith.constant 0 : i32
            %lt3A_935 = vector.broadcast %lt3A_934 : i32 to vector<16xi32>
            %lt3A_936 = arith.cmpi slt, %max3A_933, %lt3A_935 : vector<16xi32>
            %add3A_937 = arith.constant 16 : i32
            %add3A_938 = vector.broadcast %add3A_937 : i32 to vector<16xi32>
            %add3A_939 = arith.addi %max3A_933, %add3A_938 : vector<16xi32>
            %select_n3A_940 = arith.select %lt3A_936, %add3A_939, %max3A_933 : vector<16xi1>, vector<16xi32>
            %broadcast_in_dim3A_941 = vector.shape_cast %select_n3A_940 : vector<16xi32> to vector<16x1xi32>
            %gather3A_942 = vector.shape_cast %broadcast_in_dim3A_941 : vector<16x1xi32> to vector<16xi32>
            %gather3A_943 = tpu.dynamic_gather %add3A_924[%gather3A_942] in [0] : vector<16xi32>, vector<16xi32> -> vector<16xi32>
            %jit3A_944 = arith.constant 0 : i32
            %broadcast_in_dim3A_945 = vector.broadcast %jit3A_944 : i32 to vector<16xi32>
            %select_n3A_946 = arith.select %ge3A_927, %gather3A_943, %broadcast_in_dim3A_945 : vector<16xi1>, vector<16xi32>
            %add3A_947 = arith.addi %add3A_924, %select_n3A_946 : vector<16xi32>
            %ge3A_948 = arith.constant 4 : i32
            %ge3A_949 = vector.broadcast %ge3A_948 : i32 to vector<16xi32>
            %ge3A_950 = arith.cmpi sge, %iota3A, %ge3A_949 : vector<16xi32>
            %sub3A_951 = arith.constant 4 : i32
            %sub3A_952 = vector.broadcast %sub3A_951 : i32 to vector<16xi32>
            %sub3A_953 = arith.subi %iota3A, %sub3A_952 : vector<16xi32>
            %max3A_954 = arith.constant 0 : i32
            %max3A_955 = vector.broadcast %max3A_954 : i32 to vector<16xi32>
            %max3A_956 = arith.maxsi %sub3A_953, %max3A_955 : vector<16xi32>
            %lt3A_957 = arith.constant 0 : i32
            %lt3A_958 = vector.broadcast %lt3A_957 : i32 to vector<16xi32>
            %lt3A_959 = arith.cmpi slt, %max3A_956, %lt3A_958 : vector<16xi32>
            %add3A_960 = arith.constant 16 : i32
            %add3A_961 = vector.broadcast %add3A_960 : i32 to vector<16xi32>
            %add3A_962 = arith.addi %max3A_956, %add3A_961 : vector<16xi32>
            %select_n3A_963 = arith.select %lt3A_959, %add3A_962, %max3A_956 : vector<16xi1>, vector<16xi32>
            %broadcast_in_dim3A_964 = vector.shape_cast %select_n3A_963 : vector<16xi32> to vector<16x1xi32>
            %gather3A_965 = vector.shape_cast %broadcast_in_dim3A_964 : vector<16x1xi32> to vector<16xi32>
            %gather3A_966 = tpu.dynamic_gather %add3A_947[%gather3A_965] in [0] : vector<16xi32>, vector<16xi32> -> vector<16xi32>
            %jit3A_967 = arith.constant 0 : i32
            %broadcast_in_dim3A_968 = vector.broadcast %jit3A_967 : i32 to vector<16xi32>
            %select_n3A_969 = arith.select %ge3A_950, %gather3A_966, %broadcast_in_dim3A_968 : vector<16xi1>, vector<16xi32>
            %add3A_970 = arith.addi %add3A_947, %select_n3A_969 : vector<16xi32>
            %ge3A_971 = arith.constant 8 : i32
            %ge3A_972 = vector.broadcast %ge3A_971 : i32 to vector<16xi32>
            %ge3A_973 = arith.cmpi sge, %iota3A, %ge3A_972 : vector<16xi32>
            %sub3A_974 = arith.constant 8 : i32
            %sub3A_975 = vector.broadcast %sub3A_974 : i32 to vector<16xi32>
            %sub3A_976 = arith.subi %iota3A, %sub3A_975 : vector<16xi32>
            %max3A_977 = arith.constant 0 : i32
            %max3A_978 = vector.broadcast %max3A_977 : i32 to vector<16xi32>
            %max3A_979 = arith.maxsi %sub3A_976, %max3A_978 : vector<16xi32>
            %lt3A_980 = arith.constant 0 : i32
            %lt3A_981 = vector.broadcast %lt3A_980 : i32 to vector<16xi32>
            %lt3A_982 = arith.cmpi slt, %max3A_979, %lt3A_981 : vector<16xi32>
            %add3A_983 = arith.constant 16 : i32
            %add3A_984 = vector.broadcast %add3A_983 : i32 to vector<16xi32>
            %add3A_985 = arith.addi %max3A_979, %add3A_984 : vector<16xi32>
            %select_n3A_986 = arith.select %lt3A_982, %add3A_985, %max3A_979 : vector<16xi1>, vector<16xi32>
            %broadcast_in_dim3A_987 = vector.shape_cast %select_n3A_986 : vector<16xi32> to vector<16x1xi32>
            %gather3A_988 = vector.shape_cast %broadcast_in_dim3A_987 : vector<16x1xi32> to vector<16xi32>
            %gather3A_989 = tpu.dynamic_gather %add3A_970[%gather3A_988] in [0] : vector<16xi32>, vector<16xi32> -> vector<16xi32>
            %jit3A_990 = arith.constant 0 : i32
            %broadcast_in_dim3A_991 = vector.broadcast %jit3A_990 : i32 to vector<16xi32>
            %select_n3A_992 = arith.select %ge3A_973, %gather3A_989, %broadcast_in_dim3A_991 : vector<16xi1>, vector<16xi32>
            %add3A_993 = arith.addi %add3A_970, %select_n3A_992 : vector<16xi32>
            %broadcast_in_dim3A_994 = arith.constant 0 : i32
            %broadcast_in_dim3A_995 = vector.broadcast %broadcast_in_dim3A_994 : i32 to vector<16xi32>
            %add3A_996 = arith.constant 7 : i32
            %add3A_997 = vector.broadcast %add3A_996 : i32 to vector<16xi32>
            %add3A_998 = arith.addi %broadcast_in_dim3A_995, %add3A_997 : vector<16xi32>
            %lt3A_999 = arith.constant 0 : i32
            %lt3A_1000 = vector.broadcast %lt3A_999 : i32 to vector<16xi32>
            %lt3A_1001 = arith.cmpi slt, %add3A_998, %lt3A_1000 : vector<16xi32>
            %add3A_1002 = arith.constant 16 : i32
            %add3A_1003 = vector.broadcast %add3A_1002 : i32 to vector<16xi32>
            %add3A_1004 = arith.addi %add3A_998, %add3A_1003 : vector<16xi32>
            %select_n3A_1005 = arith.select %lt3A_1001, %add3A_1004, %add3A_998 : vector<16xi1>, vector<16xi32>
            %broadcast_in_dim3A_1006 = vector.shape_cast %select_n3A_1005 : vector<16xi32> to vector<16x1xi32>
            %gather3A_1007 = vector.shape_cast %broadcast_in_dim3A_1006 : vector<16x1xi32> to vector<16xi32>
            %gather3A_1008 = tpu.dynamic_gather %add3A_993[%gather3A_1007] in [0] : vector<16xi32>, vector<16xi32> -> vector<16xi32>
            %le3A_1009 = arith.cmpi sle, %gather3A_1008, %iota3A : vector<16xi32>
            %add3A_1010 = arith.constant 8 : i32
            %add3A_1011 = vector.broadcast %add3A_1010 : i32 to vector<16xi32>
            %add3A_1012 = arith.addi %broadcast_in_dim3A_995, %add3A_1011 : vector<16xi32>
            %select_n3A_1013 = arith.select %le3A_1009, %add3A_1012, %broadcast_in_dim3A_995 : vector<16xi1>, vector<16xi32>
            %add3A_1014 = arith.constant 3 : i32
            %add3A_1015 = vector.broadcast %add3A_1014 : i32 to vector<16xi32>
            %add3A_1016 = arith.addi %select_n3A_1013, %add3A_1015 : vector<16xi32>
            %lt3A_1017 = arith.constant 0 : i32
            %lt3A_1018 = vector.broadcast %lt3A_1017 : i32 to vector<16xi32>
            %lt3A_1019 = arith.cmpi slt, %add3A_1016, %lt3A_1018 : vector<16xi32>
            %add3A_1020 = arith.constant 16 : i32
            %add3A_1021 = vector.broadcast %add3A_1020 : i32 to vector<16xi32>
            %add3A_1022 = arith.addi %add3A_1016, %add3A_1021 : vector<16xi32>
            %select_n3A_1023 = arith.select %lt3A_1019, %add3A_1022, %add3A_1016 : vector<16xi1>, vector<16xi32>
            %broadcast_in_dim3A_1024 = vector.shape_cast %select_n3A_1023 : vector<16xi32> to vector<16x1xi32>
            %gather3A_1025 = vector.shape_cast %broadcast_in_dim3A_1024 : vector<16x1xi32> to vector<16xi32>
            %gather3A_1026 = tpu.dynamic_gather %add3A_993[%gather3A_1025] in [0] : vector<16xi32>, vector<16xi32> -> vector<16xi32>
            %le3A_1027 = arith.cmpi sle, %gather3A_1026, %iota3A : vector<16xi32>
            %add3A_1028 = arith.constant 4 : i32
            %add3A_1029 = vector.broadcast %add3A_1028 : i32 to vector<16xi32>
            %add3A_1030 = arith.addi %select_n3A_1013, %add3A_1029 : vector<16xi32>
            %select_n3A_1031 = arith.select %le3A_1027, %add3A_1030, %select_n3A_1013 : vector<16xi1>, vector<16xi32>
            %add3A_1032 = arith.constant 1 : i32
            %add3A_1033 = vector.broadcast %add3A_1032 : i32 to vector<16xi32>
            %add3A_1034 = arith.addi %select_n3A_1031, %add3A_1033 : vector<16xi32>
            %lt3A_1035 = arith.constant 0 : i32
            %lt3A_1036 = vector.broadcast %lt3A_1035 : i32 to vector<16xi32>
            %lt3A_1037 = arith.cmpi slt, %add3A_1034, %lt3A_1036 : vector<16xi32>
            %add3A_1038 = arith.constant 16 : i32
            %add3A_1039 = vector.broadcast %add3A_1038 : i32 to vector<16xi32>
            %add3A_1040 = arith.addi %add3A_1034, %add3A_1039 : vector<16xi32>
            %select_n3A_1041 = arith.select %lt3A_1037, %add3A_1040, %add3A_1034 : vector<16xi1>, vector<16xi32>
            %broadcast_in_dim3A_1042 = vector.shape_cast %select_n3A_1041 : vector<16xi32> to vector<16x1xi32>
            %gather3A_1043 = vector.shape_cast %broadcast_in_dim3A_1042 : vector<16x1xi32> to vector<16xi32>
            %gather3A_1044 = tpu.dynamic_gather %add3A_993[%gather3A_1043] in [0] : vector<16xi32>, vector<16xi32> -> vector<16xi32>
            %le3A_1045 = arith.cmpi sle, %gather3A_1044, %iota3A : vector<16xi32>
            %add3A_1046 = arith.constant 2 : i32
            %add3A_1047 = vector.broadcast %add3A_1046 : i32 to vector<16xi32>
            %add3A_1048 = arith.addi %select_n3A_1031, %add3A_1047 : vector<16xi32>
            %select_n3A_1049 = arith.select %le3A_1045, %add3A_1048, %select_n3A_1031 : vector<16xi1>, vector<16xi32>
            %add3A_1050 = arith.constant 0 : i32
            %add3A_1051 = vector.broadcast %add3A_1050 : i32 to vector<16xi32>
            %add3A_1052 = arith.addi %select_n3A_1049, %add3A_1051 : vector<16xi32>
            %lt3A_1053 = arith.constant 0 : i32
            %lt3A_1054 = vector.broadcast %lt3A_1053 : i32 to vector<16xi32>
            %lt3A_1055 = arith.cmpi slt, %add3A_1052, %lt3A_1054 : vector<16xi32>
            %add3A_1056 = arith.constant 16 : i32
            %add3A_1057 = vector.broadcast %add3A_1056 : i32 to vector<16xi32>
            %add3A_1058 = arith.addi %add3A_1052, %add3A_1057 : vector<16xi32>
            %select_n3A_1059 = arith.select %lt3A_1055, %add3A_1058, %add3A_1052 : vector<16xi1>, vector<16xi32>
            %broadcast_in_dim3A_1060 = vector.shape_cast %select_n3A_1059 : vector<16xi32> to vector<16x1xi32>
            %gather3A_1061 = vector.shape_cast %broadcast_in_dim3A_1060 : vector<16x1xi32> to vector<16xi32>
            %gather3A_1062 = tpu.dynamic_gather %add3A_993[%gather3A_1061] in [0] : vector<16xi32>, vector<16xi32> -> vector<16xi32>
            %le3A_1063 = arith.cmpi sle, %gather3A_1062, %iota3A : vector<16xi32>
            %add3A_1064 = arith.constant 1 : i32
            %add3A_1065 = vector.broadcast %add3A_1064 : i32 to vector<16xi32>
            %add3A_1066 = arith.addi %select_n3A_1049, %add3A_1065 : vector<16xi32>
            %select_n3A_1067 = arith.select %le3A_1063, %add3A_1066, %select_n3A_1049 : vector<16xi1>, vector<16xi32>
            %add3A_1068 = vector.broadcast %add3A_480 : i32 to vector<16xi32>
            %add3A_1069 = arith.addi %add3A_1068, %select_n3A_1067 : vector<16xi32>
            %min3A_1070 = arith.constant 287 : i32
            %min3A_1071 = arith.minsi %scan3A_474, %min3A_1070 : i32
            %swap3A_1072 = arith.constant 2 : i32
            %swap3A_1073 = arith.index_cast %swap3A_1072 : i32 to index
            %swap3A_1074 = arith.index_cast %min3A_1071 : i32 to index
            %swap3A_1075 = tpu.vector_load %arg16[%swap3A_1073, %swap3A_1074] {strides = array<i32>} : memref<4x303xi32, #tpu.memory_space<vmem>>, vector<1x16xi32>,
            %swap3A_1076 = vector.shape_cast %swap3A_1075 : vector<1x16xi32> to vector<16xi32>
            %swap3A_1077 = vector.shape_cast %add3A_1069 : vector<16xi32> to vector<1x16xi32>
            tpu.vector_store %arg16[%swap3A_1073, %swap3A_1074], %swap3A_1077 {strides = array<i32>} : memref<4x303xi32, #tpu.memory_space<vmem>>, vector<1x16xi32>,
            %slice3A_1078 = vector.extract_strided_slice %add3A_993 {offsets = [15], sizes = [1], strides = [1]} : vector<16xi32> to vector<1xi32>
            %squeeze3A_1079 = vector.extract %slice3A_1078[0] : i32 from vector<1xi32>
            %add3A_1080 = arith.addi %scan3A_474, %squeeze3A_1079 : i32
            %sub3A_1081 = vector.broadcast %squeeze3A_244 : f32 to vector<16xf32>
            %sub3A_1082 = arith.subf %get3A_483, %sub3A_1081 : vector<16xf32>
            %sub3A_1083 = vector.broadcast %squeeze3A_251 : f32 to vector<16xf32>
            %sub3A_1084 = arith.subf %get3A_486, %sub3A_1083 : vector<16xf32>
            %sub3A_1085 = vector.broadcast %squeeze3A_258 : f32 to vector<16xf32>
            %sub3A_1086 = arith.subf %get3A_489, %sub3A_1085 : vector<16xf32>
            %mul3A_1087 = arith.mulf %sub3A_1082, %sub3A_1082 : vector<16xf32>
            %mul3A_1088 = arith.mulf %sub3A_1084, %sub3A_1084 : vector<16xf32>
            %add3A_1089 = arith.addf %mul3A_1087, %mul3A_1088 : vector<16xf32>
            %mul3A_1090 = arith.mulf %sub3A_1086, %sub3A_1086 : vector<16xf32>
            %add3A_1091 = arith.addf %add3A_1089, %mul3A_1090 : vector<16xf32>
            %le3A_1092 = arith.constant 4.000000e-02 : f32
            %le3A_1093 = vector.broadcast %le3A_1092 : f32 to vector<16xf32>
            %le3A_1094 = arith.cmpf ole, %add3A_1091, %le3A_1093 : vector<16xf32>
            %jit3A_1095 = arith.constant 1 : i32
            %jit3A_1096 = arith.constant 0 : i32
            %broadcast_in_dim3A_1097 = vector.broadcast %jit3A_1095 : i32 to vector<16xi32>
            %broadcast_in_dim3A_1098 = vector.broadcast %jit3A_1096 : i32 to vector<16xi32>
            %select_n3A_1099 = arith.select %le3A_1094, %broadcast_in_dim3A_1097, %broadcast_in_dim3A_1098 : vector<16xi1>, vector<16xi32>
            %ge3A_1100 = arith.constant 1 : i32
            %ge3A_1101 = vector.broadcast %ge3A_1100 : i32 to vector<16xi32>
            %ge3A_1102 = arith.cmpi sge, %iota3A, %ge3A_1101 : vector<16xi32>
            %sub3A_1103 = arith.constant 1 : i32
            %sub3A_1104 = vector.broadcast %sub3A_1103 : i32 to vector<16xi32>
            %sub3A_1105 = arith.subi %iota3A, %sub3A_1104 : vector<16xi32>
            %max3A_1106 = arith.constant 0 : i32
            %max3A_1107 = vector.broadcast %max3A_1106 : i32 to vector<16xi32>
            %max3A_1108 = arith.maxsi %sub3A_1105, %max3A_1107 : vector<16xi32>
            %lt3A_1109 = arith.constant 0 : i32
            %lt3A_1110 = vector.broadcast %lt3A_1109 : i32 to vector<16xi32>
            %lt3A_1111 = arith.cmpi slt, %max3A_1108, %lt3A_1110 : vector<16xi32>
            %add3A_1112 = arith.constant 16 : i32
            %add3A_1113 = vector.broadcast %add3A_1112 : i32 to vector<16xi32>
            %add3A_1114 = arith.addi %max3A_1108, %add3A_1113 : vector<16xi32>
            %select_n3A_1115 = arith.select %lt3A_1111, %add3A_1114, %max3A_1108 : vector<16xi1>, vector<16xi32>
            %broadcast_in_dim3A_1116 = vector.shape_cast %select_n3A_1115 : vector<16xi32> to vector<16x1xi32>
            %gather3A_1117 = vector.shape_cast %broadcast_in_dim3A_1116 : vector<16x1xi32> to vector<16xi32>
            %gather3A_1118 = tpu.dynamic_gather %select_n3A_1099[%gather3A_1117] in [0] : vector<16xi32>, vector<16xi32> -> vector<16xi32>
            %jit3A_1119 = arith.constant 0 : i32
            %broadcast_in_dim3A_1120 = vector.broadcast %jit3A_1119 : i32 to vector<16xi32>
            %select_n3A_1121 = arith.select %ge3A_1102, %gather3A_1118, %broadcast_in_dim3A_1120 : vector<16xi1>, vector<16xi32>
            %add3A_1122 = arith.addi %select_n3A_1099, %select_n3A_1121 : vector<16xi32>
            %ge3A_1123 = arith.constant 2 : i32
            %ge3A_1124 = vector.broadcast %ge3A_1123 : i32 to vector<16xi32>
            %ge3A_1125 = arith.cmpi sge, %iota3A, %ge3A_1124 : vector<16xi32>
            %sub3A_1126 = arith.constant 2 : i32
            %sub3A_1127 = vector.broadcast %sub3A_1126 : i32 to vector<16xi32>
            %sub3A_1128 = arith.subi %iota3A, %sub3A_1127 : vector<16xi32>
            %max3A_1129 = arith.constant 0 : i32
            %max3A_1130 = vector.broadcast %max3A_1129 : i32 to vector<16xi32>
            %max3A_1131 = arith.maxsi %sub3A_1128, %max3A_1130 : vector<16xi32>
            %lt3A_1132 = arith.constant 0 : i32
            %lt3A_1133 = vector.broadcast %lt3A_1132 : i32 to vector<16xi32>
            %lt3A_1134 = arith.cmpi slt, %max3A_1131, %lt3A_1133 : vector<16xi32>
            %add3A_1135 = arith.constant 16 : i32
            %add3A_1136 = vector.broadcast %add3A_1135 : i32 to vector<16xi32>
            %add3A_1137 = arith.addi %max3A_1131, %add3A_1136 : vector<16xi32>
            %select_n3A_1138 = arith.select %lt3A_1134, %add3A_1137, %max3A_1131 : vector<16xi1>, vector<16xi32>
            %broadcast_in_dim3A_1139 = vector.shape_cast %select_n3A_1138 : vector<16xi32> to vector<16x1xi32>
            %gather3A_1140 = vector.shape_cast %broadcast_in_dim3A_1139 : vector<16x1xi32> to vector<16xi32>
            %gather3A_1141 = tpu.dynamic_gather %add3A_1122[%gather3A_1140] in [0] : vector<16xi32>, vector<16xi32> -> vector<16xi32>
            %jit3A_1142 = arith.constant 0 : i32
            %broadcast_in_dim3A_1143 = vector.broadcast %jit3A_1142 : i32 to vector<16xi32>
            %select_n3A_1144 = arith.select %ge3A_1125, %gather3A_1141, %broadcast_in_dim3A_1143 : vector<16xi1>, vector<16xi32>
            %add3A_1145 = arith.addi %add3A_1122, %select_n3A_1144 : vector<16xi32>
            %ge3A_1146 = arith.constant 4 : i32
            %ge3A_1147 = vector.broadcast %ge3A_1146 : i32 to vector<16xi32>
            %ge3A_1148 = arith.cmpi sge, %iota3A, %ge3A_1147 : vector<16xi32>
            %sub3A_1149 = arith.constant 4 : i32
            %sub3A_1150 = vector.broadcast %sub3A_1149 : i32 to vector<16xi32>
            %sub3A_1151 = arith.subi %iota3A, %sub3A_1150 : vector<16xi32>
            %max3A_1152 = arith.constant 0 : i32
            %max3A_1153 = vector.broadcast %max3A_1152 : i32 to vector<16xi32>
            %max3A_1154 = arith.maxsi %sub3A_1151, %max3A_1153 : vector<16xi32>
            %lt3A_1155 = arith.constant 0 : i32
            %lt3A_1156 = vector.broadcast %lt3A_1155 : i32 to vector<16xi32>
            %lt3A_1157 = arith.cmpi slt, %max3A_1154, %lt3A_1156 : vector<16xi32>
            %add3A_1158 = arith.constant 16 : i32
            %add3A_1159 = vector.broadcast %add3A_1158 : i32 to vector<16xi32>
            %add3A_1160 = arith.addi %max3A_1154, %add3A_1159 : vector<16xi32>
            %select_n3A_1161 = arith.select %lt3A_1157, %add3A_1160, %max3A_1154 : vector<16xi1>, vector<16xi32>
            %broadcast_in_dim3A_1162 = vector.shape_cast %select_n3A_1161 : vector<16xi32> to vector<16x1xi32>
            %gather3A_1163 = vector.shape_cast %broadcast_in_dim3A_1162 : vector<16x1xi32> to vector<16xi32>
            %gather3A_1164 = tpu.dynamic_gather %add3A_1145[%gather3A_1163] in [0] : vector<16xi32>, vector<16xi32> -> vector<16xi32>
            %jit3A_1165 = arith.constant 0 : i32
            %broadcast_in_dim3A_1166 = vector.broadcast %jit3A_1165 : i32 to vector<16xi32>
            %select_n3A_1167 = arith.select %ge3A_1148, %gather3A_1164, %broadcast_in_dim3A_1166 : vector<16xi1>, vector<16xi32>
            %add3A_1168 = arith.addi %add3A_1145, %select_n3A_1167 : vector<16xi32>
            %ge3A_1169 = arith.constant 8 : i32
            %ge3A_1170 = vector.broadcast %ge3A_1169 : i32 to vector<16xi32>
            %ge3A_1171 = arith.cmpi sge, %iota3A, %ge3A_1170 : vector<16xi32>
            %sub3A_1172 = arith.constant 8 : i32
            %sub3A_1173 = vector.broadcast %sub3A_1172 : i32 to vector<16xi32>
            %sub3A_1174 = arith.subi %iota3A, %sub3A_1173 : vector<16xi32>
            %max3A_1175 = arith.constant 0 : i32
            %max3A_1176 = vector.broadcast %max3A_1175 : i32 to vector<16xi32>
            %max3A_1177 = arith.maxsi %sub3A_1174, %max3A_1176 : vector<16xi32>
            %lt3A_1178 = arith.constant 0 : i32
            %lt3A_1179 = vector.broadcast %lt3A_1178 : i32 to vector<16xi32>
            %lt3A_1180 = arith.cmpi slt, %max3A_1177, %lt3A_1179 : vector<16xi32>
            %add3A_1181 = arith.constant 16 : i32
            %add3A_1182 = vector.broadcast %add3A_1181 : i32 to vector<16xi32>
            %add3A_1183 = arith.addi %max3A_1177, %add3A_1182 : vector<16xi32>
            %select_n3A_1184 = arith.select %lt3A_1180, %add3A_1183, %max3A_1177 : vector<16xi1>, vector<16xi32>
            %broadcast_in_dim3A_1185 = vector.shape_cast %select_n3A_1184 : vector<16xi32> to vector<16x1xi32>
            %gather3A_1186 = vector.shape_cast %broadcast_in_dim3A_1185 : vector<16x1xi32> to vector<16xi32>
            %gather3A_1187 = tpu.dynamic_gather %add3A_1168[%gather3A_1186] in [0] : vector<16xi32>, vector<16xi32> -> vector<16xi32>
            %jit3A_1188 = arith.constant 0 : i32
            %broadcast_in_dim3A_1189 = vector.broadcast %jit3A_1188 : i32 to vector<16xi32>
            %select_n3A_1190 = arith.select %ge3A_1171, %gather3A_1187, %broadcast_in_dim3A_1189 : vector<16xi1>, vector<16xi32>
            %add3A_1191 = arith.addi %add3A_1168, %select_n3A_1190 : vector<16xi32>
            %broadcast_in_dim3A_1192 = arith.constant 0 : i32
            %broadcast_in_dim3A_1193 = vector.broadcast %broadcast_in_dim3A_1192 : i32 to vector<16xi32>
            %add3A_1194 = arith.constant 7 : i32
            %add3A_1195 = vector.broadcast %add3A_1194 : i32 to vector<16xi32>
            %add3A_1196 = arith.addi %broadcast_in_dim3A_1193, %add3A_1195 : vector<16xi32>
            %lt3A_1197 = arith.constant 0 : i32
            %lt3A_1198 = vector.broadcast %lt3A_1197 : i32 to vector<16xi32>
            %lt3A_1199 = arith.cmpi slt, %add3A_1196, %lt3A_1198 : vector<16xi32>
            %add3A_1200 = arith.constant 16 : i32
            %add3A_1201 = vector.broadcast %add3A_1200 : i32 to vector<16xi32>
            %add3A_1202 = arith.addi %add3A_1196, %add3A_1201 : vector<16xi32>
            %select_n3A_1203 = arith.select %lt3A_1199, %add3A_1202, %add3A_1196 : vector<16xi1>, vector<16xi32>
            %broadcast_in_dim3A_1204 = vector.shape_cast %select_n3A_1203 : vector<16xi32> to vector<16x1xi32>
            %gather3A_1205 = vector.shape_cast %broadcast_in_dim3A_1204 : vector<16x1xi32> to vector<16xi32>
            %gather3A_1206 = tpu.dynamic_gather %add3A_1191[%gather3A_1205] in [0] : vector<16xi32>, vector<16xi32> -> vector<16xi32>
            %le3A_1207 = arith.cmpi sle, %gather3A_1206, %iota3A : vector<16xi32>
            %add3A_1208 = arith.constant 8 : i32
            %add3A_1209 = vector.broadcast %add3A_1208 : i32 to vector<16xi32>
            %add3A_1210 = arith.addi %broadcast_in_dim3A_1193, %add3A_1209 : vector<16xi32>
            %select_n3A_1211 = arith.select %le3A_1207, %add3A_1210, %broadcast_in_dim3A_1193 : vector<16xi1>, vector<16xi32>
            %add3A_1212 = arith.constant 3 : i32
            %add3A_1213 = vector.broadcast %add3A_1212 : i32 to vector<16xi32>
            %add3A_1214 = arith.addi %select_n3A_1211, %add3A_1213 : vector<16xi32>
            %lt3A_1215 = arith.constant 0 : i32
            %lt3A_1216 = vector.broadcast %lt3A_1215 : i32 to vector<16xi32>
            %lt3A_1217 = arith.cmpi slt, %add3A_1214, %lt3A_1216 : vector<16xi32>
            %add3A_1218 = arith.constant 16 : i32
            %add3A_1219 = vector.broadcast %add3A_1218 : i32 to vector<16xi32>
            %add3A_1220 = arith.addi %add3A_1214, %add3A_1219 : vector<16xi32>
            %select_n3A_1221 = arith.select %lt3A_1217, %add3A_1220, %add3A_1214 : vector<16xi1>, vector<16xi32>
            %broadcast_in_dim3A_1222 = vector.shape_cast %select_n3A_1221 : vector<16xi32> to vector<16x1xi32>
            %gather3A_1223 = vector.shape_cast %broadcast_in_dim3A_1222 : vector<16x1xi32> to vector<16xi32>
            %gather3A_1224 = tpu.dynamic_gather %add3A_1191[%gather3A_1223] in [0] : vector<16xi32>, vector<16xi32> -> vector<16xi32>
            %le3A_1225 = arith.cmpi sle, %gather3A_1224, %iota3A : vector<16xi32>
            %add3A_1226 = arith.constant 4 : i32
            %add3A_1227 = vector.broadcast %add3A_1226 : i32 to vector<16xi32>
            %add3A_1228 = arith.addi %select_n3A_1211, %add3A_1227 : vector<16xi32>
            %select_n3A_1229 = arith.select %le3A_1225, %add3A_1228, %select_n3A_1211 : vector<16xi1>, vector<16xi32>
            %add3A_1230 = arith.constant 1 : i32
            %add3A_1231 = vector.broadcast %add3A_1230 : i32 to vector<16xi32>
            %add3A_1232 = arith.addi %select_n3A_1229, %add3A_1231 : vector<16xi32>
            %lt3A_1233 = arith.constant 0 : i32
            %lt3A_1234 = vector.broadcast %lt3A_1233 : i32 to vector<16xi32>
            %lt3A_1235 = arith.cmpi slt, %add3A_1232, %lt3A_1234 : vector<16xi32>
            %add3A_1236 = arith.constant 16 : i32
            %add3A_1237 = vector.broadcast %add3A_1236 : i32 to vector<16xi32>
            %add3A_1238 = arith.addi %add3A_1232, %add3A_1237 : vector<16xi32>
            %select_n3A_1239 = arith.select %lt3A_1235, %add3A_1238, %add3A_1232 : vector<16xi1>, vector<16xi32>
            %broadcast_in_dim3A_1240 = vector.shape_cast %select_n3A_1239 : vector<16xi32> to vector<16x1xi32>
            %gather3A_1241 = vector.shape_cast %broadcast_in_dim3A_1240 : vector<16x1xi32> to vector<16xi32>
            %gather3A_1242 = tpu.dynamic_gather %add3A_1191[%gather3A_1241] in [0] : vector<16xi32>, vector<16xi32> -> vector<16xi32>
            %le3A_1243 = arith.cmpi sle, %gather3A_1242, %iota3A : vector<16xi32>
            %add3A_1244 = arith.constant 2 : i32
            %add3A_1245 = vector.broadcast %add3A_1244 : i32 to vector<16xi32>
            %add3A_1246 = arith.addi %select_n3A_1229, %add3A_1245 : vector<16xi32>
            %select_n3A_1247 = arith.select %le3A_1243, %add3A_1246, %select_n3A_1229 : vector<16xi1>, vector<16xi32>
            %add3A_1248 = arith.constant 0 : i32
            %add3A_1249 = vector.broadcast %add3A_1248 : i32 to vector<16xi32>
            %add3A_1250 = arith.addi %select_n3A_1247, %add3A_1249 : vector<16xi32>
            %lt3A_1251 = arith.constant 0 : i32
            %lt3A_1252 = vector.broadcast %lt3A_1251 : i32 to vector<16xi32>
            %lt3A_1253 = arith.cmpi slt, %add3A_1250, %lt3A_1252 : vector<16xi32>
            %add3A_1254 = arith.constant 16 : i32
            %add3A_1255 = vector.broadcast %add3A_1254 : i32 to vector<16xi32>
            %add3A_1256 = arith.addi %add3A_1250, %add3A_1255 : vector<16xi32>
            %select_n3A_1257 = arith.select %lt3A_1253, %add3A_1256, %add3A_1250 : vector<16xi1>, vector<16xi32>
            %broadcast_in_dim3A_1258 = vector.shape_cast %select_n3A_1257 : vector<16xi32> to vector<16x1xi32>
            %gather3A_1259 = vector.shape_cast %broadcast_in_dim3A_1258 : vector<16x1xi32> to vector<16xi32>
            %gather3A_1260 = tpu.dynamic_gather %add3A_1191[%gather3A_1259] in [0] : vector<16xi32>, vector<16xi32> -> vector<16xi32>
            %le3A_1261 = arith.cmpi sle, %gather3A_1260, %iota3A : vector<16xi32>
            %add3A_1262 = arith.constant 1 : i32
            %add3A_1263 = vector.broadcast %add3A_1262 : i32 to vector<16xi32>
            %add3A_1264 = arith.addi %select_n3A_1247, %add3A_1263 : vector<16xi32>
            %select_n3A_1265 = arith.select %le3A_1261, %add3A_1264, %select_n3A_1247 : vector<16xi1>, vector<16xi32>
            %add3A_1266 = vector.broadcast %add3A_480 : i32 to vector<16xi32>
            %add3A_1267 = arith.addi %add3A_1266, %select_n3A_1265 : vector<16xi32>
            %min3A_1268 = arith.constant 287 : i32
            %min3A_1269 = arith.minsi %scan3A_475, %min3A_1268 : i32
            %swap3A_1270 = arith.constant 3 : i32
            %swap3A_1271 = arith.index_cast %swap3A_1270 : i32 to index
            %swap3A_1272 = arith.index_cast %min3A_1269 : i32 to index
            %swap3A_1273 = tpu.vector_load %arg16[%swap3A_1271, %swap3A_1272] {strides = array<i32>} : memref<4x303xi32, #tpu.memory_space<vmem>>, vector<1x16xi32>,
            %swap3A_1274 = vector.shape_cast %swap3A_1273 : vector<1x16xi32> to vector<16xi32>
            %swap3A_1275 = vector.shape_cast %add3A_1267 : vector<16xi32> to vector<1x16xi32>
            tpu.vector_store %arg16[%swap3A_1271, %swap3A_1272], %swap3A_1275 {strides = array<i32>} : memref<4x303xi32, #tpu.memory_space<vmem>>, vector<1x16xi32>,
            %slice3A_1276 = vector.extract_strided_slice %add3A_1191 {offsets = [15], sizes = [1], strides = [1]} : vector<16xi32> to vector<1xi32>
            %squeeze3A_1277 = vector.extract %slice3A_1276[0] : i32 from vector<1xi32>
            %add3A_1278 = arith.addi %scan3A_475, %squeeze3A_1277 : i32
            scf.yield %add3A_684, %add3A_882, %add3A_1080, %add3A_1278 : i32, i32, i32, i32
          }
          %scan3A_470 = arith.constant 16 : i32
          scf.yield %scan3A_469#0, %scan3A_469#1, %scan3A_469#2, %scan3A_469#3 : i32, i32, i32, i32
        } else {
          scf.yield %scan3A_453, %scan3A_454, %scan3A_455, %scan3A_456 : i32, i32, i32, i32
        }
        scf.yield %cond3A_464#0, %cond3A_464#1, %cond3A_464#2, %cond3A_464#3 : i32, i32, i32, i32
      }
      %scan3A_268 = arith.constant 16 : i32
      %get3A_269 = arith.constant 0 : i32
      %get3A_270 = arith.index_cast %get3A_269 : i32 to index
      %get3A_271 = arith.constant 0 : index
      %get3A_272 = tpu.vector_load %arg16[%get3A_270, %get3A_271] {strides = array<i32>} : memref<4x303xi32, #tpu.memory_space<vmem>>, vector<1x16xi32>,
      %get3A_273 = vector.shape_cast %get3A_272 : vector<1x16xi32> to vector<16xi32>
      %slice3A_274 = vector.extract_strided_slice %get3A_273 {offsets = [0], sizes = [1], strides = [1]} : vector<16xi32> to vector<1xi32>
      %squeeze3A_275 = vector.extract %slice3A_274[0] : i32 from vector<1xi32>
      %add3A_276 = arith.constant 0 : i32
      %add3A_277 = vector.broadcast %add3A_276 : i32 to vector<16xi32>
      %add3A_278 = arith.addi %add3A_277, %iota3A : vector<16xi32>
      %lt3A_279 = vector.broadcast %scan3A_267#0 : i32 to vector<16xi32>
      %lt3A_280 = arith.cmpi slt, %add3A_278, %lt3A_279 : vector<16xi32>
      %get3A_281 = arith.constant 0 : i32
      %get3A_282 = arith.index_cast %get3A_281 : i32 to index
      %get3A_283 = arith.constant 0 : index
      %get3A_284 = tpu.vector_load %arg16[%get3A_282, %get3A_283] {strides = array<i32>} : memref<4x303xi32, #tpu.memory_space<vmem>>, vector<1x16xi32>,
      %get3A_285 = vector.shape_cast %get3A_284 : vector<1x16xi32> to vector<16xi32>
      %broadcast_in_dim3A = vector.broadcast %squeeze3A_275 : i32 to vector<16xi32>
      %select_n3A_286 = arith.select %lt3A_280, %get3A_285, %broadcast_in_dim3A : vector<16xi1>, vector<16xi32>
      %swap3A = arith.index_cast %rem3A_173 : i32 to index
      %swap3A_287 = arith.constant 0 : index
      %swap3A_288 = tpu.vector_load %arg17[%swap3A, %swap3A_287] {strides = array<i32>} : memref<4x128xi32, #tpu.memory_space<vmem>>, vector<1x16xi32>,
      %swap3A_289 = vector.shape_cast %swap3A_288 : vector<1x16xi32> to vector<16xi32>
      %swap3A_290 = vector.shape_cast %select_n3A_286 : vector<16xi32> to vector<1x16xi32>
      tpu.vector_store %arg17[%swap3A, %swap3A_287], %swap3A_290 {strides = array<i32>} : memref<4x128xi32, #tpu.memory_space<vmem>>, vector<1x16xi32>,
      %add3A_291 = arith.constant 16 : i32
      %add3A_292 = vector.broadcast %add3A_291 : i32 to vector<16xi32>
      %add3A_293 = arith.addi %add3A_292, %iota3A : vector<16xi32>
      %lt3A_294 = vector.broadcast %scan3A_267#0 : i32 to vector<16xi32>
      %lt3A_295 = arith.cmpi slt, %add3A_293, %lt3A_294 : vector<16xi32>
      %get3A_296 = arith.constant 0 : i32
      %get3A_297 = arith.index_cast %get3A_296 : i32 to index
      %get3A_298 = arith.constant 16 : index
      %get3A_299 = tpu.vector_load %arg16[%get3A_297, %get3A_298] {strides = array<i32>} : memref<4x303xi32, #tpu.memory_space<vmem>>, vector<1x16xi32>,
      %get3A_300 = vector.shape_cast %get3A_299 : vector<1x16xi32> to vector<16xi32>
      %broadcast_in_dim3A_301 = vector.broadcast %squeeze3A_275 : i32 to vector<16xi32>
      %select_n3A_302 = arith.select %lt3A_295, %get3A_300, %broadcast_in_dim3A_301 : vector<16xi1>, vector<16xi32>
      %swap3A_303 = arith.index_cast %rem3A_173 : i32 to index
      %swap3A_304 = arith.constant 16 : index
      %swap3A_305 = tpu.vector_load %arg17[%swap3A_303, %swap3A_304] {strides = array<i32>} : memref<4x128xi32, #tpu.memory_space<vmem>>, vector<1x16xi32>,
      %swap3A_306 = vector.shape_cast %swap3A_305 : vector<1x16xi32> to vector<16xi32>
      %swap3A_307 = vector.shape_cast %select_n3A_302 : vector<16xi32> to vector<1x16xi32>
      tpu.vector_store %arg17[%swap3A_303, %swap3A_304], %swap3A_307 {strides = array<i32>} : memref<4x128xi32, #tpu.memory_space<vmem>>, vector<1x16xi32>,
      %get3A_308 = arith.constant 1 : i32
      %get3A_309 = arith.index_cast %get3A_308 : i32 to index
      %get3A_310 = arith.constant 0 : index
      %get3A_311 = tpu.vector_load %arg16[%get3A_309, %get3A_310] {strides = array<i32>} : memref<4x303xi32, #tpu.memory_space<vmem>>, vector<1x16xi32>,
      %get3A_312 = vector.shape_cast %get3A_311 : vector<1x16xi32> to vector<16xi32>
      %slice3A_313 = vector.extract_strided_slice %get3A_312 {offsets = [0], sizes = [1], strides = [1]} : vector<16xi32> to vector<1xi32>
      %squeeze3A_314 = vector.extract %slice3A_313[0] : i32 from vector<1xi32>
      %add3A_315 = arith.constant 0 : i32
      %add3A_316 = vector.broadcast %add3A_315 : i32 to vector<16xi32>
      %add3A_317 = arith.addi %add3A_316, %iota3A : vector<16xi32>
      %lt3A_318 = vector.broadcast %scan3A_267#1 : i32 to vector<16xi32>
      %lt3A_319 = arith.cmpi slt, %add3A_317, %lt3A_318 : vector<16xi32>
      %get3A_320 = arith.constant 1 : i32
      %get3A_321 = arith.index_cast %get3A_320 : i32 to index
      %get3A_322 = arith.constant 0 : index
      %get3A_323 = tpu.vector_load %arg16[%get3A_321, %get3A_322] {strides = array<i32>} : memref<4x303xi32, #tpu.memory_space<vmem>>, vector<1x16xi32>,
      %get3A_324 = vector.shape_cast %get3A_323 : vector<1x16xi32> to vector<16xi32>
      %broadcast_in_dim3A_325 = vector.broadcast %squeeze3A_314 : i32 to vector<16xi32>
      %select_n3A_326 = arith.select %lt3A_319, %get3A_324, %broadcast_in_dim3A_325 : vector<16xi1>, vector<16xi32>
      %swap3A_327 = arith.index_cast %rem3A_173 : i32 to index
      %swap3A_328 = arith.constant 32 : index
      %swap3A_329 = tpu.vector_load %arg17[%swap3A_327, %swap3A_328] {strides = array<i32>} : memref<4x128xi32, #tpu.memory_space<vmem>>, vector<1x16xi32>,
      %swap3A_330 = vector.shape_cast %swap3A_329 : vector<1x16xi32> to vector<16xi32>
      %swap3A_331 = vector.shape_cast %select_n3A_326 : vector<16xi32> to vector<1x16xi32>
      tpu.vector_store %arg17[%swap3A_327, %swap3A_328], %swap3A_331 {strides = array<i32>} : memref<4x128xi32, #tpu.memory_space<vmem>>, vector<1x16xi32>,
      %add3A_332 = arith.constant 16 : i32
      %add3A_333 = vector.broadcast %add3A_332 : i32 to vector<16xi32>
      %add3A_334 = arith.addi %add3A_333, %iota3A : vector<16xi32>
      %lt3A_335 = vector.broadcast %scan3A_267#1 : i32 to vector<16xi32>
      %lt3A_336 = arith.cmpi slt, %add3A_334, %lt3A_335 : vector<16xi32>
      %get3A_337 = arith.constant 1 : i32
      %get3A_338 = arith.index_cast %get3A_337 : i32 to index
      %get3A_339 = arith.constant 16 : index
      %get3A_340 = tpu.vector_load %arg16[%get3A_338, %get3A_339] {strides = array<i32>} : memref<4x303xi32, #tpu.memory_space<vmem>>, vector<1x16xi32>,
      %get3A_341 = vector.shape_cast %get3A_340 : vector<1x16xi32> to vector<16xi32>
      %broadcast_in_dim3A_342 = vector.broadcast %squeeze3A_314 : i32 to vector<16xi32>
      %select_n3A_343 = arith.select %lt3A_336, %get3A_341, %broadcast_in_dim3A_342 : vector<16xi1>, vector<16xi32>
      %swap3A_344 = arith.index_cast %rem3A_173 : i32 to index
      %swap3A_345 = arith.constant 48 : index
      %swap3A_346 = tpu.vector_load %arg17[%swap3A_344, %swap3A_345] {strides = array<i32>} : memref<4x128xi32, #tpu.memory_space<vmem>>, vector<1x16xi32>,
      %swap3A_347 = vector.shape_cast %swap3A_346 : vector<1x16xi32> to vector<16xi32>
      %swap3A_348 = vector.shape_cast %select_n3A_343 : vector<16xi32> to vector<1x16xi32>
      tpu.vector_store %arg17[%swap3A_344, %swap3A_345], %swap3A_348 {strides = array<i32>} : memref<4x128xi32, #tpu.memory_space<vmem>>, vector<1x16xi32>,
      %get3A_349 = arith.constant 2 : i32
      %get3A_350 = arith.index_cast %get3A_349 : i32 to index
      %get3A_351 = arith.constant 0 : index
      %get3A_352 = tpu.vector_load %arg16[%get3A_350, %get3A_351] {strides = array<i32>} : memref<4x303xi32, #tpu.memory_space<vmem>>, vector<1x16xi32>,
      %get3A_353 = vector.shape_cast %get3A_352 : vector<1x16xi32> to vector<16xi32>
      %slice3A_354 = vector.extract_strided_slice %get3A_353 {offsets = [0], sizes = [1], strides = [1]} : vector<16xi32> to vector<1xi32>
      %squeeze3A_355 = vector.extract %slice3A_354[0] : i32 from vector<1xi32>
      %add3A_356 = arith.constant 0 : i32
      %add3A_357 = vector.broadcast %add3A_356 : i32 to vector<16xi32>
      %add3A_358 = arith.addi %add3A_357, %iota3A : vector<16xi32>
      %lt3A_359 = vector.broadcast %scan3A_267#2 : i32 to vector<16xi32>
      %lt3A_360 = arith.cmpi slt, %add3A_358, %lt3A_359 : vector<16xi32>
      %get3A_361 = arith.constant 2 : i32
      %get3A_362 = arith.index_cast %get3A_361 : i32 to index
      %get3A_363 = arith.constant 0 : index
      %get3A_364 = tpu.vector_load %arg16[%get3A_362, %get3A_363] {strides = array<i32>} : memref<4x303xi32, #tpu.memory_space<vmem>>, vector<1x16xi32>,
      %get3A_365 = vector.shape_cast %get3A_364 : vector<1x16xi32> to vector<16xi32>
      %broadcast_in_dim3A_366 = vector.broadcast %squeeze3A_355 : i32 to vector<16xi32>
      %select_n3A_367 = arith.select %lt3A_360, %get3A_365, %broadcast_in_dim3A_366 : vector<16xi1>, vector<16xi32>
      %swap3A_368 = arith.index_cast %rem3A_173 : i32 to index
      %swap3A_369 = arith.constant 64 : index
      %swap3A_370 = tpu.vector_load %arg17[%swap3A_368, %swap3A_369] {strides = array<i32>} : memref<4x128xi32, #tpu.memory_space<vmem>>, vector<1x16xi32>,
      %swap3A_371 = vector.shape_cast %swap3A_370 : vector<1x16xi32> to vector<16xi32>
      %swap3A_372 = vector.shape_cast %select_n3A_367 : vector<16xi32> to vector<1x16xi32>
      tpu.vector_store %arg17[%swap3A_368, %swap3A_369], %swap3A_372 {strides = array<i32>} : memref<4x128xi32, #tpu.memory_space<vmem>>, vector<1x16xi32>,
      %add3A_373 = arith.constant 16 : i32
      %add3A_374 = vector.broadcast %add3A_373 : i32 to vector<16xi32>
      %add3A_375 = arith.addi %add3A_374, %iota3A : vector<16xi32>
      %lt3A_376 = vector.broadcast %scan3A_267#2 : i32 to vector<16xi32>
      %lt3A_377 = arith.cmpi slt, %add3A_375, %lt3A_376 : vector<16xi32>
      %get3A_378 = arith.constant 2 : i32
      %get3A_379 = arith.index_cast %get3A_378 : i32 to index
      %get3A_380 = arith.constant 16 : index
      %get3A_381 = tpu.vector_load %arg16[%get3A_379, %get3A_380] {strides = array<i32>} : memref<4x303xi32, #tpu.memory_space<vmem>>, vector<1x16xi32>,
      %get3A_382 = vector.shape_cast %get3A_381 : vector<1x16xi32> to vector<16xi32>
      %broadcast_in_dim3A_383 = vector.broadcast %squeeze3A_355 : i32 to vector<16xi32>
      %select_n3A_384 = arith.select %lt3A_377, %get3A_382, %broadcast_in_dim3A_383 : vector<16xi1>, vector<16xi32>
      %swap3A_385 = arith.index_cast %rem3A_173 : i32 to index
      %swap3A_386 = arith.constant 80 : index
      %swap3A_387 = tpu.vector_load %arg17[%swap3A_385, %swap3A_386] {strides = array<i32>} : memref<4x128xi32, #tpu.memory_space<vmem>>, vector<1x16xi32>,
      %swap3A_388 = vector.shape_cast %swap3A_387 : vector<1x16xi32> to vector<16xi32>
      %swap3A_389 = vector.shape_cast %select_n3A_384 : vector<16xi32> to vector<1x16xi32>
      tpu.vector_store %arg17[%swap3A_385, %swap3A_386], %swap3A_389 {strides = array<i32>} : memref<4x128xi32, #tpu.memory_space<vmem>>, vector<1x16xi32>,
      %get3A_390 = arith.constant 3 : i32
      %get3A_391 = arith.index_cast %get3A_390 : i32 to index
      %get3A_392 = arith.constant 0 : index
      %get3A_393 = tpu.vector_load %arg16[%get3A_391, %get3A_392] {strides = array<i32>} : memref<4x303xi32, #tpu.memory_space<vmem>>, vector<1x16xi32>,
      %get3A_394 = vector.shape_cast %get3A_393 : vector<1x16xi32> to vector<16xi32>
      %slice3A_395 = vector.extract_strided_slice %get3A_394 {offsets = [0], sizes = [1], strides = [1]} : vector<16xi32> to vector<1xi32>
      %squeeze3A_396 = vector.extract %slice3A_395[0] : i32 from vector<1xi32>
      %add3A_397 = arith.constant 0 : i32
      %add3A_398 = vector.broadcast %add3A_397 : i32 to vector<16xi32>
      %add3A_399 = arith.addi %add3A_398, %iota3A : vector<16xi32>
      %lt3A_400 = vector.broadcast %scan3A_267#3 : i32 to vector<16xi32>
      %lt3A_401 = arith.cmpi slt, %add3A_399, %lt3A_400 : vector<16xi32>
      %get3A_402 = arith.constant 3 : i32
      %get3A_403 = arith.index_cast %get3A_402 : i32 to index
      %get3A_404 = arith.constant 0 : index
      %get3A_405 = tpu.vector_load %arg16[%get3A_403, %get3A_404] {strides = array<i32>} : memref<4x303xi32, #tpu.memory_space<vmem>>, vector<1x16xi32>,
      %get3A_406 = vector.shape_cast %get3A_405 : vector<1x16xi32> to vector<16xi32>
      %broadcast_in_dim3A_407 = vector.broadcast %squeeze3A_396 : i32 to vector<16xi32>
      %select_n3A_408 = arith.select %lt3A_401, %get3A_406, %broadcast_in_dim3A_407 : vector<16xi1>, vector<16xi32>
      %swap3A_409 = arith.index_cast %rem3A_173 : i32 to index
      %swap3A_410 = arith.constant 96 : index
      %swap3A_411 = tpu.vector_load %arg17[%swap3A_409, %swap3A_410] {strides = array<i32>} : memref<4x128xi32, #tpu.memory_space<vmem>>, vector<1x16xi32>,
      %swap3A_412 = vector.shape_cast %swap3A_411 : vector<1x16xi32> to vector<16xi32>
      %swap3A_413 = vector.shape_cast %select_n3A_408 : vector<16xi32> to vector<1x16xi32>
      tpu.vector_store %arg17[%swap3A_409, %swap3A_410], %swap3A_413 {strides = array<i32>} : memref<4x128xi32, #tpu.memory_space<vmem>>, vector<1x16xi32>,
      %add3A_414 = arith.constant 16 : i32
      %add3A_415 = vector.broadcast %add3A_414 : i32 to vector<16xi32>
      %add3A_416 = arith.addi %add3A_415, %iota3A : vector<16xi32>
      %lt3A_417 = vector.broadcast %scan3A_267#3 : i32 to vector<16xi32>
      %lt3A_418 = arith.cmpi slt, %add3A_416, %lt3A_417 : vector<16xi32>
      %get3A_419 = arith.constant 3 : i32
      %get3A_420 = arith.index_cast %get3A_419 : i32 to index
      %get3A_421 = arith.constant 16 : index
      %get3A_422 = tpu.vector_load %arg16[%get3A_420, %get3A_421] {strides = array<i32>} : memref<4x303xi32, #tpu.memory_space<vmem>>, vector<1x16xi32>,
      %get3A_423 = vector.shape_cast %get3A_422 : vector<1x16xi32> to vector<16xi32>
      %broadcast_in_dim3A_424 = vector.broadcast %squeeze3A_396 : i32 to vector<16xi32>
      %select_n3A_425 = arith.select %lt3A_418, %get3A_423, %broadcast_in_dim3A_424 : vector<16xi1>, vector<16xi32>
      %swap3A_426 = arith.index_cast %rem3A_173 : i32 to index
      %swap3A_427 = arith.constant 112 : index
      %swap3A_428 = tpu.vector_load %arg17[%swap3A_426, %swap3A_427] {strides = array<i32>} : memref<4x128xi32, #tpu.memory_space<vmem>>, vector<1x16xi32>,
      %swap3A_429 = vector.shape_cast %swap3A_428 : vector<1x16xi32> to vector<16xi32>
      %swap3A_430 = vector.shape_cast %select_n3A_425 : vector<16xi32> to vector<1x16xi32>
      tpu.vector_store %arg17[%swap3A_426, %swap3A_427], %swap3A_430 {strides = array<i32>} : memref<4x128xi32, #tpu.memory_space<vmem>>, vector<1x16xi32>,
      %dma_start3A_431 = arith.constant 0 : i32
      %dma_start3A_432 = arith.constant 0 : i32
      %dma_start3A_433 = tpu.memref_slice %arg18[%rem3A_173, %dma_start3A_431, %dma_start3A_432] : memref<4x128x64xf32, #tpu.memory_space<vmem>> -> memref<1x128x64xf32, #tpu.memory_space<vmem>>
      %dma_start3A_434 = tpu.memref_squeeze %dma_start3A_433 : memref<1x128x64xf32, #tpu.memory_space<vmem>> -> memref<128x64xf32, #tpu.memory_space<vmem>>
      %dma_start3A_435 = arith.constant 0 : i32
      %dma_start3A_436 = tpu.memref_slice %arg17[%rem3A_173, %dma_start3A_435] : memref<4x128xi32, #tpu.memory_space<vmem>> -> memref<1x128xi32, #tpu.memory_space<vmem>>
      %dma_start3A_437 = tpu.memref_squeeze %dma_start3A_436 : memref<1x128xi32, #tpu.memory_space<vmem>> -> memref<128xi32, #tpu.memory_space<vmem>>
      %dma_start3A_438 = arith.constant 0 : i32
      %dma_start3A_439 = arith.constant 0 : i32
      %dma_start3A_440 = tpu.memref_slice %arg8[%select_n3A, %dma_start3A_438, %dma_start3A_439] : memref<16x4096x64xf32, #tpu.memory_space<hbm>> -> memref<1x4096x64xf32, #tpu.memory_space<hbm>>
      %dma_start3A_441 = tpu.memref_squeeze %dma_start3A_440 : memref<1x4096x64xf32, #tpu.memory_space<hbm>> -> memref<4096x64xf32, #tpu.memory_space<hbm>>
      %dma_start3A_442 = arith.constant 0 : i32
      %dma_start3A_443 = arith.constant 0 : i32
      %dma_start3A_444 = tpu.memref_slice %dma_start3A_441[%dma_start3A_442, %dma_start3A_443] : memref<4096x64xf32, #tpu.memory_space<hbm>> -> memref<4096x64xf32, #tpu.memory_space<hbm>>
      %dma_start3A_445 = tpu.memref_slice %arg19[%rem3A_173] : memref<4x!tpu.dma_semaphore, #tpu.memory_space<semaphore_mem>> -> memref<1x!tpu.dma_semaphore, #tpu.memory_space<semaphore_mem>>
      %dma_start3A_446 = tpu.memref_squeeze %dma_start3A_445 : memref<1x!tpu.dma_semaphore, #tpu.memory_space<semaphore_mem>> -> memref<!tpu.dma_semaphore, #tpu.memory_space<semaphore_mem>>
      tpu.enqueue_indirect_dma source(%dma_start3A_444 : memref<4096x64xf32, #tpu.memory_space<hbm>>) target(%dma_start3A_434 : memref<128x64xf32, #tpu.memory_space<vmem>>) offsets(%dma_start3A_437 : memref<128xi32, #tpu.memory_space<vmem>>) semaphore(%dma_start3A_446 : memref<!tpu.dma_semaphore, #tpu.memory_space<semaphore_mem>>)
      %ge3A_447 = arith.constant 1 : i32
      %ge3A_448 = arith.cmpi sge, %scan3A_171, %ge3A_447 : i32
      %convert_element_type3A_449 = arith.extui %ge3A_448 : i1 to i32
      %cond3A_450 = arith.constant 0 : i32
      %cond3A_451 = arith.cmpi ne, %convert_element_type3A_449, %cond3A_450 : i32
      scf.if %cond3A_451 {
        %sub3A_452 = arith.constant 1 : i32
        %sub3A_453 = arith.subi %scan3A_171, %sub3A_452 : i32
        %rem3A_454 = arith.constant 4 : i32
        %rem3A_455 = arith.remsi %sub3A_453, %rem3A_454 : i32
        %dma_wait3A_456 = arith.constant 0 : i32
        %dma_wait3A_457 = arith.constant 0 : i32
        %dma_wait3A_458 = tpu.memref_slice %arg18[%rem3A_455, %dma_wait3A_456, %dma_wait3A_457] : memref<4x128x64xf32, #tpu.memory_space<vmem>> -> memref<1x128x64xf32, #tpu.memory_space<vmem>>
        %dma_wait3A_459 = tpu.memref_squeeze %dma_wait3A_458 : memref<1x128x64xf32, #tpu.memory_space<vmem>> -> memref<128x64xf32, #tpu.memory_space<vmem>>
        %dma_wait3A_460 = arith.constant 0 : i32
        %dma_wait3A_461 = arith.constant 0 : i32
        %dma_wait3A_462 = tpu.memref_slice %arg8[%select_n3A, %dma_wait3A_460, %dma_wait3A_461] : memref<16x4096x64xf32, #tpu.memory_space<hbm>> -> memref<1x128x64xf32, #tpu.memory_space<hbm>>
        %dma_wait3A_463 = tpu.memref_squeeze %dma_wait3A_462 : memref<1x128x64xf32, #tpu.memory_space<hbm>> -> memref<128x64xf32, #tpu.memory_space<hbm>>
        %dma_wait3A_464 = tpu.memref_slice %arg19[%rem3A_455] : memref<4x!tpu.dma_semaphore, #tpu.memory_space<semaphore_mem>> -> memref<1x!tpu.dma_semaphore, #tpu.memory_space<semaphore_mem>>
        %dma_wait3A_465 = tpu.memref_squeeze %dma_wait3A_464 : memref<1x!tpu.dma_semaphore, #tpu.memory_space<semaphore_mem>> -> memref<!tpu.dma_semaphore, #tpu.memory_space<semaphore_mem>>
        %dma_wait3A_466 = arith.constant 0 : i32
        %dma_wait3A_467 = arith.constant 0 : i32
        %dma_wait3A_468 = tpu.memref_slice %arg18[%rem3A_455, %dma_wait3A_466, %dma_wait3A_467] : memref<4x128x64xf32, #tpu.memory_space<vmem>> -> memref<1x128x64xf32, #tpu.memory_space<vmem>>
        %dma_wait3A_469 = tpu.memref_squeeze %dma_wait3A_468 : memref<1x128x64xf32, #tpu.memory_space<vmem>> -> memref<128x64xf32, #tpu.memory_space<vmem>>
        %dma_wait3A_470 = arith.constant 0 : i32
        %dma_wait3A_471 = arith.constant 0 : i32
        %dma_wait3A_472 = tpu.memref_slice %arg8[%select_n3A, %dma_wait3A_470, %dma_wait3A_471] : memref<16x4096x64xf32, #tpu.memory_space<hbm>> -> memref<1x128x64xf32, #tpu.memory_space<hbm>>
        %dma_wait3A_473 = tpu.memref_squeeze %dma_wait3A_472 : memref<1x128x64xf32, #tpu.memory_space<hbm>> -> memref<128x64xf32, #tpu.memory_space<hbm>>
        tpu.wait_dma2 semaphore(%dma_wait3A_465 : memref<!tpu.dma_semaphore, #tpu.memory_space<semaphore_mem>>) src(%dma_wait3A_473 : memref<128x64xf32, #tpu.memory_space<hbm>>) dst(%dma_wait3A_469 : memref<128x64xf32, #tpu.memory_space<vmem>>)
        %sub3A_474 = arith.constant 1 : i32
        %sub3A_475 = arith.subi %scan3A_171, %sub3A_474 : i32
        %mul3A_476 = arith.constant 512 : i32
        %mul3A_477 = arith.muli %select_n3A, %mul3A_476 : i32
        %add3A_478 = arith.addi %mul3A_477, %mul3A_32 : i32
        %mul3A_479 = arith.constant 4 : i32
        %mul3A_480 = arith.muli %sub3A_475, %mul3A_479 : i32
        %add3A_481 = arith.addi %add3A_478, %mul3A_480 : i32
        %mul3A_482 = arith.constant 32 : i32
        %mul3A_483 = arith.muli %add3A_481, %mul3A_482 : i32
        %dma_start3A_484 = arith.constant 0 : i32
        %dma_start3A_485 = arith.constant 0 : i32
        %dma_start3A_486 = tpu.memref_slice %arg18[%rem3A_455, %dma_start3A_484, %dma_start3A_485] : memref<4x128x64xf32, #tpu.memory_space<vmem>> -> memref<1x128x64xf32, #tpu.memory_space<vmem>>
        %dma_start3A_487 = tpu.memref_squeeze %dma_start3A_486 : memref<1x128x64xf32, #tpu.memory_space<vmem>> -> memref<128x64xf32, #tpu.memory_space<vmem>>
        %dma_start3A_488 = arith.constant 0 : i32
        %dma_start3A_489 = tpu.memref_slice %arg9[%mul3A_483, %dma_start3A_488] : memref<262144x64xf32, #tpu.memory_space<hbm>> -> memref<128x64xf32, #tpu.memory_space<hbm>>
        %dma_start3A_490 = tpu.memref_slice %arg20[%rem3A_455] : memref<4x!tpu.dma_semaphore, #tpu.memory_space<semaphore_mem>> -> memref<1x!tpu.dma_semaphore, #tpu.memory_space<semaphore_mem>>
        %dma_start3A_491 = tpu.memref_squeeze %dma_start3A_490 : memref<1x!tpu.dma_semaphore, #tpu.memory_space<semaphore_mem>> -> memref<!tpu.dma_semaphore, #tpu.memory_space<semaphore_mem>>
        %dma_start3A_492 = arith.constant 0 : i32
        %dma_start3A_493 = tpu.memref_slice %arg9[%mul3A_483, %dma_start3A_492] : memref<262144x64xf32, #tpu.memory_space<hbm>> -> memref<128x64xf32, #tpu.memory_space<hbm>>
        %dma_start3A_494 = arith.constant 0 : i32
        %dma_start3A_495 = arith.constant 0 : i32
        %dma_start3A_496 = tpu.memref_slice %arg18[%rem3A_455, %dma_start3A_494, %dma_start3A_495] : memref<4x128x64xf32, #tpu.memory_space<vmem>> -> memref<1x128x64xf32, #tpu.memory_space<vmem>>
        %dma_start3A_497 = tpu.memref_squeeze %dma_start3A_496 : memref<1x128x64xf32, #tpu.memory_space<vmem>> -> memref<128x64xf32, #tpu.memory_space<vmem>>
        tpu.enqueue_dma source(%dma_start3A_497 : memref<128x64xf32, #tpu.memory_space<vmem>>) target(%dma_start3A_493 : memref<128x64xf32, #tpu.memory_space<hbm>>) target_semaphore(%dma_start3A_491 : memref<!tpu.dma_semaphore, #tpu.memory_space<semaphore_mem>>)
      } else {
      }
    }
    %scan3A_37 = arith.constant 64 : i32
    %dma_wait3A = arith.constant 3 : i32
    %dma_wait3A_38 = arith.constant 3 : i32
    %dma_wait3A_39 = arith.constant 0 : i32
    %dma_wait3A_40 = arith.constant 0 : i32
    %dma_wait3A_41 = tpu.memref_slice %arg18[%dma_wait3A, %dma_wait3A_39, %dma_wait3A_40] : memref<4x128x64xf32, #tpu.memory_space<vmem>> -> memref<1x128x64xf32, #tpu.memory_space<vmem>>
    %dma_wait3A_42 = tpu.memref_squeeze %dma_wait3A_41 : memref<1x128x64xf32, #tpu.memory_space<vmem>> -> memref<128x64xf32, #tpu.memory_space<vmem>>
    %dma_wait3A_43 = arith.constant 0 : i32
    %dma_wait3A_44 = arith.constant 0 : i32
    %dma_wait3A_45 = tpu.memref_slice %arg8[%select_n3A, %dma_wait3A_43, %dma_wait3A_44] : memref<16x4096x64xf32, #tpu.memory_space<hbm>> -> memref<1x128x64xf32, #tpu.memory_space<hbm>>
    %dma_wait3A_46 = tpu.memref_squeeze %dma_wait3A_45 : memref<1x128x64xf32, #tpu.memory_space<hbm>> -> memref<128x64xf32, #tpu.memory_space<hbm>>
    %dma_wait3A_47 = tpu.memref_slice %arg19[%dma_wait3A_38] : memref<4x!tpu.dma_semaphore, #tpu.memory_space<semaphore_mem>> -> memref<1x!tpu.dma_semaphore, #tpu.memory_space<semaphore_mem>>
    %dma_wait3A_48 = tpu.memref_squeeze %dma_wait3A_47 : memref<1x!tpu.dma_semaphore, #tpu.memory_space<semaphore_mem>> -> memref<!tpu.dma_semaphore, #tpu.memory_space<semaphore_mem>>
    %dma_wait3A_49 = arith.constant 0 : i32
    %dma_wait3A_50 = arith.constant 0 : i32
    %dma_wait3A_51 = tpu.memref_slice %arg18[%dma_wait3A, %dma_wait3A_49, %dma_wait3A_50] : memref<4x128x64xf32, #tpu.memory_space<vmem>> -> memref<1x128x64xf32, #tpu.memory_space<vmem>>
    %dma_wait3A_52 = tpu.memref_squeeze %dma_wait3A_51 : memref<1x128x64xf32, #tpu.memory_space<vmem>> -> memref<128x64xf32, #tpu.memory_space<vmem>>
    %dma_wait3A_53 = arith.constant 0 : i32
    %dma_wait3A_54 = arith.constant 0 : i32
    %dma_wait3A_55 = tpu.memref_slice %arg8[%select_n3A, %dma_wait3A_53, %dma_wait3A_54] : memref<16x4096x64xf32, #tpu.memory_space<hbm>> -> memref<1x128x64xf32, #tpu.memory_space<hbm>>
    %dma_wait3A_56 = tpu.memref_squeeze %dma_wait3A_55 : memref<1x128x64xf32, #tpu.memory_space<hbm>> -> memref<128x64xf32, #tpu.memory_space<hbm>>
    tpu.wait_dma2 semaphore(%dma_wait3A_48 : memref<!tpu.dma_semaphore, #tpu.memory_space<semaphore_mem>>) src(%dma_wait3A_56 : memref<128x64xf32, #tpu.memory_space<hbm>>) dst(%dma_wait3A_52 : memref<128x64xf32, #tpu.memory_space<vmem>>)
    %mul3A_57 = arith.constant 512 : i32
    %mul3A_58 = arith.muli %select_n3A, %mul3A_57 : i32
    %add3A_59 = arith.addi %mul3A_58, %mul3A_32 : i32
    %add3A_60 = arith.constant 252 : i32
    %add3A_61 = arith.addi %add3A_59, %add3A_60 : i32
    %mul3A_62 = arith.constant 32 : i32
    %mul3A_63 = arith.muli %add3A_61, %mul3A_62 : i32
    %dma_start3A = arith.constant 3 : i32
    %dma_start3A_64 = arith.constant 3 : i32
    %dma_start3A_65 = arith.constant 0 : i32
    %dma_start3A_66 = arith.constant 0 : i32
    %dma_start3A_67 = tpu.memref_slice %arg18[%dma_start3A, %dma_start3A_65, %dma_start3A_66] : memref<4x128x64xf32, #tpu.memory_space<vmem>> -> memref<1x128x64xf32, #tpu.memory_space<vmem>>
    %dma_start3A_68 = tpu.memref_squeeze %dma_start3A_67 : memref<1x128x64xf32, #tpu.memory_space<vmem>> -> memref<128x64xf32, #tpu.memory_space<vmem>>
    %dma_start3A_69 = arith.constant 0 : i32
    %dma_start3A_70 = tpu.memref_slice %arg9[%mul3A_63, %dma_start3A_69] : memref<262144x64xf32, #tpu.memory_space<hbm>> -> memref<128x64xf32, #tpu.memory_space<hbm>>
    %dma_start3A_71 = tpu.memref_slice %arg20[%dma_start3A_64] : memref<4x!tpu.dma_semaphore, #tpu.memory_space<semaphore_mem>> -> memref<1x!tpu.dma_semaphore, #tpu.memory_space<semaphore_mem>>
    %dma_start3A_72 = tpu.memref_squeeze %dma_start3A_71 : memref<1x!tpu.dma_semaphore, #tpu.memory_space<semaphore_mem>> -> memref<!tpu.dma_semaphore, #tpu.memory_space<semaphore_mem>>
    %dma_start3A_73 = arith.constant 0 : i32
    %dma_start3A_74 = tpu.memref_slice %arg9[%mul3A_63, %dma_start3A_73] : memref<262144x64xf32, #tpu.memory_space<hbm>> -> memref<128x64xf32, #tpu.memory_space<hbm>>
    %dma_start3A_75 = arith.constant 0 : i32
    %dma_start3A_76 = arith.constant 0 : i32
    %dma_start3A_77 = tpu.memref_slice %arg18[%dma_start3A, %dma_start3A_75, %dma_start3A_76] : memref<4x128x64xf32, #tpu.memory_space<vmem>> -> memref<1x128x64xf32, #tpu.memory_space<vmem>>
    %dma_start3A_78 = tpu.memref_squeeze %dma_start3A_77 : memref<1x128x64xf32, #tpu.memory_space<vmem>> -> memref<128x64xf32, #tpu.memory_space<vmem>>
    tpu.enqueue_dma source(%dma_start3A_78 : memref<128x64xf32, #tpu.memory_space<vmem>>) target(%dma_start3A_74 : memref<128x64xf32, #tpu.memory_space<hbm>>) target_semaphore(%dma_start3A_72 : memref<!tpu.dma_semaphore, #tpu.memory_space<semaphore_mem>>)
    %mul3A_79 = arith.constant 512 : i32
    %mul3A_80 = arith.muli %select_n3A, %mul3A_79 : i32
    %add3A_81 = arith.addi %mul3A_80, %mul3A_32 : i32
    %add3A_82 = arith.constant 0 : i32
    %add3A_83 = arith.addi %add3A_81, %add3A_82 : i32
    %mul3A_84 = arith.constant 32 : i32
    %mul3A_85 = arith.muli %add3A_83, %mul3A_84 : i32
    %dma_wait3A_86 = arith.constant 0 : i32
    %dma_wait3A_87 = arith.constant 0 : i32
    %dma_wait3A_88 = arith.constant 0 : i32
    %dma_wait3A_89 = arith.constant 0 : i32
    %dma_wait3A_90 = tpu.memref_slice %arg18[%dma_wait3A_86, %dma_wait3A_88, %dma_wait3A_89] : memref<4x128x64xf32, #tpu.memory_space<vmem>> -> memref<1x128x64xf32, #tpu.memory_space<vmem>>
    %dma_wait3A_91 = tpu.memref_squeeze %dma_wait3A_90 : memref<1x128x64xf32, #tpu.memory_space<vmem>> -> memref<128x64xf32, #tpu.memory_space<vmem>>
    %dma_wait3A_92 = arith.constant 0 : i32
    %dma_wait3A_93 = tpu.memref_slice %arg9[%mul3A_85, %dma_wait3A_92] : memref<262144x64xf32, #tpu.memory_space<hbm>> -> memref<128x64xf32, #tpu.memory_space<hbm>>
    %dma_wait3A_94 = tpu.memref_slice %arg20[%dma_wait3A_87] : memref<4x!tpu.dma_semaphore, #tpu.memory_space<semaphore_mem>> -> memref<1x!tpu.dma_semaphore, #tpu.memory_space<semaphore_mem>>
    %dma_wait3A_95 = tpu.memref_squeeze %dma_wait3A_94 : memref<1x!tpu.dma_semaphore, #tpu.memory_space<semaphore_mem>> -> memref<!tpu.dma_semaphore, #tpu.memory_space<semaphore_mem>>
    %dma_wait3A_96 = arith.constant 0 : i32
    %dma_wait3A_97 = tpu.memref_slice %arg9[%mul3A_85, %dma_wait3A_96] : memref<262144x64xf32, #tpu.memory_space<hbm>> -> memref<128x64xf32, #tpu.memory_space<hbm>>
    %dma_wait3A_98 = arith.constant 0 : i32
    %dma_wait3A_99 = arith.constant 0 : i32
    %dma_wait3A_100 = tpu.memref_slice %arg18[%dma_wait3A_86, %dma_wait3A_98, %dma_wait3A_99] : memref<4x128x64xf32, #tpu.memory_space<vmem>> -> memref<1x128x64xf32, #tpu.memory_space<vmem>>
    %dma_wait3A_101 = tpu.memref_squeeze %dma_wait3A_100 : memref<1x128x64xf32, #tpu.memory_space<vmem>> -> memref<128x64xf32, #tpu.memory_space<vmem>>
    tpu.wait_dma2 semaphore(%dma_wait3A_95 : memref<!tpu.dma_semaphore, #tpu.memory_space<semaphore_mem>>) src(%dma_wait3A_101 : memref<128x64xf32, #tpu.memory_space<vmem>>) dst(%dma_wait3A_97 : memref<128x64xf32, #tpu.memory_space<hbm>>)
    %mul3A_102 = arith.constant 512 : i32
    %mul3A_103 = arith.muli %select_n3A, %mul3A_102 : i32
    %add3A_104 = arith.addi %mul3A_103, %mul3A_32 : i32
    %add3A_105 = arith.constant 0 : i32
    %add3A_106 = arith.addi %add3A_104, %add3A_105 : i32
    %mul3A_107 = arith.constant 32 : i32
    %mul3A_108 = arith.muli %add3A_106, %mul3A_107 : i32
    %dma_wait3A_109 = arith.constant 1 : i32
    %dma_wait3A_110 = arith.constant 1 : i32
    %dma_wait3A_111 = arith.constant 0 : i32
    %dma_wait3A_112 = arith.constant 0 : i32
    %dma_wait3A_113 = tpu.memref_slice %arg18[%dma_wait3A_109, %dma_wait3A_111, %dma_wait3A_112] : memref<4x128x64xf32, #tpu.memory_space<vmem>> -> memref<1x128x64xf32, #tpu.memory_space<vmem>>
    %dma_wait3A_114 = tpu.memref_squeeze %dma_wait3A_113 : memref<1x128x64xf32, #tpu.memory_space<vmem>> -> memref<128x64xf32, #tpu.memory_space<vmem>>
    %dma_wait3A_115 = arith.constant 0 : i32
    %dma_wait3A_116 = tpu.memref_slice %arg9[%mul3A_108, %dma_wait3A_115] : memref<262144x64xf32, #tpu.memory_space<hbm>> -> memref<128x64xf32, #tpu.memory_space<hbm>>
    %dma_wait3A_117 = tpu.memref_slice %arg20[%dma_wait3A_110] : memref<4x!tpu.dma_semaphore, #tpu.memory_space<semaphore_mem>> -> memref<1x!tpu.dma_semaphore, #tpu.memory_space<semaphore_mem>>
    %dma_wait3A_118 = tpu.memref_squeeze %dma_wait3A_117 : memref<1x!tpu.dma_semaphore, #tpu.memory_space<semaphore_mem>> -> memref<!tpu.dma_semaphore, #tpu.memory_space<semaphore_mem>>
    %dma_wait3A_119 = arith.constant 0 : i32
    %dma_wait3A_120 = tpu.memref_slice %arg9[%mul3A_108, %dma_wait3A_119] : memref<262144x64xf32, #tpu.memory_space<hbm>> -> memref<128x64xf32, #tpu.memory_space<hbm>>
    %dma_wait3A_121 = arith.constant 0 : i32
    %dma_wait3A_122 = arith.constant 0 : i32
    %dma_wait3A_123 = tpu.memref_slice %arg18[%dma_wait3A_109, %dma_wait3A_121, %dma_wait3A_122] : memref<4x128x64xf32, #tpu.memory_space<vmem>> -> memref<1x128x64xf32, #tpu.memory_space<vmem>>
    %dma_wait3A_124 = tpu.memref_squeeze %dma_wait3A_123 : memref<1x128x64xf32, #tpu.memory_space<vmem>> -> memref<128x64xf32, #tpu.memory_space<vmem>>
    tpu.wait_dma2 semaphore(%dma_wait3A_118 : memref<!tpu.dma_semaphore, #tpu.memory_space<semaphore_mem>>) src(%dma_wait3A_124 : memref<128x64xf32, #tpu.memory_space<vmem>>) dst(%dma_wait3A_120 : memref<128x64xf32, #tpu.memory_space<hbm>>)
    %mul3A_125 = arith.constant 512 : i32
    %mul3A_126 = arith.muli %select_n3A, %mul3A_125 : i32
    %add3A_127 = arith.addi %mul3A_126, %mul3A_32 : i32
    %add3A_128 = arith.constant 0 : i32
    %add3A_129 = arith.addi %add3A_127, %add3A_128 : i32
    %mul3A_130 = arith.constant 32 : i32
    %mul3A_131 = arith.muli %add3A_129, %mul3A_130 : i32
    %dma_wait3A_132 = arith.constant 2 : i32
    %dma_wait3A_133 = arith.constant 2 : i32
    %dma_wait3A_134 = arith.constant 0 : i32
    %dma_wait3A_135 = arith.constant 0 : i32
    %dma_wait3A_136 = tpu.memref_slice %arg18[%dma_wait3A_132, %dma_wait3A_134, %dma_wait3A_135] : memref<4x128x64xf32, #tpu.memory_space<vmem>> -> memref<1x128x64xf32, #tpu.memory_space<vmem>>
    %dma_wait3A_137 = tpu.memref_squeeze %dma_wait3A_136 : memref<1x128x64xf32, #tpu.memory_space<vmem>> -> memref<128x64xf32, #tpu.memory_space<vmem>>
    %dma_wait3A_138 = arith.constant 0 : i32
    %dma_wait3A_139 = tpu.memref_slice %arg9[%mul3A_131, %dma_wait3A_138] : memref<262144x64xf32, #tpu.memory_space<hbm>> -> memref<128x64xf32, #tpu.memory_space<hbm>>
    %dma_wait3A_140 = tpu.memref_slice %arg20[%dma_wait3A_133] : memref<4x!tpu.dma_semaphore, #tpu.memory_space<semaphore_mem>> -> memref<1x!tpu.dma_semaphore, #tpu.memory_space<semaphore_mem>>
    %dma_wait3A_141 = tpu.memref_squeeze %dma_wait3A_140 : memref<1x!tpu.dma_semaphore, #tpu.memory_space<semaphore_mem>> -> memref<!tpu.dma_semaphore, #tpu.memory_space<semaphore_mem>>
    %dma_wait3A_142 = arith.constant 0 : i32
    %dma_wait3A_143 = tpu.memref_slice %arg9[%mul3A_131, %dma_wait3A_142] : memref<262144x64xf32, #tpu.memory_space<hbm>> -> memref<128x64xf32, #tpu.memory_space<hbm>>
    %dma_wait3A_144 = arith.constant 0 : i32
    %dma_wait3A_145 = arith.constant 0 : i32
    %dma_wait3A_146 = tpu.memref_slice %arg18[%dma_wait3A_132, %dma_wait3A_144, %dma_wait3A_145] : memref<4x128x64xf32, #tpu.memory_space<vmem>> -> memref<1x128x64xf32, #tpu.memory_space<vmem>>
    %dma_wait3A_147 = tpu.memref_squeeze %dma_wait3A_146 : memref<1x128x64xf32, #tpu.memory_space<vmem>> -> memref<128x64xf32, #tpu.memory_space<vmem>>
    tpu.wait_dma2 semaphore(%dma_wait3A_141 : memref<!tpu.dma_semaphore, #tpu.memory_space<semaphore_mem>>) src(%dma_wait3A_147 : memref<128x64xf32, #tpu.memory_space<vmem>>) dst(%dma_wait3A_143 : memref<128x64xf32, #tpu.memory_space<hbm>>)
    %mul3A_148 = arith.constant 512 : i32
    %mul3A_149 = arith.muli %select_n3A, %mul3A_148 : i32
    %add3A_150 = arith.addi %mul3A_149, %mul3A_32 : i32
    %add3A_151 = arith.constant 0 : i32
    %add3A_152 = arith.addi %add3A_150, %add3A_151 : i32
    %mul3A_153 = arith.constant 32 : i32
    %mul3A_154 = arith.muli %add3A_152, %mul3A_153 : i32
    %dma_wait3A_155 = arith.constant 3 : i32
    %dma_wait3A_156 = arith.constant 3 : i32
    %dma_wait3A_157 = arith.constant 0 : i32
    %dma_wait3A_158 = arith.constant 0 : i32
    %dma_wait3A_159 = tpu.memref_slice %arg18[%dma_wait3A_155, %dma_wait3A_157, %dma_wait3A_158] : memref<4x128x64xf32, #tpu.memory_space<vmem>> -> memref<1x128x64xf32, #tpu.memory_space<vmem>>
    %dma_wait3A_160 = tpu.memref_squeeze %dma_wait3A_159 : memref<1x128x64xf32, #tpu.memory_space<vmem>> -> memref<128x64xf32, #tpu.memory_space<vmem>>
    %dma_wait3A_161 = arith.constant 0 : i32
    %dma_wait3A_162 = tpu.memref_slice %arg9[%mul3A_154, %dma_wait3A_161] : memref<262144x64xf32, #tpu.memory_space<hbm>> -> memref<128x64xf32, #tpu.memory_space<hbm>>
    %dma_wait3A_163 = tpu.memref_slice %arg20[%dma_wait3A_156] : memref<4x!tpu.dma_semaphore, #tpu.memory_space<semaphore_mem>> -> memref<1x!tpu.dma_semaphore, #tpu.memory_space<semaphore_mem>>
    %dma_wait3A_164 = tpu.memref_squeeze %dma_wait3A_163 : memref<1x!tpu.dma_semaphore, #tpu.memory_space<semaphore_mem>> -> memref<!tpu.dma_semaphore, #tpu.memory_space<semaphore_mem>>
    %dma_wait3A_165 = arith.constant 0 : i32
    %dma_wait3A_166 = tpu.memref_slice %arg9[%mul3A_154, %dma_wait3A_165] : memref<262144x64xf32, #tpu.memory_space<hbm>> -> memref<128x64xf32, #tpu.memory_space<hbm>>
    %dma_wait3A_167 = arith.constant 0 : i32
    %dma_wait3A_168 = arith.constant 0 : i32
    %dma_wait3A_169 = tpu.memref_slice %arg18[%dma_wait3A_155, %dma_wait3A_167, %dma_wait3A_168] : memref<4x128x64xf32, #tpu.memory_space<vmem>> -> memref<1x128x64xf32, #tpu.memory_space<vmem>>
    %dma_wait3A_170 = tpu.memref_squeeze %dma_wait3A_169 : memref<1x128x64xf32, #tpu.memory_space<vmem>> -> memref<128x64xf32, #tpu.memory_space<vmem>>
    tpu.wait_dma2 semaphore(%dma_wait3A_164 : memref<!tpu.dma_semaphore, #tpu.memory_space<semaphore_mem>>) src(%dma_wait3A_170 : memref<128x64xf32, #tpu.memory_space<vmem>>) dst(%dma_wait3A_166 : memref<128x64xf32, #tpu.memory_space<hbm>>)
    return
  }
}

module attributes {stable_mosaic.version = 14 : i64} {
  func.func @_fps_body(%arg0: memref<16x4096xf32, #tpu.memory_space<vmem>>, %arg1: memref<16x4096xf32, #tpu.memory_space<vmem>>, %arg2: memref<16x4096xf32, #tpu.memory_space<vmem>>, %arg3: memref<16x512xf32, #tpu.memory_space<vmem>>, %arg4: memref<16x512xf32, #tpu.memory_space<vmem>>, %arg5: memref<16x512xf32, #tpu.memory_space<vmem>>, %arg6: memref<16x4096xf32, #tpu.memory_space<vmem>>) attributes {dimension_semantics = [], scalar_prefetch = 0 : i64, scratch_operands = 1 : i64, tpu.core_type = #tpu.core_type<tc>} {
    %iota3A = tpu.iota {dimensions = array<i32: 1>} : vector<16x512xi32>
    %broadcast_in_dim3A = arith.constant 1.000000e+10 : f32
    %broadcast_in_dim3A_0 = vector.broadcast %broadcast_in_dim3A : f32 to vector<16x4096xf32>
    %swap3A = arith.constant 0 : index
    %swap3A_1 = arith.constant 0 : index
    %swap3A_2 = vector.load %arg6[%swap3A, %swap3A_1] : memref<16x4096xf32, #tpu.memory_space<vmem>>, vector<16x4096xf32>
    tpu.vector_store %arg6[%swap3A, %swap3A_1], %broadcast_in_dim3A_0 {strides = array<i32>} : memref<16x4096xf32, #tpu.memory_space<vmem>>, vector<16x4096xf32>,
    %get3A = arith.constant 0 : index
    %get3A_3 = arith.constant 0 : index
    %get3A_4 = vector.load %arg0[%get3A, %get3A_3] : memref<16x4096xf32, #tpu.memory_space<vmem>>, vector<16x4096xf32>
    %get3A_5 = arith.constant 0 : index
    %get3A_6 = arith.constant 0 : index
    %get3A_7 = vector.load %arg1[%get3A_5, %get3A_6] : memref<16x4096xf32, #tpu.memory_space<vmem>>, vector<16x4096xf32>
    %get3A_8 = arith.constant 0 : index
    %get3A_9 = arith.constant 0 : index
    %get3A_10 = vector.load %arg2[%get3A_8, %get3A_9] : memref<16x4096xf32, #tpu.memory_space<vmem>>, vector<16x4096xf32>
    %broadcast_in_dim3A_11 = arith.constant 0.000000e+00 : f32
    %broadcast_in_dim3A_12 = vector.broadcast %broadcast_in_dim3A_11 : f32 to vector<16x512xf32>
    %slice3A = vector.extract_strided_slice %get3A_4 {offsets = [0, 0], sizes = [16, 1], strides = [1, 1]} : vector<16x4096xf32> to vector<16x1xf32>
    %slice3A_13 = vector.extract_strided_slice %get3A_7 {offsets = [0, 0], sizes = [16, 1], strides = [1, 1]} : vector<16x4096xf32> to vector<16x1xf32>
    %slice3A_14 = vector.extract_strided_slice %get3A_10 {offsets = [0, 0], sizes = [16, 1], strides = [1, 1]} : vector<16x4096xf32> to vector<16x1xf32>
    %scan3A = arith.constant 0 : i32
    %scan3A_15 = arith.constant 512 : i32
    %scan3A_16 = arith.addi %scan3A, %scan3A_15 : i32
    %scan3A_17 = arith.constant 1 : i32
    %scan3A_18:6 = scf.for %scan3A_29 = %scan3A to %scan3A_16 step %scan3A_17 iter_args(%scan3A_30 = %slice3A, %scan3A_31 = %slice3A_13, %scan3A_32 = %slice3A_14, %scan3A_33 = %broadcast_in_dim3A_12, %scan3A_34 = %broadcast_in_dim3A_12, %scan3A_35 = %broadcast_in_dim3A_12) -> (vector<16x1xf32>, vector<16x1xf32>, vector<16x1xf32>, vector<16x512xf32>, vector<16x512xf32>, vector<16x512xf32>)  : i32 {
      %eq3A = vector.broadcast %scan3A_29 : i32 to vector<16x512xi32>
      %eq3A_36 = arith.cmpi eq, %iota3A, %eq3A : vector<16x512xi32>
      %broadcast_in_dim3A_37 = vector.shape_cast %scan3A_30 : vector<16x1xf32> to vector<16x1xf32>
      %broadcast_in_dim3A_38 = vector.broadcast %broadcast_in_dim3A_37 : vector<16x1xf32> to vector<16x512xf32>
      %select_n3A = arith.select %eq3A_36, %broadcast_in_dim3A_38, %scan3A_33 : vector<16x512xi1>, vector<16x512xf32>
      %broadcast_in_dim3A_39 = vector.shape_cast %scan3A_31 : vector<16x1xf32> to vector<16x1xf32>
      %broadcast_in_dim3A_40 = vector.broadcast %broadcast_in_dim3A_39 : vector<16x1xf32> to vector<16x512xf32>
      %select_n3A_41 = arith.select %eq3A_36, %broadcast_in_dim3A_40, %scan3A_34 : vector<16x512xi1>, vector<16x512xf32>
      %broadcast_in_dim3A_42 = vector.shape_cast %scan3A_32 : vector<16x1xf32> to vector<16x1xf32>
      %broadcast_in_dim3A_43 = vector.broadcast %broadcast_in_dim3A_42 : vector<16x1xf32> to vector<16x512xf32>
      %select_n3A_44 = arith.select %eq3A_36, %broadcast_in_dim3A_43, %scan3A_35 : vector<16x512xi1>, vector<16x512xf32>
      %sub3A = vector.broadcast %scan3A_30 : vector<16x1xf32> to vector<16x4096xf32>
      %sub3A_45 = arith.subf %get3A_4, %sub3A : vector<16x4096xf32>
      %sub3A_46 = vector.broadcast %scan3A_31 : vector<16x1xf32> to vector<16x4096xf32>
      %sub3A_47 = arith.subf %get3A_7, %sub3A_46 : vector<16x4096xf32>
      %sub3A_48 = vector.broadcast %scan3A_32 : vector<16x1xf32> to vector<16x4096xf32>
      %sub3A_49 = arith.subf %get3A_10, %sub3A_48 : vector<16x4096xf32>
      %mul3A = arith.mulf %sub3A_45, %sub3A_45 : vector<16x4096xf32>
      %mul3A_50 = arith.mulf %sub3A_47, %sub3A_47 : vector<16x4096xf32>
      %add3A = arith.addf %mul3A, %mul3A_50 : vector<16x4096xf32>
      %mul3A_51 = arith.mulf %sub3A_49, %sub3A_49 : vector<16x4096xf32>
      %add3A_52 = arith.addf %add3A, %mul3A_51 : vector<16x4096xf32>
      %get3A_53 = arith.constant 0 : index
      %get3A_54 = arith.constant 0 : index
      %get3A_55 = vector.load %arg6[%get3A_53, %get3A_54] : memref<16x4096xf32, #tpu.memory_space<vmem>>, vector<16x4096xf32>
      %min3A = arith.minimumf %get3A_55, %add3A_52 : vector<16x4096xf32>
      %swap3A_56 = arith.constant 0 : index
      %swap3A_57 = arith.constant 0 : index
      %swap3A_58 = vector.load %arg6[%swap3A_56, %swap3A_57] : memref<16x4096xf32, #tpu.memory_space<vmem>>, vector<16x4096xf32>
      tpu.vector_store %arg6[%swap3A_56, %swap3A_57], %min3A {strides = array<i32>} : memref<16x4096xf32, #tpu.memory_space<vmem>>, vector<16x4096xf32>,
      %reduce_max3A = arith.constant dense<0xFF800000> : vector<16xf32>
      %reduce_max3A_59 = vector.multi_reduction <maximumf>, %min3A, %reduce_max3A [1] : vector<16x4096xf32> to vector<16xf32>
      %broadcast_in_dim3A_60 = vector.shape_cast %reduce_max3A_59 : vector<16xf32> to vector<16x1xf32>
      %eq3A_61 = vector.broadcast %broadcast_in_dim3A_60 : vector<16x1xf32> to vector<16x4096xf32>
      %eq3A_62 = arith.cmpf oeq, %min3A, %eq3A_61 : vector<16x4096xf32>
      %jit3A = arith.constant -1.000000e+30 : f32
      %broadcast_in_dim3A_63 = vector.broadcast %jit3A : f32 to vector<16x4096xf32>
      %select_n3A_64 = arith.select %eq3A_62, %get3A_4, %broadcast_in_dim3A_63 : vector<16x4096xi1>, vector<16x4096xf32>
      %reduce_max3A_65 = arith.constant dense<0xFF800000> : vector<16xf32>
      %reduce_max3A_66 = vector.multi_reduction <maximumf>, %select_n3A_64, %reduce_max3A_65 [1] : vector<16x4096xf32> to vector<16xf32>
      %broadcast_in_dim3A_67 = vector.shape_cast %reduce_max3A_66 : vector<16xf32> to vector<16x1xf32>
      %jit3A_68 = arith.constant -1.000000e+30 : f32
      %broadcast_in_dim3A_69 = vector.broadcast %jit3A_68 : f32 to vector<16x4096xf32>
      %select_n3A_70 = arith.select %eq3A_62, %get3A_7, %broadcast_in_dim3A_69 : vector<16x4096xi1>, vector<16x4096xf32>
      %reduce_max3A_71 = arith.constant dense<0xFF800000> : vector<16xf32>
      %reduce_max3A_72 = vector.multi_reduction <maximumf>, %select_n3A_70, %reduce_max3A_71 [1] : vector<16x4096xf32> to vector<16xf32>
      %broadcast_in_dim3A_73 = vector.shape_cast %reduce_max3A_72 : vector<16xf32> to vector<16x1xf32>
      %jit3A_74 = arith.constant -1.000000e+30 : f32
      %broadcast_in_dim3A_75 = vector.broadcast %jit3A_74 : f32 to vector<16x4096xf32>
      %select_n3A_76 = arith.select %eq3A_62, %get3A_10, %broadcast_in_dim3A_75 : vector<16x4096xi1>, vector<16x4096xf32>
      %reduce_max3A_77 = arith.constant dense<0xFF800000> : vector<16xf32>
      %reduce_max3A_78 = vector.multi_reduction <maximumf>, %select_n3A_76, %reduce_max3A_77 [1] : vector<16x4096xf32> to vector<16xf32>
      %broadcast_in_dim3A_79 = vector.shape_cast %reduce_max3A_78 : vector<16xf32> to vector<16x1xf32>
      scf.yield %broadcast_in_dim3A_67, %broadcast_in_dim3A_73, %broadcast_in_dim3A_79, %select_n3A, %select_n3A_41, %select_n3A_44 : vector<16x1xf32>, vector<16x1xf32>, vector<16x1xf32>, vector<16x512xf32>, vector<16x512xf32>, vector<16x512xf32>
    }
    %scan3A_19 = arith.constant 512 : i32
    %swap3A_20 = arith.constant 0 : index
    %swap3A_21 = arith.constant 0 : index
    %swap3A_22 = vector.load %arg3[%swap3A_20, %swap3A_21] : memref<16x512xf32, #tpu.memory_space<vmem>>, vector<16x512xf32>
    tpu.vector_store %arg3[%swap3A_20, %swap3A_21], %scan3A_18#3 {strides = array<i32>} : memref<16x512xf32, #tpu.memory_space<vmem>>, vector<16x512xf32>,
    %swap3A_23 = arith.constant 0 : index
    %swap3A_24 = arith.constant 0 : index
    %swap3A_25 = vector.load %arg4[%swap3A_23, %swap3A_24] : memref<16x512xf32, #tpu.memory_space<vmem>>, vector<16x512xf32>
    tpu.vector_store %arg4[%swap3A_23, %swap3A_24], %scan3A_18#4 {strides = array<i32>} : memref<16x512xf32, #tpu.memory_space<vmem>>, vector<16x512xf32>,
    %swap3A_26 = arith.constant 0 : index
    %swap3A_27 = arith.constant 0 : index
    %swap3A_28 = vector.load %arg5[%swap3A_26, %swap3A_27] : memref<16x512xf32, #tpu.memory_space<vmem>>, vector<16x512xf32>
    tpu.vector_store %arg5[%swap3A_26, %swap3A_27], %scan3A_18#5 {strides = array<i32>} : memref<16x512xf32, #tpu.memory_space<vmem>>, vector<16x512xf32>,
    return
  }
}

module attributes {stable_mosaic.version = 14 : i64} {
  func.func @_table2_body(%arg0: i32, %arg1: memref<1x4096x64xf32, #tpu.memory_space<vmem>>, %arg2: memref<1x4096x8xf32, #tpu.memory_space<vmem>>, %arg3: memref<64x64xf32, #tpu.memory_space<vmem>>, %arg4: memref<8x64xf32, #tpu.memory_space<vmem>>, %arg5: memref<8x128xf32, #tpu.memory_space<vmem>>, %arg6: memref<1x4096x64xf32, #tpu.memory_space<vmem>>) attributes {dimension_semantics = [#tpu.dimension_semantics<arbitrary>], iteration_bounds = array<i64: 16>, scalar_prefetch = 0 : i64, scratch_operands = 0 : i64, tpu.core_type = #tpu.core_type<tc>, window_params = [{transform_indices = @transform_0, window_bounds = array<i64: 1, 4096, 64>}, {transform_indices = @transform_1, window_bounds = array<i64: 1, 4096, 8>}, {pipeline_mode = #tpu.pipeline_mode<synchronous>, transform_indices = @transform_2, window_bounds = array<i64: 64, 64>}, {pipeline_mode = #tpu.pipeline_mode<synchronous>, transform_indices = @transform_3, window_bounds = array<i64: 8, 64>}, {pipeline_mode = #tpu.pipeline_mode<synchronous>, transform_indices = @transform_4, window_bounds = array<i64: 8, 128>}, {transform_indices = @transform_5, window_bounds = array<i64: 1, 4096, 64>}]} {
    %get3A = arith.constant 0 : index
    %get3A_0 = arith.constant 0 : index
    %get3A_1 = arith.constant 0 : index
    %get3A_2 = vector.load %arg1[%get3A, %get3A_0, %get3A_1] : memref<1x4096x64xf32, #tpu.memory_space<vmem>>, vector<1x4096x64xf32>
    %get3A_3 = vector.shape_cast %get3A_2 : vector<1x4096x64xf32> to vector<4096x64xf32>
    %convert_element_type3A = arith.truncf %get3A_3 : vector<4096x64xf32> to vector<4096x64xbf16>
    %get3A_4 = arith.constant 0 : index
    %get3A_5 = arith.constant 0 : index
    %get3A_6 = vector.load %arg3[%get3A_4, %get3A_5] : memref<64x64xf32, #tpu.memory_space<vmem>>, vector<64x64xf32>
    %convert_element_type3A_7 = arith.truncf %get3A_6 : vector<64x64xf32> to vector<64x64xbf16>
    %dot_general3A = arith.constant dense<0.000000e+00> : vector<4096x64xf32>
    %dot_general3A_8 = tpu.matmul %convert_element_type3A, %convert_element_type3A_7, %dot_general3A {dimension_numbers = #tpu.dot_dimension_numbers<[1], [0], [0], [1], [0, 0, 1, 1], [], []>, transpose_lhs_hint = false} : vector<4096x64xbf16>, vector<64x64xbf16>, vector<4096x64xf32> -> vector<4096x64xf32>
    %get3A_9 = arith.constant 0 : index
    %get3A_10 = arith.constant 0 : index
    %get3A_11 = arith.constant 0 : index
    %get3A_12 = vector.load %arg2[%get3A_9, %get3A_10, %get3A_11] : memref<1x4096x8xf32, #tpu.memory_space<vmem>>, vector<1x4096x8xf32>
    %get3A_13 = vector.shape_cast %get3A_12 : vector<1x4096x8xf32> to vector<4096x8xf32>
    %convert_element_type3A_14 = arith.truncf %get3A_13 : vector<4096x8xf32> to vector<4096x8xbf16>
    %get3A_15 = arith.constant 0 : index
    %get3A_16 = arith.constant 0 : index
    %get3A_17 = vector.load %arg4[%get3A_15, %get3A_16] : memref<8x64xf32, #tpu.memory_space<vmem>>, vector<8x64xf32>
    %convert_element_type3A_18 = arith.truncf %get3A_17 : vector<8x64xf32> to vector<8x64xbf16>
    %dot_general3A_19 = arith.constant dense<0.000000e+00> : vector<4096x64xf32>
    %dot_general3A_20 = tpu.matmul %convert_element_type3A_14, %convert_element_type3A_18, %dot_general3A_19 {dimension_numbers = #tpu.dot_dimension_numbers<[1], [0], [0], [1], [0, 0, 1, 1], [], []>, transpose_lhs_hint = false} : vector<4096x8xbf16>, vector<8x64xbf16>, vector<4096x64xf32> -> vector<4096x64xf32>
    %add3A = arith.addf %dot_general3A_8, %dot_general3A_20 : vector<4096x64xf32>
    %get3A_21 = arith.constant 0 : index
    %get3A_22 = arith.constant 0 : index
    %get3A_23 = vector.load %arg5[%get3A_21, %get3A_22] : memref<8x128xf32, #tpu.memory_space<vmem>>, vector<1x64xf32>
    %add3A_24 = vector.broadcast %get3A_23 : vector<1x64xf32> to vector<4096x64xf32>
    %add3A_25 = arith.addf %add3A, %add3A_24 : vector<4096x64xf32>
    %swap3A = arith.constant 0 : index
    %swap3A_26 = arith.constant 0 : index
    %swap3A_27 = arith.constant 0 : index
    %swap3A_28 = vector.load %arg6[%swap3A, %swap3A_26, %swap3A_27] : memref<1x4096x64xf32, #tpu.memory_space<vmem>>, vector<1x4096x64xf32>
    %swap3A_29 = vector.shape_cast %swap3A_28 : vector<1x4096x64xf32> to vector<4096x64xf32>
    %swap3A_30 = vector.shape_cast %add3A_25 : vector<4096x64xf32> to vector<1x4096x64xf32>
    tpu.vector_store %arg6[%swap3A, %swap3A_26, %swap3A_27], %swap3A_30 {strides = array<i32>} : memref<1x4096x64xf32, #tpu.memory_space<vmem>>, vector<1x4096x64xf32>,
    return
  }
  func.func @transform_0(%arg0: i32) -> (i32, i32, i32) {
    %c0_i32 = arith.constant 0 : i32
    %c0_i32_0 = arith.constant 0 : i32
    %c0_i32_1 = arith.constant 0 : i32
    return %arg0, %c0_i32, %c0_i32_0 : i32, i32, i32
  }
  func.func @transform_1(%arg0: i32) -> (i32, i32, i32) {
    %c0_i32 = arith.constant 0 : i32
    %c0_i32_0 = arith.constant 0 : i32
    %c0_i32_1 = arith.constant 0 : i32
    return %arg0, %c0_i32, %c0_i32_0 : i32, i32, i32
  }
  func.func @transform_2(%arg0: i32) -> (i32, i32) {
    %c0_i32 = arith.constant 0 : i32
    %c0_i32_0 = arith.constant 0 : i32
    %c0_i32_1 = arith.constant 0 : i32
    return %c0_i32, %c0_i32_0 : i32, i32
  }
  func.func @transform_3(%arg0: i32) -> (i32, i32) {
    %c0_i32 = arith.constant 0 : i32
    %c0_i32_0 = arith.constant 0 : i32
    %c0_i32_1 = arith.constant 0 : i32
    return %c0_i32, %c0_i32_0 : i32, i32
  }
  func.func @transform_4(%arg0: i32) -> (i32, i32) {
    %c0_i32 = arith.constant 0 : i32
    %c0_i32_0 = arith.constant 0 : i32
    %c0_i32_1 = arith.constant 0 : i32
    return %c0_i32, %c0_i32_0 : i32, i32
  }
  func.func @transform_5(%arg0: i32) -> (i32, i32, i32) {
    %c0_i32 = arith.constant 0 : i32
    %c0_i32_0 = arith.constant 0 : i32
    %c0_i32_1 = arith.constant 0 : i32
    return %arg0, %c0_i32, %c0_i32_0 : i32, i32, i32
  }
}

module attributes {stable_mosaic.version = 14 : i64} {
  func.func @_sweep1_body(%arg0: i32, %arg1: memref<2048x64xf32, #tpu.memory_space<vmem>>, %arg2: memref<64x8xf32, #tpu.memory_space<vmem>>, %arg3: memref<8x64xf32, #tpu.memory_space<vmem>>, %arg4: memref<8x128xf32, #tpu.memory_space<vmem>>, %arg5: memref<8x128xf32, #tpu.memory_space<vmem>>) attributes {dimension_semantics = [#tpu.dimension_semantics<arbitrary>], iteration_bounds = array<i64: 128>, scalar_prefetch = 0 : i64, scratch_operands = 0 : i64, tpu.core_type = #tpu.core_type<tc>, window_params = [{transform_indices = @transform_0, window_bounds = array<i64: 2048, 64>}, {transform_indices = @transform_1, window_bounds = array<i64: 64, 8>}, {pipeline_mode = #tpu.pipeline_mode<synchronous>, transform_indices = @transform_2, window_bounds = array<i64: 8, 64>}, {pipeline_mode = #tpu.pipeline_mode<synchronous>, transform_indices = @transform_3, window_bounds = array<i64: 8, 128>}, {pipeline_mode = #tpu.pipeline_mode<synchronous>, transform_indices = @transform_4, window_bounds = array<i64: 8, 128>}]} {
    %get3A = arith.constant 0 : index
    %get3A_0 = arith.constant 0 : index
    %get3A_1 = vector.load %arg2[%get3A, %get3A_0] : memref<64x8xf32, #tpu.memory_space<vmem>>, vector<64x8xf32>
    %convert_element_type3A = arith.truncf %get3A_1 : vector<64x8xf32> to vector<64x8xbf16>
    %get3A_2 = arith.constant 0 : index
    %get3A_3 = arith.constant 0 : index
    %get3A_4 = vector.load %arg3[%get3A_2, %get3A_3] : memref<8x64xf32, #tpu.memory_space<vmem>>, vector<8x64xf32>
    %convert_element_type3A_5 = arith.truncf %get3A_4 : vector<8x64xf32> to vector<8x64xbf16>
    %dot_general3A = arith.constant dense<0.000000e+00> : vector<64x64xf32>
    %dot_general3A_6 = tpu.matmul %convert_element_type3A, %convert_element_type3A_5, %dot_general3A {dimension_numbers = #tpu.dot_dimension_numbers<[1], [0], [0], [1], [0, 0, 1, 1], [], []>, transpose_lhs_hint = false} : vector<64x8xbf16>, vector<8x64xbf16>, vector<64x64xf32> -> vector<64x64xf32>
    %broadcast_in_dim3A = vector.shape_cast %dot_general3A_6 : vector<64x64xf32> to vector<64x1x64xf32>
    %broadcast_in_dim3A_7 = vector.shape_cast %broadcast_in_dim3A : vector<64x1x64xf32> to vector<64x1x64xf32>
    %broadcast_in_dim3A_8 = vector.broadcast %broadcast_in_dim3A_7 : vector<64x1x64xf32> to vector<64x32x64xf32>
    %reshape3A = vector.shape_cast %broadcast_in_dim3A_8 : vector<64x32x64xf32> to vector<2048x64xf32>
    %get3A_9 = arith.constant 0 : index
    %get3A_10 = arith.constant 0 : index
    %get3A_11 = vector.load %arg1[%get3A_9, %get3A_10] : memref<2048x64xf32, #tpu.memory_space<vmem>>, vector<2048x64xf32>
    %sub3A = arith.subf %get3A_11, %reshape3A : vector<2048x64xf32>
    %eq3A = arith.constant 0 : i32
    %eq3A_12 = arith.cmpi eq, %arg0, %eq3A : i32
    %convert_element_type3A_13 = arith.extui %eq3A_12 : i1 to i32
    %cond3A = arith.constant 0 : i32
    %cond3A_14 = arith.cmpi ne, %convert_element_type3A_13, %cond3A : i32
    scf.if %cond3A_14 {
      %broadcast_in_dim3A_32 = arith.constant 0.000000e+00 : f32
      %broadcast_in_dim3A_33 = vector.broadcast %broadcast_in_dim3A_32 : f32 to vector<8x128xf32>
      %swap3A_34 = arith.constant 0 : index
      %swap3A_35 = arith.constant 0 : index
      %swap3A_36 = vector.load %arg4[%swap3A_34, %swap3A_35] : memref<8x128xf32, #tpu.memory_space<vmem>>, vector<8x128xf32>
      tpu.vector_store %arg4[%swap3A_34, %swap3A_35], %broadcast_in_dim3A_33 {strides = array<i32>} : memref<8x128xf32, #tpu.memory_space<vmem>>, vector<8x128xf32>,
      %broadcast_in_dim3A_37 = arith.constant 0.000000e+00 : f32
      %broadcast_in_dim3A_38 = vector.broadcast %broadcast_in_dim3A_37 : f32 to vector<8x128xf32>
      %swap3A_39 = arith.constant 0 : index
      %swap3A_40 = arith.constant 0 : index
      %swap3A_41 = vector.load %arg5[%swap3A_39, %swap3A_40] : memref<8x128xf32, #tpu.memory_space<vmem>>, vector<8x128xf32>
      tpu.vector_store %arg5[%swap3A_39, %swap3A_40], %broadcast_in_dim3A_38 {strides = array<i32>} : memref<8x128xf32, #tpu.memory_space<vmem>>, vector<8x128xf32>,
    } else {
    }
    %get3A_15 = arith.constant 0 : index
    %get3A_16 = arith.constant 0 : index
    %get3A_17 = vector.load %arg4[%get3A_15, %get3A_16] : memref<8x128xf32, #tpu.memory_space<vmem>>, vector<1x64xf32>
    %reduce_sum3A = arith.constant dense<0.000000e+00> : vector<64xf32>
    %reduce_sum3A_18 = vector.multi_reduction <add>, %sub3A, %reduce_sum3A [0] : vector<2048x64xf32> to vector<64xf32>
    %broadcast_in_dim3A_19 = vector.shape_cast %reduce_sum3A_18 : vector<64xf32> to vector<1x64xf32>
    %add3A = arith.addf %get3A_17, %broadcast_in_dim3A_19 : vector<1x64xf32>
    %swap3A = arith.constant 0 : index
    %swap3A_20 = arith.constant 0 : index
    %swap3A_21 = vector.load %arg4[%swap3A, %swap3A_20] : memref<8x128xf32, #tpu.memory_space<vmem>>, vector<1x64xf32>
    tpu.vector_store %arg4[%swap3A, %swap3A_20], %add3A {strides = array<i32>} : memref<8x128xf32, #tpu.memory_space<vmem>>, vector<1x64xf32>,
    %get3A_22 = arith.constant 0 : index
    %get3A_23 = arith.constant 0 : index
    %get3A_24 = vector.load %arg5[%get3A_22, %get3A_23] : memref<8x128xf32, #tpu.memory_space<vmem>>, vector<1x64xf32>
    %mul3A = arith.mulf %sub3A, %sub3A : vector<2048x64xf32>
    %reduce_sum3A_25 = arith.constant dense<0.000000e+00> : vector<64xf32>
    %reduce_sum3A_26 = vector.multi_reduction <add>, %mul3A, %reduce_sum3A_25 [0] : vector<2048x64xf32> to vector<64xf32>
    %broadcast_in_dim3A_27 = vector.shape_cast %reduce_sum3A_26 : vector<64xf32> to vector<1x64xf32>
    %add3A_28 = arith.addf %get3A_24, %broadcast_in_dim3A_27 : vector<1x64xf32>
    %swap3A_29 = arith.constant 0 : index
    %swap3A_30 = arith.constant 0 : index
    %swap3A_31 = vector.load %arg5[%swap3A_29, %swap3A_30] : memref<8x128xf32, #tpu.memory_space<vmem>>, vector<1x64xf32>
    tpu.vector_store %arg5[%swap3A_29, %swap3A_30], %add3A_28 {strides = array<i32>} : memref<8x128xf32, #tpu.memory_space<vmem>>, vector<1x64xf32>,
    return
  }
  func.func @transform_0(%arg0: i32) -> (i32, i32) {
    %c0_i32 = arith.constant 0 : i32
    %c0_i32_0 = arith.constant 0 : i32
    return %arg0, %c0_i32 : i32, i32
  }
  func.func @transform_1(%arg0: i32) -> (i32, i32) {
    %c0_i32 = arith.constant 0 : i32
    %c0_i32_0 = arith.constant 0 : i32
    return %arg0, %c0_i32 : i32, i32
  }
  func.func @transform_2(%arg0: i32) -> (i32, i32) {
    %c0_i32 = arith.constant 0 : i32
    %c0_i32_0 = arith.constant 0 : i32
    %c0_i32_1 = arith.constant 0 : i32
    return %c0_i32, %c0_i32_0 : i32, i32
  }
  func.func @transform_3(%arg0: i32) -> (i32, i32) {
    %c0_i32 = arith.constant 0 : i32
    %c0_i32_0 = arith.constant 0 : i32
    %c0_i32_1 = arith.constant 0 : i32
    return %c0_i32, %c0_i32_0 : i32, i32
  }
  func.func @transform_4(%arg0: i32) -> (i32, i32) {
    %c0_i32 = arith.constant 0 : i32
    %c0_i32_0 = arith.constant 0 : i32
    %c0_i32_1 = arith.constant 0 : i32
    return %c0_i32, %c0_i32_0 : i32, i32
  }
}

module attributes {stable_mosaic.version = 14 : i64} {
  func.func @_sweep2_body(%arg0: i32, %arg1: memref<2048x64xf32, #tpu.memory_space<vmem>>, %arg2: memref<64x8xf32, #tpu.memory_space<vmem>>, %arg3: memref<8x64xf32, #tpu.memory_space<vmem>>, %arg4: memref<8x128xf32, #tpu.memory_space<vmem>>, %arg5: memref<8x128xf32, #tpu.memory_space<vmem>>, %arg6: memref<64x64xf32, #tpu.memory_space<vmem>>, %arg7: memref<8x128xf32, #tpu.memory_space<vmem>>, %arg8: memref<8x128xf32, #tpu.memory_space<vmem>>, %arg9: memref<8x128xf32, #tpu.memory_space<vmem>>) attributes {dimension_semantics = [#tpu.dimension_semantics<arbitrary>], iteration_bounds = array<i64: 128>, scalar_prefetch = 0 : i64, scratch_operands = 0 : i64, tpu.core_type = #tpu.core_type<tc>, window_params = [{transform_indices = @transform_0, window_bounds = array<i64: 2048, 64>}, {transform_indices = @transform_1, window_bounds = array<i64: 64, 8>}, {pipeline_mode = #tpu.pipeline_mode<synchronous>, transform_indices = @transform_2, window_bounds = array<i64: 8, 64>}, {pipeline_mode = #tpu.pipeline_mode<synchronous>, transform_indices = @transform_3, window_bounds = array<i64: 8, 128>}, {pipeline_mode = #tpu.pipeline_mode<synchronous>, transform_indices = @transform_4, window_bounds = array<i64: 8, 128>}, {pipeline_mode = #tpu.pipeline_mode<synchronous>, transform_indices = @transform_5, window_bounds = array<i64: 64, 64>}, {pipeline_mode = #tpu.pipeline_mode<synchronous>, transform_indices = @transform_6, window_bounds = array<i64: 8, 128>}, {pipeline_mode = #tpu.pipeline_mode<synchronous>, transform_indices = @transform_7, window_bounds = array<i64: 8, 128>}, {pipeline_mode = #tpu.pipeline_mode<synchronous>, transform_indices = @transform_8, window_bounds = array<i64: 8, 128>}]} {
    %get3A = arith.constant 0 : index
    %get3A_0 = arith.constant 0 : index
    %get3A_1 = vector.load %arg2[%get3A, %get3A_0] : memref<64x8xf32, #tpu.memory_space<vmem>>, vector<64x8xf32>
    %convert_element_type3A = arith.truncf %get3A_1 : vector<64x8xf32> to vector<64x8xbf16>
    %get3A_2 = arith.constant 0 : index
    %get3A_3 = arith.constant 0 : index
    %get3A_4 = vector.load %arg3[%get3A_2, %get3A_3] : memref<8x64xf32, #tpu.memory_space<vmem>>, vector<8x64xf32>
    %convert_element_type3A_5 = arith.truncf %get3A_4 : vector<8x64xf32> to vector<8x64xbf16>
    %dot_general3A = arith.constant dense<0.000000e+00> : vector<64x64xf32>
    %dot_general3A_6 = tpu.matmul %convert_element_type3A, %convert_element_type3A_5, %dot_general3A {dimension_numbers = #tpu.dot_dimension_numbers<[1], [0], [0], [1], [0, 0, 1, 1], [], []>, transpose_lhs_hint = false} : vector<64x8xbf16>, vector<8x64xbf16>, vector<64x64xf32> -> vector<64x64xf32>
    %broadcast_in_dim3A = vector.shape_cast %dot_general3A_6 : vector<64x64xf32> to vector<64x1x64xf32>
    %broadcast_in_dim3A_7 = vector.shape_cast %broadcast_in_dim3A : vector<64x1x64xf32> to vector<64x1x64xf32>
    %broadcast_in_dim3A_8 = vector.broadcast %broadcast_in_dim3A_7 : vector<64x1x64xf32> to vector<64x32x64xf32>
    %reshape3A = vector.shape_cast %broadcast_in_dim3A_8 : vector<64x32x64xf32> to vector<2048x64xf32>
    %get3A_9 = arith.constant 0 : index
    %get3A_10 = arith.constant 0 : index
    %get3A_11 = vector.load %arg1[%get3A_9, %get3A_10] : memref<2048x64xf32, #tpu.memory_space<vmem>>, vector<2048x64xf32>
    %sub3A = arith.subf %get3A_11, %reshape3A : vector<2048x64xf32>
    %get3A_12 = arith.constant 0 : index
    %get3A_13 = arith.constant 0 : index
    %get3A_14 = vector.load %arg4[%get3A_12, %get3A_13] : memref<8x128xf32, #tpu.memory_space<vmem>>, vector<1x64xf32>
    %mul3A = vector.broadcast %get3A_14 : vector<1x64xf32> to vector<2048x64xf32>
    %mul3A_15 = arith.mulf %sub3A, %mul3A : vector<2048x64xf32>
    %get3A_16 = arith.constant 0 : index
    %get3A_17 = arith.constant 0 : index
    %get3A_18 = vector.load %arg5[%get3A_16, %get3A_17] : memref<8x128xf32, #tpu.memory_space<vmem>>, vector<1x64xf32>
    %add3A = vector.broadcast %get3A_18 : vector<1x64xf32> to vector<2048x64xf32>
    %add3A_19 = arith.addf %mul3A_15, %add3A : vector<2048x64xf32>
    %max3A = arith.constant 0.000000e+00 : f32
    %max3A_20 = vector.broadcast %max3A : f32 to vector<2048x64xf32>
    %max3A_21 = arith.maximumf %add3A_19, %max3A_20 : vector<2048x64xf32>
    %convert_element_type3A_22 = arith.truncf %max3A_21 : vector<2048x64xf32> to vector<2048x64xbf16>
    %get3A_23 = arith.constant 0 : index
    %get3A_24 = arith.constant 0 : index
    %get3A_25 = vector.load %arg6[%get3A_23, %get3A_24] : memref<64x64xf32, #tpu.memory_space<vmem>>, vector<64x64xf32>
    %convert_element_type3A_26 = arith.truncf %get3A_25 : vector<64x64xf32> to vector<64x64xbf16>
    %dot_general3A_27 = arith.constant dense<0.000000e+00> : vector<2048x64xf32>
    %dot_general3A_28 = tpu.matmul %convert_element_type3A_22, %convert_element_type3A_26, %dot_general3A_27 {dimension_numbers = #tpu.dot_dimension_numbers<[1], [0], [0], [1], [0, 0, 1, 1], [], []>, transpose_lhs_hint = false} : vector<2048x64xbf16>, vector<64x64xbf16>, vector<2048x64xf32> -> vector<2048x64xf32>
    %get3A_29 = arith.constant 0 : index
    %get3A_30 = arith.constant 0 : index
    %get3A_31 = vector.load %arg7[%get3A_29, %get3A_30] : memref<8x128xf32, #tpu.memory_space<vmem>>, vector<1x64xf32>
    %add3A_32 = vector.broadcast %get3A_31 : vector<1x64xf32> to vector<2048x64xf32>
    %add3A_33 = arith.addf %dot_general3A_28, %add3A_32 : vector<2048x64xf32>
    %eq3A = arith.constant 0 : i32
    %eq3A_34 = arith.cmpi eq, %arg0, %eq3A : i32
    %convert_element_type3A_35 = arith.extui %eq3A_34 : i1 to i32
    %cond3A = arith.constant 0 : i32
    %cond3A_36 = arith.cmpi ne, %convert_element_type3A_35, %cond3A : i32
    scf.if %cond3A_36 {
      %broadcast_in_dim3A_56 = arith.constant 0.000000e+00 : f32
      %broadcast_in_dim3A_57 = vector.broadcast %broadcast_in_dim3A_56 : f32 to vector<8x128xf32>
      %swap3A_58 = arith.constant 0 : index
      %swap3A_59 = arith.constant 0 : index
      %swap3A_60 = vector.load %arg8[%swap3A_58, %swap3A_59] : memref<8x128xf32, #tpu.memory_space<vmem>>, vector<8x128xf32>
      tpu.vector_store %arg8[%swap3A_58, %swap3A_59], %broadcast_in_dim3A_57 {strides = array<i32>} : memref<8x128xf32, #tpu.memory_space<vmem>>, vector<8x128xf32>,
      %broadcast_in_dim3A_61 = arith.constant 0.000000e+00 : f32
      %broadcast_in_dim3A_62 = vector.broadcast %broadcast_in_dim3A_61 : f32 to vector<8x128xf32>
      %swap3A_63 = arith.constant 0 : index
      %swap3A_64 = arith.constant 0 : index
      %swap3A_65 = vector.load %arg9[%swap3A_63, %swap3A_64] : memref<8x128xf32, #tpu.memory_space<vmem>>, vector<8x128xf32>
      tpu.vector_store %arg9[%swap3A_63, %swap3A_64], %broadcast_in_dim3A_62 {strides = array<i32>} : memref<8x128xf32, #tpu.memory_space<vmem>>, vector<8x128xf32>,
    } else {
    }
    %get3A_37 = arith.constant 0 : index
    %get3A_38 = arith.constant 0 : index
    %get3A_39 = vector.load %arg8[%get3A_37, %get3A_38] : memref<8x128xf32, #tpu.memory_space<vmem>>, vector<1x64xf32>
    %reduce_sum3A = arith.constant dense<0.000000e+00> : vector<64xf32>
    %reduce_sum3A_40 = vector.multi_reduction <add>, %add3A_33, %reduce_sum3A [0] : vector<2048x64xf32> to vector<64xf32>
    %broadcast_in_dim3A_41 = vector.shape_cast %reduce_sum3A_40 : vector<64xf32> to vector<1x64xf32>
    %add3A_42 = arith.addf %get3A_39, %broadcast_in_dim3A_41 : vector<1x64xf32>
    %swap3A = arith.constant 0 : index
    %swap3A_43 = arith.constant 0 : index
    %swap3A_44 = vector.load %arg8[%swap3A, %swap3A_43] : memref<8x128xf32, #tpu.memory_space<vmem>>, vector<1x64xf32>
    tpu.vector_store %arg8[%swap3A, %swap3A_43], %add3A_42 {strides = array<i32>} : memref<8x128xf32, #tpu.memory_space<vmem>>, vector<1x64xf32>,
    %get3A_45 = arith.constant 0 : index
    %get3A_46 = arith.constant 0 : index
    %get3A_47 = vector.load %arg9[%get3A_45, %get3A_46] : memref<8x128xf32, #tpu.memory_space<vmem>>, vector<1x64xf32>
    %mul3A_48 = arith.mulf %add3A_33, %add3A_33 : vector<2048x64xf32>
    %reduce_sum3A_49 = arith.constant dense<0.000000e+00> : vector<64xf32>
    %reduce_sum3A_50 = vector.multi_reduction <add>, %mul3A_48, %reduce_sum3A_49 [0] : vector<2048x64xf32> to vector<64xf32>
    %broadcast_in_dim3A_51 = vector.shape_cast %reduce_sum3A_50 : vector<64xf32> to vector<1x64xf32>
    %add3A_52 = arith.addf %get3A_47, %broadcast_in_dim3A_51 : vector<1x64xf32>
    %swap3A_53 = arith.constant 0 : index
    %swap3A_54 = arith.constant 0 : index
    %swap3A_55 = vector.load %arg9[%swap3A_53, %swap3A_54] : memref<8x128xf32, #tpu.memory_space<vmem>>, vector<1x64xf32>
    tpu.vector_store %arg9[%swap3A_53, %swap3A_54], %add3A_52 {strides = array<i32>} : memref<8x128xf32, #tpu.memory_space<vmem>>, vector<1x64xf32>,
    return
  }
  func.func @transform_0(%arg0: i32) -> (i32, i32) {
    %c0_i32 = arith.constant 0 : i32
    %c0_i32_0 = arith.constant 0 : i32
    return %arg0, %c0_i32 : i32, i32
  }
  func.func @transform_1(%arg0: i32) -> (i32, i32) {
    %c0_i32 = arith.constant 0 : i32
    %c0_i32_0 = arith.constant 0 : i32
    return %arg0, %c0_i32 : i32, i32
  }
  func.func @transform_2(%arg0: i32) -> (i32, i32) {
    %c0_i32 = arith.constant 0 : i32
    %c0_i32_0 = arith.constant 0 : i32
    %c0_i32_1 = arith.constant 0 : i32
    return %c0_i32, %c0_i32_0 : i32, i32
  }
  func.func @transform_3(%arg0: i32) -> (i32, i32) {
    %c0_i32 = arith.constant 0 : i32
    %c0_i32_0 = arith.constant 0 : i32
    %c0_i32_1 = arith.constant 0 : i32
    return %c0_i32, %c0_i32_0 : i32, i32
  }
  func.func @transform_4(%arg0: i32) -> (i32, i32) {
    %c0_i32 = arith.constant 0 : i32
    %c0_i32_0 = arith.constant 0 : i32
    %c0_i32_1 = arith.constant 0 : i32
    return %c0_i32, %c0_i32_0 : i32, i32
  }
  func.func @transform_5(%arg0: i32) -> (i32, i32) {
    %c0_i32 = arith.constant 0 : i32
    %c0_i32_0 = arith.constant 0 : i32
    %c0_i32_1 = arith.constant 0 : i32
    return %c0_i32, %c0_i32_0 : i32, i32
  }
  func.func @transform_6(%arg0: i32) -> (i32, i32) {
    %c0_i32 = arith.constant 0 : i32
    %c0_i32_0 = arith.constant 0 : i32
    %c0_i32_1 = arith.constant 0 : i32
    return %c0_i32, %c0_i32_0 : i32, i32
  }
  func.func @transform_7(%arg0: i32) -> (i32, i32) {
    %c0_i32 = arith.constant 0 : i32
    %c0_i32_0 = arith.constant 0 : i32
    %c0_i32_1 = arith.constant 0 : i32
    return %c0_i32, %c0_i32_0 : i32, i32
  }
  func.func @transform_8(%arg0: i32) -> (i32, i32) {
    %c0_i32 = arith.constant 0 : i32
    %c0_i32_0 = arith.constant 0 : i32
    %c0_i32_1 = arith.constant 0 : i32
    return %c0_i32, %c0_i32_0 : i32, i32
  }
}

module attributes {stable_mosaic.version = 14 : i64} {
  func.func @_sweep3_body(%arg0: i32, %arg1: memref<2048x64xf32, #tpu.memory_space<vmem>>, %arg2: memref<64x8xf32, #tpu.memory_space<vmem>>, %arg3: memref<8x64xf32, #tpu.memory_space<vmem>>, %arg4: memref<8x128xf32, #tpu.memory_space<vmem>>, %arg5: memref<8x128xf32, #tpu.memory_space<vmem>>, %arg6: memref<64x64xf32, #tpu.memory_space<vmem>>, %arg7: memref<8x128xf32, #tpu.memory_space<vmem>>, %arg8: memref<8x128xf32, #tpu.memory_space<vmem>>, %arg9: memref<8x128xf32, #tpu.memory_space<vmem>>, %arg10: memref<64x128xf32, #tpu.memory_space<vmem>>, %arg11: memref<8x128xf32, #tpu.memory_space<vmem>>, %arg12: memref<8x128xf32, #tpu.memory_space<vmem>>, %arg13: memref<8x128xf32, #tpu.memory_space<vmem>>) attributes {dimension_semantics = [#tpu.dimension_semantics<arbitrary>], iteration_bounds = array<i64: 128>, scalar_prefetch = 0 : i64, scratch_operands = 0 : i64, tpu.core_type = #tpu.core_type<tc>, window_params = [{transform_indices = @transform_0, window_bounds = array<i64: 2048, 64>}, {transform_indices = @transform_1, window_bounds = array<i64: 64, 8>}, {pipeline_mode = #tpu.pipeline_mode<synchronous>, transform_indices = @transform_2, window_bounds = array<i64: 8, 64>}, {pipeline_mode = #tpu.pipeline_mode<synchronous>, transform_indices = @transform_3, window_bounds = array<i64: 8, 128>}, {pipeline_mode = #tpu.pipeline_mode<synchronous>, transform_indices = @transform_4, window_bounds = array<i64: 8, 128>}, {pipeline_mode = #tpu.pipeline_mode<synchronous>, transform_indices = @transform_5, window_bounds = array<i64: 64, 64>}, {pipeline_mode = #tpu.pipeline_mode<synchronous>, transform_indices = @transform_6, window_bounds = array<i64: 8, 128>}, {pipeline_mode = #tpu.pipeline_mode<synchronous>, transform_indices = @transform_7, window_bounds = array<i64: 8, 128>}, {pipeline_mode = #tpu.pipeline_mode<synchronous>, transform_indices = @transform_8, window_bounds = array<i64: 8, 128>}, {pipeline_mode = #tpu.pipeline_mode<synchronous>, transform_indices = @transform_9, window_bounds = array<i64: 64, 128>}, {pipeline_mode = #tpu.pipeline_mode<synchronous>, transform_indices = @transform_10, window_bounds = array<i64: 8, 128>}, {pipeline_mode = #tpu.pipeline_mode<synchronous>, transform_indices = @transform_11, window_bounds = array<i64: 8, 128>}, {pipeline_mode = #tpu.pipeline_mode<synchronous>, transform_indices = @transform_12, window_bounds = array<i64: 8, 128>}]} {
    %get3A = arith.constant 0 : index
    %get3A_0 = arith.constant 0 : index
    %get3A_1 = vector.load %arg2[%get3A, %get3A_0] : memref<64x8xf32, #tpu.memory_space<vmem>>, vector<64x8xf32>
    %convert_element_type3A = arith.truncf %get3A_1 : vector<64x8xf32> to vector<64x8xbf16>
    %get3A_2 = arith.constant 0 : index
    %get3A_3 = arith.constant 0 : index
    %get3A_4 = vector.load %arg3[%get3A_2, %get3A_3] : memref<8x64xf32, #tpu.memory_space<vmem>>, vector<8x64xf32>
    %convert_element_type3A_5 = arith.truncf %get3A_4 : vector<8x64xf32> to vector<8x64xbf16>
    %dot_general3A = arith.constant dense<0.000000e+00> : vector<64x64xf32>
    %dot_general3A_6 = tpu.matmul %convert_element_type3A, %convert_element_type3A_5, %dot_general3A {dimension_numbers = #tpu.dot_dimension_numbers<[1], [0], [0], [1], [0, 0, 1, 1], [], []>, transpose_lhs_hint = false} : vector<64x8xbf16>, vector<8x64xbf16>, vector<64x64xf32> -> vector<64x64xf32>
    %broadcast_in_dim3A = vector.shape_cast %dot_general3A_6 : vector<64x64xf32> to vector<64x1x64xf32>
    %broadcast_in_dim3A_7 = vector.shape_cast %broadcast_in_dim3A : vector<64x1x64xf32> to vector<64x1x64xf32>
    %broadcast_in_dim3A_8 = vector.broadcast %broadcast_in_dim3A_7 : vector<64x1x64xf32> to vector<64x32x64xf32>
    %reshape3A = vector.shape_cast %broadcast_in_dim3A_8 : vector<64x32x64xf32> to vector<2048x64xf32>
    %get3A_9 = arith.constant 0 : index
    %get3A_10 = arith.constant 0 : index
    %get3A_11 = vector.load %arg1[%get3A_9, %get3A_10] : memref<2048x64xf32, #tpu.memory_space<vmem>>, vector<2048x64xf32>
    %sub3A = arith.subf %get3A_11, %reshape3A : vector<2048x64xf32>
    %get3A_12 = arith.constant 0 : index
    %get3A_13 = arith.constant 0 : index
    %get3A_14 = vector.load %arg4[%get3A_12, %get3A_13] : memref<8x128xf32, #tpu.memory_space<vmem>>, vector<1x64xf32>
    %mul3A = vector.broadcast %get3A_14 : vector<1x64xf32> to vector<2048x64xf32>
    %mul3A_15 = arith.mulf %sub3A, %mul3A : vector<2048x64xf32>
    %get3A_16 = arith.constant 0 : index
    %get3A_17 = arith.constant 0 : index
    %get3A_18 = vector.load %arg5[%get3A_16, %get3A_17] : memref<8x128xf32, #tpu.memory_space<vmem>>, vector<1x64xf32>
    %add3A = vector.broadcast %get3A_18 : vector<1x64xf32> to vector<2048x64xf32>
    %add3A_19 = arith.addf %mul3A_15, %add3A : vector<2048x64xf32>
    %max3A = arith.constant 0.000000e+00 : f32
    %max3A_20 = vector.broadcast %max3A : f32 to vector<2048x64xf32>
    %max3A_21 = arith.maximumf %add3A_19, %max3A_20 : vector<2048x64xf32>
    %convert_element_type3A_22 = arith.truncf %max3A_21 : vector<2048x64xf32> to vector<2048x64xbf16>
    %get3A_23 = arith.constant 0 : index
    %get3A_24 = arith.constant 0 : index
    %get3A_25 = vector.load %arg6[%get3A_23, %get3A_24] : memref<64x64xf32, #tpu.memory_space<vmem>>, vector<64x64xf32>
    %convert_element_type3A_26 = arith.truncf %get3A_25 : vector<64x64xf32> to vector<64x64xbf16>
    %dot_general3A_27 = arith.constant dense<0.000000e+00> : vector<2048x64xf32>
    %dot_general3A_28 = tpu.matmul %convert_element_type3A_22, %convert_element_type3A_26, %dot_general3A_27 {dimension_numbers = #tpu.dot_dimension_numbers<[1], [0], [0], [1], [0, 0, 1, 1], [], []>, transpose_lhs_hint = false} : vector<2048x64xbf16>, vector<64x64xbf16>, vector<2048x64xf32> -> vector<2048x64xf32>
    %get3A_29 = arith.constant 0 : index
    %get3A_30 = arith.constant 0 : index
    %get3A_31 = vector.load %arg7[%get3A_29, %get3A_30] : memref<8x128xf32, #tpu.memory_space<vmem>>, vector<1x64xf32>
    %add3A_32 = vector.broadcast %get3A_31 : vector<1x64xf32> to vector<2048x64xf32>
    %add3A_33 = arith.addf %dot_general3A_28, %add3A_32 : vector<2048x64xf32>
    %get3A_34 = arith.constant 0 : index
    %get3A_35 = arith.constant 0 : index
    %get3A_36 = vector.load %arg8[%get3A_34, %get3A_35] : memref<8x128xf32, #tpu.memory_space<vmem>>, vector<1x64xf32>
    %mul3A_37 = vector.broadcast %get3A_36 : vector<1x64xf32> to vector<2048x64xf32>
    %mul3A_38 = arith.mulf %add3A_33, %mul3A_37 : vector<2048x64xf32>
    %get3A_39 = arith.constant 0 : index
    %get3A_40 = arith.constant 0 : index
    %get3A_41 = vector.load %arg9[%get3A_39, %get3A_40] : memref<8x128xf32, #tpu.memory_space<vmem>>, vector<1x64xf32>
    %add3A_42 = vector.broadcast %get3A_41 : vector<1x64xf32> to vector<2048x64xf32>
    %add3A_43 = arith.addf %mul3A_38, %add3A_42 : vector<2048x64xf32>
    %max3A_44 = arith.constant 0.000000e+00 : f32
    %max3A_45 = vector.broadcast %max3A_44 : f32 to vector<2048x64xf32>
    %max3A_46 = arith.maximumf %add3A_43, %max3A_45 : vector<2048x64xf32>
    %convert_element_type3A_47 = arith.truncf %max3A_46 : vector<2048x64xf32> to vector<2048x64xbf16>
    %get3A_48 = arith.constant 0 : index
    %get3A_49 = arith.constant 0 : index
    %get3A_50 = vector.load %arg10[%get3A_48, %get3A_49] : memref<64x128xf32, #tpu.memory_space<vmem>>, vector<64x128xf32>
    %convert_element_type3A_51 = arith.truncf %get3A_50 : vector<64x128xf32> to vector<64x128xbf16>
    %dot_general3A_52 = arith.constant dense<0.000000e+00> : vector<2048x128xf32>
    %dot_general3A_53 = tpu.matmul %convert_element_type3A_47, %convert_element_type3A_51, %dot_general3A_52 {dimension_numbers = #tpu.dot_dimension_numbers<[1], [0], [0], [1], [0, 0, 1, 1], [], []>, transpose_lhs_hint = false} : vector<2048x64xbf16>, vector<64x128xbf16>, vector<2048x128xf32> -> vector<2048x128xf32>
    %get3A_54 = arith.constant 0 : index
    %get3A_55 = arith.constant 0 : index
    %get3A_56 = vector.load %arg11[%get3A_54, %get3A_55] : memref<8x128xf32, #tpu.memory_space<vmem>>, vector<1x128xf32>
    %add3A_57 = vector.broadcast %get3A_56 : vector<1x128xf32> to vector<2048x128xf32>
    %add3A_58 = arith.addf %dot_general3A_53, %add3A_57 : vector<2048x128xf32>
    %eq3A = arith.constant 0 : i32
    %eq3A_59 = arith.cmpi eq, %arg0, %eq3A : i32
    %convert_element_type3A_60 = arith.extui %eq3A_59 : i1 to i32
    %cond3A = arith.constant 0 : i32
    %cond3A_61 = arith.cmpi ne, %convert_element_type3A_60, %cond3A : i32
    scf.if %cond3A_61 {
      %broadcast_in_dim3A_81 = arith.constant 0.000000e+00 : f32
      %broadcast_in_dim3A_82 = vector.broadcast %broadcast_in_dim3A_81 : f32 to vector<8x128xf32>
      %swap3A_83 = arith.constant 0 : index
      %swap3A_84 = arith.constant 0 : index
      %swap3A_85 = vector.load %arg12[%swap3A_83, %swap3A_84] : memref<8x128xf32, #tpu.memory_space<vmem>>, vector<8x128xf32>
      tpu.vector_store %arg12[%swap3A_83, %swap3A_84], %broadcast_in_dim3A_82 {strides = array<i32>} : memref<8x128xf32, #tpu.memory_space<vmem>>, vector<8x128xf32>,
      %broadcast_in_dim3A_86 = arith.constant 0.000000e+00 : f32
      %broadcast_in_dim3A_87 = vector.broadcast %broadcast_in_dim3A_86 : f32 to vector<8x128xf32>
      %swap3A_88 = arith.constant 0 : index
      %swap3A_89 = arith.constant 0 : index
      %swap3A_90 = vector.load %arg13[%swap3A_88, %swap3A_89] : memref<8x128xf32, #tpu.memory_space<vmem>>, vector<8x128xf32>
      tpu.vector_store %arg13[%swap3A_88, %swap3A_89], %broadcast_in_dim3A_87 {strides = array<i32>} : memref<8x128xf32, #tpu.memory_space<vmem>>, vector<8x128xf32>,
    } else {
    }
    %get3A_62 = arith.constant 0 : index
    %get3A_63 = arith.constant 0 : index
    %get3A_64 = vector.load %arg12[%get3A_62, %get3A_63] : memref<8x128xf32, #tpu.memory_space<vmem>>, vector<1x128xf32>
    %reduce_sum3A = arith.constant dense<0.000000e+00> : vector<128xf32>
    %reduce_sum3A_65 = vector.multi_reduction <add>, %add3A_58, %reduce_sum3A [0] : vector<2048x128xf32> to vector<128xf32>
    %broadcast_in_dim3A_66 = vector.shape_cast %reduce_sum3A_65 : vector<128xf32> to vector<1x128xf32>
    %add3A_67 = arith.addf %get3A_64, %broadcast_in_dim3A_66 : vector<1x128xf32>
    %swap3A = arith.constant 0 : index
    %swap3A_68 = arith.constant 0 : index
    %swap3A_69 = vector.load %arg12[%swap3A, %swap3A_68] : memref<8x128xf32, #tpu.memory_space<vmem>>, vector<1x128xf32>
    tpu.vector_store %arg12[%swap3A, %swap3A_68], %add3A_67 {strides = array<i32>} : memref<8x128xf32, #tpu.memory_space<vmem>>, vector<1x128xf32>,
    %get3A_70 = arith.constant 0 : index
    %get3A_71 = arith.constant 0 : index
    %get3A_72 = vector.load %arg13[%get3A_70, %get3A_71] : memref<8x128xf32, #tpu.memory_space<vmem>>, vector<1x128xf32>
    %mul3A_73 = arith.mulf %add3A_58, %add3A_58 : vector<2048x128xf32>
    %reduce_sum3A_74 = arith.constant dense<0.000000e+00> : vector<128xf32>
    %reduce_sum3A_75 = vector.multi_reduction <add>, %mul3A_73, %reduce_sum3A_74 [0] : vector<2048x128xf32> to vector<128xf32>
    %broadcast_in_dim3A_76 = vector.shape_cast %reduce_sum3A_75 : vector<128xf32> to vector<1x128xf32>
    %add3A_77 = arith.addf %get3A_72, %broadcast_in_dim3A_76 : vector<1x128xf32>
    %swap3A_78 = arith.constant 0 : index
    %swap3A_79 = arith.constant 0 : index
    %swap3A_80 = vector.load %arg13[%swap3A_78, %swap3A_79] : memref<8x128xf32, #tpu.memory_space<vmem>>, vector<1x128xf32>
    tpu.vector_store %arg13[%swap3A_78, %swap3A_79], %add3A_77 {strides = array<i32>} : memref<8x128xf32, #tpu.memory_space<vmem>>, vector<1x128xf32>,
    return
  }
  func.func @transform_0(%arg0: i32) -> (i32, i32) {
    %c0_i32 = arith.constant 0 : i32
    %c0_i32_0 = arith.constant 0 : i32
    return %arg0, %c0_i32 : i32, i32
  }
  func.func @transform_1(%arg0: i32) -> (i32, i32) {
    %c0_i32 = arith.constant 0 : i32
    %c0_i32_0 = arith.constant 0 : i32
    return %arg0, %c0_i32 : i32, i32
  }
  func.func @transform_2(%arg0: i32) -> (i32, i32) {
    %c0_i32 = arith.constant 0 : i32
    %c0_i32_0 = arith.constant 0 : i32
    %c0_i32_1 = arith.constant 0 : i32
    return %c0_i32, %c0_i32_0 : i32, i32
  }
  func.func @transform_3(%arg0: i32) -> (i32, i32) {
    %c0_i32 = arith.constant 0 : i32
    %c0_i32_0 = arith.constant 0 : i32
    %c0_i32_1 = arith.constant 0 : i32
    return %c0_i32, %c0_i32_0 : i32, i32
  }
  func.func @transform_4(%arg0: i32) -> (i32, i32) {
    %c0_i32 = arith.constant 0 : i32
    %c0_i32_0 = arith.constant 0 : i32
    %c0_i32_1 = arith.constant 0 : i32
    return %c0_i32, %c0_i32_0 : i32, i32
  }
  func.func @transform_5(%arg0: i32) -> (i32, i32) {
    %c0_i32 = arith.constant 0 : i32
    %c0_i32_0 = arith.constant 0 : i32
    %c0_i32_1 = arith.constant 0 : i32
    return %c0_i32, %c0_i32_0 : i32, i32
  }
  func.func @transform_6(%arg0: i32) -> (i32, i32) {
    %c0_i32 = arith.constant 0 : i32
    %c0_i32_0 = arith.constant 0 : i32
    %c0_i32_1 = arith.constant 0 : i32
    return %c0_i32, %c0_i32_0 : i32, i32
  }
  func.func @transform_7(%arg0: i32) -> (i32, i32) {
    %c0_i32 = arith.constant 0 : i32
    %c0_i32_0 = arith.constant 0 : i32
    %c0_i32_1 = arith.constant 0 : i32
    return %c0_i32, %c0_i32_0 : i32, i32
  }
  func.func @transform_8(%arg0: i32) -> (i32, i32) {
    %c0_i32 = arith.constant 0 : i32
    %c0_i32_0 = arith.constant 0 : i32
    %c0_i32_1 = arith.constant 0 : i32
    return %c0_i32, %c0_i32_0 : i32, i32
  }
  func.func @transform_9(%arg0: i32) -> (i32, i32) {
    %c0_i32 = arith.constant 0 : i32
    %c0_i32_0 = arith.constant 0 : i32
    %c0_i32_1 = arith.constant 0 : i32
    return %c0_i32, %c0_i32_0 : i32, i32
  }
  func.func @transform_10(%arg0: i32) -> (i32, i32) {
    %c0_i32 = arith.constant 0 : i32
    %c0_i32_0 = arith.constant 0 : i32
    %c0_i32_1 = arith.constant 0 : i32
    return %c0_i32, %c0_i32_0 : i32, i32
  }
  func.func @transform_11(%arg0: i32) -> (i32, i32) {
    %c0_i32 = arith.constant 0 : i32
    %c0_i32_0 = arith.constant 0 : i32
    %c0_i32_1 = arith.constant 0 : i32
    return %c0_i32, %c0_i32_0 : i32, i32
  }
  func.func @transform_12(%arg0: i32) -> (i32, i32) {
    %c0_i32 = arith.constant 0 : i32
    %c0_i32_0 = arith.constant 0 : i32
    %c0_i32_1 = arith.constant 0 : i32
    return %c0_i32, %c0_i32_0 : i32, i32
  }
}

module attributes {stable_mosaic.version = 14 : i64} {
  func.func @_sweep4_body(%arg0: i32, %arg1: memref<2048x64xf32, #tpu.memory_space<vmem>>, %arg2: memref<64x8xf32, #tpu.memory_space<vmem>>, %arg3: memref<8x64xf32, #tpu.memory_space<vmem>>, %arg4: memref<8x128xf32, #tpu.memory_space<vmem>>, %arg5: memref<8x128xf32, #tpu.memory_space<vmem>>, %arg6: memref<64x64xf32, #tpu.memory_space<vmem>>, %arg7: memref<8x128xf32, #tpu.memory_space<vmem>>, %arg8: memref<8x128xf32, #tpu.memory_space<vmem>>, %arg9: memref<8x128xf32, #tpu.memory_space<vmem>>, %arg10: memref<64x128xf32, #tpu.memory_space<vmem>>, %arg11: memref<8x128xf32, #tpu.memory_space<vmem>>, %arg12: memref<8x128xf32, #tpu.memory_space<vmem>>, %arg13: memref<8x128xf32, #tpu.memory_space<vmem>>, %arg14: memref<64x128xf32, #tpu.memory_space<vmem>>) attributes {dimension_semantics = [#tpu.dimension_semantics<arbitrary>], iteration_bounds = array<i64: 128>, scalar_prefetch = 0 : i64, scratch_operands = 0 : i64, tpu.core_type = #tpu.core_type<tc>, window_params = [{transform_indices = @transform_0, window_bounds = array<i64: 2048, 64>}, {transform_indices = @transform_1, window_bounds = array<i64: 64, 8>}, {pipeline_mode = #tpu.pipeline_mode<synchronous>, transform_indices = @transform_2, window_bounds = array<i64: 8, 64>}, {pipeline_mode = #tpu.pipeline_mode<synchronous>, transform_indices = @transform_3, window_bounds = array<i64: 8, 128>}, {pipeline_mode = #tpu.pipeline_mode<synchronous>, transform_indices = @transform_4, window_bounds = array<i64: 8, 128>}, {pipeline_mode = #tpu.pipeline_mode<synchronous>, transform_indices = @transform_5, window_bounds = array<i64: 64, 64>}, {pipeline_mode = #tpu.pipeline_mode<synchronous>, transform_indices = @transform_6, window_bounds = array<i64: 8, 128>}, {pipeline_mode = #tpu.pipeline_mode<synchronous>, transform_indices = @transform_7, window_bounds = array<i64: 8, 128>}, {pipeline_mode = #tpu.pipeline_mode<synchronous>, transform_indices = @transform_8, window_bounds = array<i64: 8, 128>}, {pipeline_mode = #tpu.pipeline_mode<synchronous>, transform_indices = @transform_9, window_bounds = array<i64: 64, 128>}, {pipeline_mode = #tpu.pipeline_mode<synchronous>, transform_indices = @transform_10, window_bounds = array<i64: 8, 128>}, {pipeline_mode = #tpu.pipeline_mode<synchronous>, transform_indices = @transform_11, window_bounds = array<i64: 8, 128>}, {pipeline_mode = #tpu.pipeline_mode<synchronous>, transform_indices = @transform_12, window_bounds = array<i64: 8, 128>}, {transform_indices = @transform_13, window_bounds = array<i64: 64, 128>}]} {
    %get3A = arith.constant 0 : index
    %get3A_0 = arith.constant 0 : index
    %get3A_1 = vector.load %arg2[%get3A, %get3A_0] : memref<64x8xf32, #tpu.memory_space<vmem>>, vector<64x8xf32>
    %convert_element_type3A = arith.truncf %get3A_1 : vector<64x8xf32> to vector<64x8xbf16>
    %get3A_2 = arith.constant 0 : index
    %get3A_3 = arith.constant 0 : index
    %get3A_4 = vector.load %arg3[%get3A_2, %get3A_3] : memref<8x64xf32, #tpu.memory_space<vmem>>, vector<8x64xf32>
    %convert_element_type3A_5 = arith.truncf %get3A_4 : vector<8x64xf32> to vector<8x64xbf16>
    %dot_general3A = arith.constant dense<0.000000e+00> : vector<64x64xf32>
    %dot_general3A_6 = tpu.matmul %convert_element_type3A, %convert_element_type3A_5, %dot_general3A {dimension_numbers = #tpu.dot_dimension_numbers<[1], [0], [0], [1], [0, 0, 1, 1], [], []>, transpose_lhs_hint = false} : vector<64x8xbf16>, vector<8x64xbf16>, vector<64x64xf32> -> vector<64x64xf32>
    %broadcast_in_dim3A = vector.shape_cast %dot_general3A_6 : vector<64x64xf32> to vector<64x1x64xf32>
    %broadcast_in_dim3A_7 = vector.shape_cast %broadcast_in_dim3A : vector<64x1x64xf32> to vector<64x1x64xf32>
    %broadcast_in_dim3A_8 = vector.broadcast %broadcast_in_dim3A_7 : vector<64x1x64xf32> to vector<64x32x64xf32>
    %reshape3A = vector.shape_cast %broadcast_in_dim3A_8 : vector<64x32x64xf32> to vector<2048x64xf32>
    %get3A_9 = arith.constant 0 : index
    %get3A_10 = arith.constant 0 : index
    %get3A_11 = vector.load %arg1[%get3A_9, %get3A_10] : memref<2048x64xf32, #tpu.memory_space<vmem>>, vector<2048x64xf32>
    %sub3A = arith.subf %get3A_11, %reshape3A : vector<2048x64xf32>
    %get3A_12 = arith.constant 0 : index
    %get3A_13 = arith.constant 0 : index
    %get3A_14 = vector.load %arg4[%get3A_12, %get3A_13] : memref<8x128xf32, #tpu.memory_space<vmem>>, vector<1x64xf32>
    %mul3A = vector.broadcast %get3A_14 : vector<1x64xf32> to vector<2048x64xf32>
    %mul3A_15 = arith.mulf %sub3A, %mul3A : vector<2048x64xf32>
    %get3A_16 = arith.constant 0 : index
    %get3A_17 = arith.constant 0 : index
    %get3A_18 = vector.load %arg5[%get3A_16, %get3A_17] : memref<8x128xf32, #tpu.memory_space<vmem>>, vector<1x64xf32>
    %add3A = vector.broadcast %get3A_18 : vector<1x64xf32> to vector<2048x64xf32>
    %add3A_19 = arith.addf %mul3A_15, %add3A : vector<2048x64xf32>
    %max3A = arith.constant 0.000000e+00 : f32
    %max3A_20 = vector.broadcast %max3A : f32 to vector<2048x64xf32>
    %max3A_21 = arith.maximumf %add3A_19, %max3A_20 : vector<2048x64xf32>
    %convert_element_type3A_22 = arith.truncf %max3A_21 : vector<2048x64xf32> to vector<2048x64xbf16>
    %get3A_23 = arith.constant 0 : index
    %get3A_24 = arith.constant 0 : index
    %get3A_25 = vector.load %arg6[%get3A_23, %get3A_24] : memref<64x64xf32, #tpu.memory_space<vmem>>, vector<64x64xf32>
    %convert_element_type3A_26 = arith.truncf %get3A_25 : vector<64x64xf32> to vector<64x64xbf16>
    %dot_general3A_27 = arith.constant dense<0.000000e+00> : vector<2048x64xf32>
    %dot_general3A_28 = tpu.matmul %convert_element_type3A_22, %convert_element_type3A_26, %dot_general3A_27 {dimension_numbers = #tpu.dot_dimension_numbers<[1], [0], [0], [1], [0, 0, 1, 1], [], []>, transpose_lhs_hint = false} : vector<2048x64xbf16>, vector<64x64xbf16>, vector<2048x64xf32> -> vector<2048x64xf32>
    %get3A_29 = arith.constant 0 : index
    %get3A_30 = arith.constant 0 : index
    %get3A_31 = vector.load %arg7[%get3A_29, %get3A_30] : memref<8x128xf32, #tpu.memory_space<vmem>>, vector<1x64xf32>
    %add3A_32 = vector.broadcast %get3A_31 : vector<1x64xf32> to vector<2048x64xf32>
    %add3A_33 = arith.addf %dot_general3A_28, %add3A_32 : vector<2048x64xf32>
    %get3A_34 = arith.constant 0 : index
    %get3A_35 = arith.constant 0 : index
    %get3A_36 = vector.load %arg8[%get3A_34, %get3A_35] : memref<8x128xf32, #tpu.memory_space<vmem>>, vector<1x64xf32>
    %mul3A_37 = vector.broadcast %get3A_36 : vector<1x64xf32> to vector<2048x64xf32>
    %mul3A_38 = arith.mulf %add3A_33, %mul3A_37 : vector<2048x64xf32>
    %get3A_39 = arith.constant 0 : index
    %get3A_40 = arith.constant 0 : index
    %get3A_41 = vector.load %arg9[%get3A_39, %get3A_40] : memref<8x128xf32, #tpu.memory_space<vmem>>, vector<1x64xf32>
    %add3A_42 = vector.broadcast %get3A_41 : vector<1x64xf32> to vector<2048x64xf32>
    %add3A_43 = arith.addf %mul3A_38, %add3A_42 : vector<2048x64xf32>
    %max3A_44 = arith.constant 0.000000e+00 : f32
    %max3A_45 = vector.broadcast %max3A_44 : f32 to vector<2048x64xf32>
    %max3A_46 = arith.maximumf %add3A_43, %max3A_45 : vector<2048x64xf32>
    %convert_element_type3A_47 = arith.truncf %max3A_46 : vector<2048x64xf32> to vector<2048x64xbf16>
    %get3A_48 = arith.constant 0 : index
    %get3A_49 = arith.constant 0 : index
    %get3A_50 = vector.load %arg10[%get3A_48, %get3A_49] : memref<64x128xf32, #tpu.memory_space<vmem>>, vector<64x128xf32>
    %convert_element_type3A_51 = arith.truncf %get3A_50 : vector<64x128xf32> to vector<64x128xbf16>
    %dot_general3A_52 = arith.constant dense<0.000000e+00> : vector<2048x128xf32>
    %dot_general3A_53 = tpu.matmul %convert_element_type3A_47, %convert_element_type3A_51, %dot_general3A_52 {dimension_numbers = #tpu.dot_dimension_numbers<[1], [0], [0], [1], [0, 0, 1, 1], [], []>, transpose_lhs_hint = false} : vector<2048x64xbf16>, vector<64x128xbf16>, vector<2048x128xf32> -> vector<2048x128xf32>
    %get3A_54 = arith.constant 0 : index
    %get3A_55 = arith.constant 0 : index
    %get3A_56 = vector.load %arg11[%get3A_54, %get3A_55] : memref<8x128xf32, #tpu.memory_space<vmem>>, vector<1x128xf32>
    %add3A_57 = vector.broadcast %get3A_56 : vector<1x128xf32> to vector<2048x128xf32>
    %add3A_58 = arith.addf %dot_general3A_53, %add3A_57 : vector<2048x128xf32>
    %get3A_59 = arith.constant 0 : index
    %get3A_60 = arith.constant 0 : index
    %get3A_61 = vector.load %arg12[%get3A_59, %get3A_60] : memref<8x128xf32, #tpu.memory_space<vmem>>, vector<1x128xf32>
    %mul3A_62 = vector.broadcast %get3A_61 : vector<1x128xf32> to vector<2048x128xf32>
    %mul3A_63 = arith.mulf %add3A_58, %mul3A_62 : vector<2048x128xf32>
    %get3A_64 = arith.constant 0 : index
    %get3A_65 = arith.constant 0 : index
    %get3A_66 = vector.load %arg13[%get3A_64, %get3A_65] : memref<8x128xf32, #tpu.memory_space<vmem>>, vector<1x128xf32>
    %add3A_67 = vector.broadcast %get3A_66 : vector<1x128xf32> to vector<2048x128xf32>
    %add3A_68 = arith.addf %mul3A_63, %add3A_67 : vector<2048x128xf32>
    %max3A_69 = arith.constant 0.000000e+00 : f32
    %max3A_70 = vector.broadcast %max3A_69 : f32 to vector<2048x128xf32>
    %max3A_71 = arith.maximumf %add3A_68, %max3A_70 : vector<2048x128xf32>
    %reshape3A_72 = vector.shape_cast %max3A_71 : vector<2048x128xf32> to vector<64x32x128xf32>
    %reduce_max3A = arith.constant dense<0xFF800000> : vector<64x128xf32>
    %reduce_max3A_73 = vector.multi_reduction <maximumf>, %reshape3A_72, %reduce_max3A [1] : vector<64x32x128xf32> to vector<64x128xf32>
    %swap3A = arith.constant 0 : index
    %swap3A_74 = arith.constant 0 : index
    %swap3A_75 = vector.load %arg14[%swap3A, %swap3A_74] : memref<64x128xf32, #tpu.memory_space<vmem>>, vector<64x128xf32>
    tpu.vector_store %arg14[%swap3A, %swap3A_74], %reduce_max3A_73 {strides = array<i32>} : memref<64x128xf32, #tpu.memory_space<vmem>>, vector<64x128xf32>,
    return
  }
  func.func @transform_0(%arg0: i32) -> (i32, i32) {
    %c0_i32 = arith.constant 0 : i32
    %c0_i32_0 = arith.constant 0 : i32
    return %arg0, %c0_i32 : i32, i32
  }
  func.func @transform_1(%arg0: i32) -> (i32, i32) {
    %c0_i32 = arith.constant 0 : i32
    %c0_i32_0 = arith.constant 0 : i32
    return %arg0, %c0_i32 : i32, i32
  }
  func.func @transform_2(%arg0: i32) -> (i32, i32) {
    %c0_i32 = arith.constant 0 : i32
    %c0_i32_0 = arith.constant 0 : i32
    %c0_i32_1 = arith.constant 0 : i32
    return %c0_i32, %c0_i32_0 : i32, i32
  }
  func.func @transform_3(%arg0: i32) -> (i32, i32) {
    %c0_i32 = arith.constant 0 : i32
    %c0_i32_0 = arith.constant 0 : i32
    %c0_i32_1 = arith.constant 0 : i32
    return %c0_i32, %c0_i32_0 : i32, i32
  }
  func.func @transform_4(%arg0: i32) -> (i32, i32) {
    %c0_i32 = arith.constant 0 : i32
    %c0_i32_0 = arith.constant 0 : i32
    %c0_i32_1 = arith.constant 0 : i32
    return %c0_i32, %c0_i32_0 : i32, i32
  }
  func.func @transform_5(%arg0: i32) -> (i32, i32) {
    %c0_i32 = arith.constant 0 : i32
    %c0_i32_0 = arith.constant 0 : i32
    %c0_i32_1 = arith.constant 0 : i32
    return %c0_i32, %c0_i32_0 : i32, i32
  }
  func.func @transform_6(%arg0: i32) -> (i32, i32) {
    %c0_i32 = arith.constant 0 : i32
    %c0_i32_0 = arith.constant 0 : i32
    %c0_i32_1 = arith.constant 0 : i32
    return %c0_i32, %c0_i32_0 : i32, i32
  }
  func.func @transform_7(%arg0: i32) -> (i32, i32) {
    %c0_i32 = arith.constant 0 : i32
    %c0_i32_0 = arith.constant 0 : i32
    %c0_i32_1 = arith.constant 0 : i32
    return %c0_i32, %c0_i32_0 : i32, i32
  }
  func.func @transform_8(%arg0: i32) -> (i32, i32) {
    %c0_i32 = arith.constant 0 : i32
    %c0_i32_0 = arith.constant 0 : i32
    %c0_i32_1 = arith.constant 0 : i32
    return %c0_i32, %c0_i32_0 : i32, i32
  }
  func.func @transform_9(%arg0: i32) -> (i32, i32) {
    %c0_i32 = arith.constant 0 : i32
    %c0_i32_0 = arith.constant 0 : i32
    %c0_i32_1 = arith.constant 0 : i32
    return %c0_i32, %c0_i32_0 : i32, i32
  }
  func.func @transform_10(%arg0: i32) -> (i32, i32) {
    %c0_i32 = arith.constant 0 : i32
    %c0_i32_0 = arith.constant 0 : i32
    %c0_i32_1 = arith.constant 0 : i32
    return %c0_i32, %c0_i32_0 : i32, i32
  }
  func.func @transform_11(%arg0: i32) -> (i32, i32) {
    %c0_i32 = arith.constant 0 : i32
    %c0_i32_0 = arith.constant 0 : i32
    %c0_i32_1 = arith.constant 0 : i32
    return %c0_i32, %c0_i32_0 : i32, i32
  }
  func.func @transform_12(%arg0: i32) -> (i32, i32) {
    %c0_i32 = arith.constant 0 : i32
    %c0_i32_0 = arith.constant 0 : i32
    %c0_i32_1 = arith.constant 0 : i32
    return %c0_i32, %c0_i32_0 : i32, i32
  }
  func.func @transform_13(%arg0: i32) -> (i32, i32) {
    %c0_i32 = arith.constant 0 : i32
    %c0_i32_0 = arith.constant 0 : i32
    return %arg0, %c0_i32 : i32, i32
  }
}

</mosaic_0001>

<sc_bundles>
// kernel: kernel.9.cloned.1.call-start
scs
__scs_entry_jumppad:
0x0: {  	(pc) =	sbr.rel $0x88, $3  }
0x1: {  	(tag) =	ssettag $0x0;
	lr =	simm.s32 $0x1  }
0x2: {  	[smem:$0x3F93] =	sst lr;
	_ =	strace $0xD0000000  }
0x3: {  	_ = 	snop  }
0x4: {  	_ = 	snop  }
0x5: {  	_ = 	snop  }
0x6: {  	_ = 	snop  }
0x7: {  	_ = 	snop  }
__scs_overlays_trampoline_lowered:
0x8: {  	[smem:$0x3FA2] =	sst s0  }
0x9: {  	[smem:$0x3FA3] =	sst s1  }
0xa: {  	[smem:$0x3FA4] =	sst s2  }
0xb: {  	[smem:$0x3FA5] =	sst s3  }
0xc: {  	[smem:$0x3FA6] =	sst s4  }
0xd: {  	[smem:$0x3FA7] =	sst s5  }
0xe: {  	[smem:$0x3FA8] =	sst s6  }
0xf: {  	[smem:$0x3FA9] =	sst s7  }
0x10: {  	[smem:$0x3FAA] =	sst s8  }
0x11: {  	[smem:$0x3FAB] =	sst s9;
	s0 =	simm.s32 @!p0 $0x0  }
0x12: {  	s1 =	sld [smem:$0x3F91];
	s0 =	simm.s32 @p0 $0x1  }
0x13: {  	[smem:$0x3FAC] =	sst s0;
	s0 =	simm.s32 @!p1 $0x0  }
0x14: {  	s2 =	sld [smem:$0x3F90];
	s0 =	simm.s32 @p1 $0x1  }
0x15: {  	[smem:$0x3FAD] =	sst s0;
	s0 =	simm.s32 @!p2 $0x0  }
0x16: {  	s3 =	sld [smem:$0x3FDB];
	s0 =	simm.s32 @p2 $0x1  }
0x17: {  	s4 =	simm.s32 $0x1BF5;
	[smem:$0x3FAF] =	sst s0  }
0x18: {  	s0 =	sld [smem:$0x3F92];
	_ =	swait.ge [sflag:s4], $0x0  }
0x19: {  	s7 =	sld [smem:$0x3F93]  }
0x1a: {  	s8 =	sadd.s32 $0xFFFFE003, lr  }
0x1b: {  	s9 =	sadd.s32 $0xFFFFFEF7, lr;
	s5 =	simm.s32 $0xFFFFFFFF;
	p2 =	slt.u32 s8, $0xFFFFF086  }
0x1c: {  	p1 =	slt.u32 s9, $0xF7A;
	s5 =	simm.s32 @!p2 $0x0  }
0x1d: {  	s5 =	simm.s32 @p1 $0x1;
	p0 =	seq.s32 s7, s2  }
0x1e: {  	s7 =	smul.u32 @!p0 $0xF7A, s2;
	p2 =	seq.s32 @!p0 s5, $0x0  }
0x1f: {  	s9 =	smul.u32 $0xF7A, s1;
	s8 =	simm.s32 @!p0 $0x1BF5;
	p2 =	por !p2, p0  }
0x20: {  	[sflag:s8] =	ssyncset.s32 @!p0 $0xFFFFF086;
	s6 =	sadd.s32 @!p0 s3, s7;
	s7 =	simm.s32 @!p0 $0x108  }
0x21: {  	s3 =	sadd.s32 s3, s9;
	s6 =	sadd.s32 @!p0 $0x88, s6;
	s7 =	simm.s32 @p2 $0x1082  }
0x22: {  	[simem:s7], [sflag:s8] =	dma.local @!p0 [hbm:s6], $0xF7A  }
0x23: {  	s9 =	sor.u32 $0xD0000000, s2;
	s6 =	simm.s32 $0x108;
	_ =	swait.ge @!p0 [sflag:s8], $0x0  }
0x24: {  	s3 =	sadd.s32 $0x88, s3;
	s6 =	simm.s32 @!p1 $0x1082;
	[sflag:s4] =	ssyncset.s32 $0xFFFFF086  }
0x25: {  	[simem:s6], [sflag:s4] =	dma.local [hbm:s3], $0xF7A  }
0x26: {  	[smem:$0x3F93] =	sst s1;
	(tag) =	ssettag s2;
	_ =	strace s9  }
0x27: {  	s1 =	sld [smem:$0x3FA3]  }
0x28: {  	s2 =	sld [smem:$0x3FA4]  }
0x29: {  	s4 =	sld [smem:$0x3FA6]  }
0x2a: {  	p0 =	seq.s32 s5, $0x0;
	s5 =	sld [smem:$0x3FA7]  }
0x2b: {  	s6 =	sld [smem:$0x3FA8]  }
0x2c: {  	s7 =	sld [smem:$0x3FA9]  }
0x2d: {  	s3 =	simm.s32 $0x108;
	s8 =	sld [smem:$0x3FAA]  }
0x2e: {  	s3 =	simm.s32 @!p0 $0x1082;
	s9 =	sld [smem:$0x3FAB]  }
0x2f: {  	lr =	sadd.s32 s0, s3;
	s0 =	sld [smem:$0x3FA2]  }
0x30: {  	s3 =	sld [smem:$0x3FA5]  }
0x31: {  	[smem:$0x3FAE] =	sst s10  }
0x32: {  	s10 =	sld [smem:$0x3FAC];
	_ =	sdelay $0x3  }
0x33: {  	p0 =	seq.s32 s10, $0x1;
	s10 =	sld [smem:$0x3FAE];
	_ =	sdelay $0x3  }
0x34: {  	[smem:$0x3FAE] =	sst s10  }
0x35: {  	s10 =	sld [smem:$0x3FAD];
	_ =	sdelay $0x3  }
0x36: {  	p1 =	seq.s32 s10, $0x1;
	s10 =	sld [smem:$0x3FAE];
	_ =	sdelay $0x3  }
0x37: {  	[smem:$0x3FAE] =	sst s10  }
0x38: {  	s10 =	sld [smem:$0x3FAF]  }
0x39: {  	_ = 	snop;
	(pc) =	sbr.ind lr, $3  }
0x3a: {  	_ = 	snop  }
0x3b: {  	_ = 	snop  }
0x3c: {  	p2 =	seq.s32 s10, $0x1;
	s10 =	sld [smem:$0x3FAE]  }
0x3d: {  	_ =	shalt  }
0x3e: {  	_ =	shalt  }
0x3f: {  	_ =	shalt  }
0x40: {  	_ =	shalt  }
0x41: {  	_ =	shalt  }
0x42: {  	_ =	shalt  }
0x43: {  	_ =	shalt  }
0x44: {  	_ =	shalt  }
0x45: {  	_ =	shalt  }
0x46: {  	_ =	shalt  }
0x47: {  	_ =	shalt  }
0x48: {  	_ =	shalt  }
0x49: {  	_ =	shalt  }
0x4a: {  	_ =	shalt  }
0x4b: {  	_ =	shalt  }
0x4c: {  	_ =	shalt  }
0x4d: {  	_ =	shalt  }
0x4e: {  	_ =	shalt  }
0x4f: {  	_ =	shalt  }
0x50: {  	_ =	shalt  }
0x51: {  	_ =	shalt  }
0x52: {  	_ =	shalt  }
0x53: {  	_ =	shalt  }
0x54: {  	_ =	shalt  }
0x55: {  	_ =	shalt  }
0x56: {  	_ =	shalt  }
0x57: {  	_ =	shalt  }
0x58: {  	_ =	shalt  }
0x59: {  	_ =	shalt  }
0x5a: {  	_ =	shalt  }
0x5b: {  	_ =	shalt  }
0x5c: {  	_ =	shalt  }
0x5d: {  	_ =	shalt  }
0x5e: {  	_ =	shalt  }
0x5f: {  	_ =	shalt  }
0x60: {  	_ =	shalt  }
0x61: {  	_ =	shalt  }
0x62: {  	_ =	shalt  }
0x63: {  	_ =	shalt  }
0x64: {  	_ =	shalt  }
0x65: {  	_ =	shalt  }
0x66: {  	_ =	shalt  }
0x67: {  	_ =	shalt  }
0x68: {  	_ =	shalt  }
0x69: {  	_ =	shalt  }
0x6a: {  	_ =	shalt  }
0x6b: {  	_ =	shalt  }
0x6c: {  	_ =	shalt  }
0x6d: {  	_ =	shalt  }
0x6e: {  	_ =	shalt  }
0x6f: {  	_ =	shalt  }
0x70: {  	_ =	shalt  }
0x71: {  	_ =	shalt  }
0x72: {  	_ =	shalt  }
0x73: {  	_ =	shalt  }
0x74: {  	_ =	shalt  }
0x75: {  	_ =	shalt  }
0x76: {  	_ =	shalt  }
0x77: {  	_ =	shalt  }
0x78: {  	_ =	shalt  }
0x79: {  	_ =	shalt  }
0x7a: {  	_ =	shalt  }
0x7b: {  	_ =	shalt  }
0x7c: {  	_ =	shalt  }
0x7d: {  	_ =	shalt  }
0x7e: {  	_ =	shalt  }
0x7f: {  	_ =	shalt  }
0x80: {  	_ =	shalt  }
0x81: {  	_ =	shalt  }
0x82: {  	_ =	shalt  }
0x83: {  	_ =	shalt  }
0x84: {  	_ =	shalt  }
0x85: {  	_ =	shalt  }
0x86: {  	_ =	shalt  }
0x87: {  	_ =	shalt  }
.Lfunc_end0:
.L_simem_size_0:
called_computation_lowered:
.L_overlay_start_0:
0x88: {  	s2 =	sld [smem:$0x3FD9]  }
0x89: {  	s3 =	sld [smem:$0x3FFE];
	_ =	sdelay $0x1  }
0x8a: {  	s1 =	srdreg.scid  }
0x8b: {  	s0 =	sand.u32 $0x1, s1  }
0x8c: {  	s14 =	sshll.u32 s0, $0xA;
	s2 =	sadd.s32 s3, s2  }
0x8d: {  	s2 =	sadd.s32 s2, s14  }
0x8e: {  	[smem:$0x3FBA] =	sst s2  }
0x8f: {  	_ = 	snop  }
0x90: {  	s2 =	sld [smem:$0x3FD0];
	_ =	sdelay $0x2  }
0x91: {  	s15 =	simm.s32 $0xA;
	s4 =	simm.s32 $0x10  }
0x92: {  	[smem:s4], [sflag:s15] =	dma.local [hbm:s2], $0x1  }
0x93: {  	_ =	swait.eq [sflag:s15], $0x1  }
0x94: {  	[sflag:s15] =	ssyncset.done $0x0  }
0x95: {  	[sflag:s15] =	ssyncadd.s32 $0xFFFFFFFF  }
0x96: {  	s16 =	sld [smem:$0x11];
	(tm) =	ssettm $0x1  }
0x97: {  	s17 =	sld [smem:$0x3FFB];
	_ =	sdelay $0x3  }
0x98: {  	_ =	strace s17  }
0x99: {  	s3 =	sld [smem:$0x3FFC];
	_ =	sdelay $0x3  }
0x9a: {  	_ =	strace s3  }
0x9b: {  	s3 =	sld [smem:$0x3FFD];
	_ =	sdelay $0x3  }
0x9c: {  	_ =	strace s3  }
0x9d: {  	_ =	strace $0x8FFFFFFF  }
0x9e: {  	s18 =	sld [smem:$0x3FDB];
	_ =	sdelay $0x1  }
0x9f: {  	s19 =	simm.s32 $_scs_section_size  }
0xa0: {  	s5 =	simm.s32 $_size__tile_overlayer_lowered;
	s6 =	simm.s32 $_tile_overlayer_lowered  }
0xa1: {  	s22 =	simm.s32 $0x1BFF;
	s21 =	sshll.u32 s6, $0x1;
	s3 =	sadd.s32 s19, s18  }
0xa2: {  	s7 =	simm.s32 $0x0;
	s20 =	sshll.u32 s5, $0x1;
	s5 =	sadd.s32 s21, s3  }
0xa3: {  	[timem:s7], [sflag:s22] =	dma.local [hbm:s5], s20  }
0xa4: {  	_ =	swait.ge [sflag:s22], s20  }
0xa5: {  	s4 =	ssub.s32 $0x0, s20;
	[sflag:s22] =	ssyncset.done $0x0  }
0xa6: {  	[sflag:s22] =	ssyncadd.s32 s4;
	_ =	sdelay $0x1  }
0xa7: {  	s23 =	simm.s32 $0x1B8B  }
0xa8: {  	_ =	swait.ge [sflag:s23], $0x1  }
0xa9: {  	[sflag:s23] =	ssyncset.done $0x0  }
0xaa: {  	s25 =	simm.s32 $0x1B8E;
	s24 =	sld [smem:$0x3FFE];
	[sflag:s23] =	ssyncadd.s32 $0xFFFFFFFF  }
0xab: {  	s26 =	simm.s32 $execute0_lowered;
	[smem:$0x3FD2] =	sst s25  }
0xac: {  	s5 =	sshll.u32 s26, $0x1;
	_ =	strace $0x80000046;
	[dreg:$0x1] =	wrdreg $0xFFFFFFFF  }
0xad: {  	s28 =	simm.s32 $_size_execute0_lowered;
	s3 =	sadd.s32 s3, s5;
	[dreg:$0x0] =	wrdreg $0x0  }
0xae: {  	s5 =	sshll.u32 s28, $0x1;
	[dreg:$0x2] =	wrdreg s3  }
0xaf: {  	[dreg:$0x3] =	wrdreg s5  }
0xb0: {  	[dreg:$0x4] =	wrdreg $0xC0  }
0xb1: {  	_ =	task [dreg:s7], $0x5FFFF  }
0xb2: {  	[dreg:$0x1] =	wrdreg $0xFFFFFFFF  }
0xb3: {  	[dreg:$0x0] =	wrdreg $0x60  }
0xb4: {  	[dreg:$0x2] =	wrdreg s16  }
0xb5: {  	[dreg:$0x3] =	wrdreg s24  }
0xb6: {  	[dreg:$0x4] =	wrdreg $0x9  }
0xb7: {  	_ =	task.clear_ibuf [dreg:s7], $0x5FFFF;
	_ =	strace $0x90000046  }
0xb8: {  	s29 =	simm.s32 $0x9;
	_ =	strace $0x80000048  }
0xb9: {  	_ =	swait.ge [sflag:s29], $0x1  }
0xba: {  	[sflag:s29] =	ssyncadd.s32 $0xFFFFFFFF  }
0xbb: {  	_ =	strace $0x90000048  }
0xbc: {  	_ =	sfence  }
0xbd: {  	s30 =	sld [smem:$0x0];
	_ =	sdelay $0x2  }
0xbe: {  	s31 =	sshll.u32 s1, $0xD;
	s1 =	sshrl.u32 s1, $0x2  }
0xbf: {  	s3 =	sand.u32 $0x4000, s31;
	s1 =	sadd.s32 s1, s30  }
0xc0: {  	s0 =	sor.u32 s3, s0;
	s1 =	sshll.u32 s1, $0x11  }
0xc1: {  	s0 =	sor.u32 s1, s0  }
0xc2: {  	s0 =	sadd.s32 $0x8F2B, s0  }
0xc3: {  	[sflag:s0] =	ssyncadd.remote.s32 $0x1  }
0xc4: {  	_ =	sfence.sel $0xFFFF  }
0xc5: {  	[dreg:$0x0] =	wrdreg $0xFFFFFFFF;
	(pc) =	sbr.abs _section_cstart, $3  }
0xc6: {  	[dreg:$0x1] =	wrdreg $0xFFFFFFFF  }
0xc7: {  	_ =	task.clear_ibuf [dreg:s7], $0x2FFFF;
	_ =	strace $0x9FFFFFFF  }
0xc8: {  	(tm) =	ssettm $0x7FFFFFFF  }
0xc9: {  	_ =	shalt  }
tec
execute0_lowered:
.L_overlay_start_1:
0x0: {  	(tag) =	ssettag $0x1  }
0x1: {  	s0 =	srdreg.scid  }
0x2: {  	s2 =	stileid.u32;
	s4 =	rddreg [dreg:$0x0];
	s0 =	sand.u32 $0x1, s0  }
0x3: {  	s3 =	rddreg [dreg:$0x1];
	s1 =	sor.u32 s0, s2  }
0x4: {  	s14 =	simm.s32 $0x9;
	p1 =	seq.s32 s0, $0x1;
	p0 =	seq.s32 s1, $0x0  }
0x5: {  	s20 =	simm.s32 $0x80;
	s7 =	sshll.u32 s0, $0x8;
	p0 =	por !p0, !p1  }
0x6: {  	v0 =	vimm.s32 $0xEDCBA987;
	s0 =	ssub.s32 $0x2, s0;
	s1 =	simm.s32 $0x1;
	p0 =	por !p0, !p0  }
0x7: {  	v1 =	vimm.s32 $0x65432100;
	s28 =	simm.s32 $0x0;
	v0 =	vunpack.c.l.s4.s8 v0;
	s9 =	sshrl.u32 s0, $0x1;
	s1 =	simm.s32 @!p0 $0x0  }
0x8: {  	v3 =	vimm.s32 $0xDCBA9876;
	v1 =	vunpack.c.l.s4.s8 v1;
	s0 =	ssub.s32 s0, s9;
	s1 =	ssub.s32 s2, s1;
	s2 =	simm.s32 $0x0  }
0x9: {  	v4 =	vimm.s32 $0x54321000;
	v5 =	vimm.s32 $0xBA987654;
	v2 =	vunpack.c.0.s8.s32 v0;
	s5 =	sshll.u32 s1, $0x9;
	[smem:$0x7FF] =	sst s2;
	s1 =	sshll.u32 s1, $0xF  }
0xa: {  	vm0 =	vmmov $0x3;
	vm2 =	vcmask $0x3F30;
	v1 =	vunpack.c.0.s8.s32 v1;
	s0 =	smax.u32 s0, $0x1;
	s6 =	sand.u32 $0x1FFFFE00, s5;
	_ =	strace $0x80000047  }
0xb: {  	vm1 =	vmmov $0xf;
	v3 =	vunpack.c.l.s4.s8 v3;
	v2 =	vand.u32 $0xF, v2;
	s5 =	sor.u32 s7, s5;
	s1 =	sand.u32 $0x1FFF8000, s1;
	[dreg:$0xa] =	wrdreg s0  }
0xc: {  	v1 =	vcombine.low v1, v2;
	v2 =	vunpack.c.l.s4.s8 v4;
	v4 =	vimm.s32 $0xE40000;
	s8 =	sadd.s32 s6, s3;
	s7 =	sshrl.u32 s5, $0x3;
	s1 =	sadd.s32 s1, s3  }
0xd: {  	v5 =	vunpack.c.l.s4.s8 v5;
	v3 =	vunpack.c.0.s8.s32 v3;
	v4 =	vunpack.c.l.s2.s4 v4;
	s24 =	sshll.u32 s5, $0x8;
	s4 =	sadd.s32 s4, s6;
	s11 =	sshll.u32 s5, $0xB  }
0xe: {  	v0 =	vimm.s32 $0x0;
	v6 =	vunpack.c.0.s8.s32 v2;
	v2 =	vimm.s32 $0x32100000;
	s7 =	sadd.s32 s7, s3;
	s23 =	sadd.s32 $0x108200, s8;
	[dreg:$0x5] =	wrdreg s4  }
0xf: {  	v3 =	vand.u32 $0xF, v3;
	v7 =	vunpack.c.l.s4.s8 v2;
	v4 =	vunpack.c.l.s4.s8 v4;
	s3 =	sadd.s32 $0x10A400, s3;
	s8 =	sadd.s32 $0x106200, s8;
	[dreg:$0x3] =	wrdreg s23  }
.Ltmp0:
0x10: {  	v5 =	vunpack.c.0.s8.s32 v5;
	v2 =	vlaneseq.u32;
	v3 =	vcombine.low v6, v3;
	[dreg:$0x4] =	wrdreg s8;
	s25 =	sadd.s32 $0x105E00, s7;
	(pc) =	sbr.rel .LBB2_1-.Ltmp0, $4  }
0x11: {  	s26 =	sand.u32 $0x1FFF0000, s24;
	v6 =	vunpack.c.0.s8.s32 v7;
	v7 =	vimm.s32 $0x7060504;
	v8 =	vunpack.c.0.s8.s32 v4;
	s29 =	sadd.s32 $0x105A00, s7;
	[dreg:$0x6] =	wrdreg s25  }
0x12: {  	v4 =	vand.u32 $0xF, v5;
	s30 =	sadd.s32 $0x105600, s7;
	s4 =	sadd.s32 s26, s3;
	v5 =	vunpack.c.0.s8.s32 v7;
	v7 =	vadd.s32 $0x1, v2;
	[dreg:$0x7] =	wrdreg s29  }
0x13: {  	s10 =	sadd.s32 $0x4E00, s1;
	[dreg:$0x8] =	wrdreg s30;
	s31 =	sadd.s32 $0xFC00, s4;
	v4 =	vcombine.low v6, v4;
	v6 =	vand.u32 $0x3, v8;
	v8 =	vor.u32 $0x10, v2  }
0x14: {  	s26 =	simm.s32 $0x8;
	s25 =	simm.s32 $0x7;
	[dreg:$0x9] =	wrdreg s31;
	v5 =	vsel vm2, v5, v6;
	vm2 =	vmmov $0xff;
	v6 =	vimm.s32 $0x7  }
.LBB2_9:
0x15: {  	s0 =	simm.s32 $0x4  }
0x16: {  	_ =	swait.ge [sflag:s0], $0x2000  }
0x17: {  	s1 =	simm.s32 $0x99F0;
	[sflag:s0] =	ssyncset.done $0x0  }
0x18: {  	s29 =	simm.s32 $0x5;
	s24 =	rddreg [dreg:$0x9];
	[sflag:s0] =	ssyncadd.s32 $0xFFFFE000  }
0x19: {  	[hbm4b:s24+s2] =	stream.linear.scatter [tilespmem:s1], [sflag:$0x8], $0x2000, $0x38;
	[tilespmem:$0xB9F0] =	vst v63  }
0x1a: {  	_ =	swait.ge [sflag:s29], $0x2000  }
0x1b: {  	[sflag:s29] =	ssyncset.done $0x0  }
0x1c: {  	s30 =	simm.s32 $0x6;
	[sflag:s29] =	ssyncadd.s32 $0xFFFFE000  }
0x1d: {  	_ =	swait.ge [sflag:s30], $0x2000  }
0x1e: {  	[sflag:s30] =	ssyncset.done $0x0  }
0x1f: {  	[sflag:s30] =	ssyncadd.s32 $0xFFFFE000  }
0x20: {  	_ =	swait.ge [sflag:s25], $0x2000  }
0x21: {  	[sflag:s25] =	ssyncset.done $0x0  }
0x22: {  	[sflag:s25] =	ssyncadd.s32 $0xFFFFE000  }
0x23: {  	_ =	swait.ge [sflag:s26], $0x2000  }
0x24: {  	s28 =	sadd.s32 $0x1, s28;
	s31 =	rddreg [dreg:$0xa]  }
0x25: {  	p0 =	sne.s32 s28, s31  }
.Ltmp1:
0x26: {  	_ = 	snop;
	(pc) =	sbr.rel @!p0 .LBB2_10-.Ltmp1, $3  }
0x27: {  	_ =	sdelay $0x1  }
0x28: {  	[sflag:s26] =	ssyncset.done $0x0  }
0x29: {  	[sflag:s26] =	ssyncadd.s32 $0xFFFFE000  }
.LBB2_1:
0x2a: {  	s0 =	rddreg [dreg:$0x5]  }
0x2b: {  	[tilespmem:s2], [sflag:$0x9] =	stream.linear.gather [hbm4b:s0+s2], $0x1000, $0x38;
	[tilespmem:$0xB9F0] =	vst v63  }
0x2c: {  	_ =	swait.ge [sflag:s14], $0x1000  }
0x2d: {  	[sflag:s14] =	ssyncset.done $0x0  }
0x2e: {  	s1 =	simm.s32 $0x1000;
	s17 =	rddreg [dreg:$0x3];
	[sflag:s14] =	ssyncadd.s32 $0xFFFFF000  }
0x2f: {  	[tilespmem:s1], [sflag:$0x9] =	stream.linear.gather [hbm4b:s17+s2], $0x1000, $0x38;
	[tilespmem:$0xB9F0] =	vst v63  }
0x30: {  	_ =	swait.ge [sflag:s14], $0x1000  }
0x31: {  	[sflag:s14] =	ssyncset.done $0x0  }
0x32: {  	s19 =	simm.s32 $0x2000;
	s18 =	rddreg [dreg:$0x4];
	[sflag:s14] =	ssyncadd.s32 $0xFFFFF000  }
0x33: {  	[tilespmem:s19], [sflag:$0x9] =	stream.linear.gather [hbm4b:s18+s2], $0x1000, $0x38;
	[tilespmem:$0xB9F0] =	vst v63  }
0x34: {  	_ =	swait.ge [sflag:s14], $0x1000  }
0x35: {  	[sflag:s14] =	ssyncset.done $0x0  }
0x36: {  	s22 =	simm.s32 $0x3000;
	s21 =	rddreg [dreg:$0x6];
	[sflag:s14] =	ssyncadd.s32 $0xFFFFF000  }
0x37: {  	[tilespmem:s22], [sflag:$0x9] =	stream.linear.gather [hbm4b:s21+s2], $0x100, $0x38;
	[tilespmem:$0xB9F0] =	vst v63  }
0x38: {  	_ =	swait.ge [sflag:s14], $0x100  }
0x39: {  	[sflag:s14] =	ssyncset.done $0x0  }
0x3a: {  	s24 =	simm.s32 $0x3110;
	s23 =	rddreg [dreg:$0x7];
	[sflag:s14] =	ssyncadd.s32 $0xFFFFFF00  }
0x3b: {  	[tilespmem:s24], [sflag:$0x9] =	stream.linear.gather [hbm4b:s23+s2], $0x100, $0x38;
	[tilespmem:$0xB9F0] =	vst v63  }
0x3c: {  	_ =	swait.ge [sflag:s14], $0x100  }
0x3d: {  	s31 =	simm.s32 $0x3220;
	[sflag:s14] =	ssyncset.done $0x0  }
.Ltmp2:
0x3e: {  	s30 =	rddreg [dreg:$0x8];
	[sflag:s14] =	ssyncadd.s32 $0xFFFFFF00;
	(pc) =	sbr.rel .LBB2_2-.Ltmp2, $4  }
0x3f: {  	[tilespmem:s31], [sflag:$0x9] =	stream.linear.gather [hbm4b:s30+s2], $0x100, $0x38;
	[tilespmem:$0xB9F0] =	vst v63  }
0x40: {  	_ =	swait.ge [sflag:s14], $0x100  }
0x41: {  	[sflag:s14] =	ssyncset.done $0x0  }
0x42: {  	s29 =	simm.s32 $0x0;
	[sflag:s14] =	ssyncadd.s32 $0xFFFFFF00  }
.LBB2_8:
0x43: {  	v9 =	vld [tilespmem:$0x3330];
	_ =	sdelay $0x4  }
0x44: {  	v10 =	vmov s7;
	v11 =	vbroadcast v9, $0x0  }
0x45: {  	vm3 =	vgt.s32 v10, v2  }
0x46: {  	s0 =	sshll.u32 s30, $0x7;
	v9 =	vsel vm3, v9, v11  }
0x47: {  	[tilespmem:s0+$0x37F0] =	vst v9  }
0x48: {  	v9 =	vld [tilespmem:$0x3340];
	_ =	sdelay $0x3  }
0x49: {  	vm3 =	vgt.s32 v10, v8  }
0x4a: {  	v9 =	vsel vm3, v9, v11  }
0x4b: {  	[tilespmem:s0+$0x3800] =	vst v9  }
0x4c: {  	v9 =	vld [tilespmem:$0x3460];
	_ =	sdelay $0x4  }
0x4d: {  	v10 =	vmov s6;
	v11 =	vbroadcast v9, $0x0  }
0x4e: {  	vm3 =	vgt.s32 v10, v2  }
0x4f: {  	v9 =	vsel vm3, v9, v11  }
0x50: {  	[tilespmem:s0+$0x3810] =	vst v9  }
0x51: {  	v9 =	vld [tilespmem:$0x3470];
	_ =	sdelay $0x3  }
0x52: {  	vm3 =	vgt.s32 v10, v8  }
0x53: {  	v9 =	vsel vm3, v9, v11  }
0x54: {  	[tilespmem:s0+$0x3820] =	vst v9  }
0x55: {  	v9 =	vld [tilespmem:$0x3590];
	_ =	sdelay $0x4  }
0x56: {  	v10 =	vmov s5;
	v11 =	vbroadcast v9, $0x0  }
0x57: {  	vm3 =	vgt.s32 v10, v2  }
0x58: {  	v9 =	vsel vm3, v9, v11  }
0x59: {  	[tilespmem:s0+$0x3830] =	vst v9  }
0x5a: {  	v9 =	vld [tilespmem:$0x35A0];
	_ =	sdelay $0x3  }
0x5b: {  	vm3 =	vgt.s32 v10, v8  }
0x5c: {  	v9 =	vsel vm3, v9, v11  }
0x5d: {  	[tilespmem:s0+$0x3840] =	vst v9  }
0x5e: {  	v9 =	vld [tilespmem:$0x36C0];
	_ =	sdelay $0x4  }
0x5f: {  	v10 =	vmov s4;
	v11 =	vbroadcast v9, $0x0  }
0x60: {  	vm3 =	vgt.s32 v10, v2  }
0x61: {  	v9 =	vsel vm3, v9, v11  }
0x62: {  	[tilespmem:s0+$0x3850] =	vst v9  }
0x63: {  	v9 =	vld [tilespmem:$0x36D0];
	_ =	sdelay $0x3  }
0x64: {  	vm3 =	vgt.s32 v10, v8  }
0x65: {  	s1 =	sshll.u32 s30, $0xD;
	s31 =	sadd.s32 $0x1, s30;
	p0 =	seq.s32 s29, $0x0;
	v9 =	vsel vm3, v9, v11  }
0x66: {  	s23 =	sadd.s32 $0x37F0, s0;
	s24 =	sadd.s32 $0x39F0, s1;
	[tilespmem:s0+$0x3860] =	vst v9;
	s0 =	sadd.s32 @!p0 $0xFFFFFFFF, s29  }
0x67: {  	[tilespmem:s24], [sflag:s31] =	stream.indirect.gather [hbm4b:s10+s20], $0x40, s23, s20, $0xb8;
	[tilespmem:$0xB9F0] =	vst v63  }
0x68: {  	s1 =	sand.u32 @!p0 $0x3, s0  }
0x69: {  	s0 =	sshll.u32 @!p0 s0, $0xD;
	s4 =	sadd.s32 @!p0 $0x1, s1  }
0x6a: {  	s0 =	sadd.s32 @!p0 s11, s0;
	_ =	swait.ge @!p0 [sflag:s4], $0x2000  }
0x6b: {  	s5 =	simm.s32 @!p0 $0x0;
	s0 =	sshrl.u32 @!p0 s0, $0x3;
	[sflag:s4] =	ssyncset.done @!p0 $0x0  }
0x6c: {  	[sflag:s4] =	ssyncadd.s32 @!p0 $0xFFFFE000;
	s4 =	sadd.s32 @!p0 $0x5, s1;
	s1 =	sshll.u32 @!p0 s1, $0xD  }
0x6d: {  	s29 =	sadd.s32 $0x1, s29;
	s0 =	sadd.s32 @!p0 s3, s0;
	s1 =	sadd.s32 @!p0 $0x39F0, s1  }
0x6e: {  	[hbm4b:s0+s5] =	stream.linear.scatter @!p0 [tilespmem:s1], [sflag:s4], $0x2000, $0x38;
	[tilespmem:$0xB9F0] =	vst v63  }
0x6f: {  	p0 =	sne.s32 s29, $0x40  }
.Ltmp3:
0x70: {  	_ = 	snop;
	(pc) =	sbr.rel @!p0 .LBB2_9-.Ltmp3, $1  }
0x71: {  	_ =	sdelay $0x3  }
.LBB2_2:
0x72: {  	s30 =	sand.u32 $0x3, s29;
	p0 =	slt.u32 s29, $0x4  }
0x73: {  	s0 =	sadd.s32 @!p0 $0x5, s30  }
0x74: {  	_ =	swait.ge @!p0 [sflag:s0], $0x2000  }
0x75: {  	[sflag:s0] =	ssyncset.done @!p0 $0x0  }
0x76: {  	s31 =	sshll.u32 s29, $0x2;
	[sflag:s0] =	ssyncadd.s32 @!p0 $0xFFFFE000  }
0x77: {  	v9 =	vld.msk [tilespmem:s31+$0x3000 ss:$0x0], $0xffff  }
0x78: {  	v10 =	vld.msk [tilespmem:s31+$0x3110 ss:$0x0], $0xffff  }
0x79: {  	v11 =	vld.msk [tilespmem:s31+$0x3220 ss:$0x0], $0xffff  }
0x7a: {  	v12 =	vld.msk [tilespmem:s31+$0x3001 ss:$0x0], $0xffff  }
0x7b: {  	v13 =	vld.msk [tilespmem:s31+$0x3111 ss:$0x0], $0xffff  }
0x7c: {  	v14 =	vld.msk [tilespmem:s31+$0x3221 ss:$0x0], $0xffff  }
0x7d: {  	v15 =	vld.msk [tilespmem:s31+$0x3002 ss:$0x0], $0xffff  }
.Ltmp4:
0x7e: {  	v16 =	vld.msk [tilespmem:s31+$0x3112 ss:$0x0], $0xffff;
	(pc) =	sbr.rel .LBB2_3-.Ltmp4, $4  }
0x7f: {  	v17 =	vld.msk [tilespmem:s31+$0x3222 ss:$0x0], $0xffff  }
0x80: {  	s12 =	simm.s32 $0x0;
	s15 =	simm.s32 $0x1000;
	s16 =	simm.s32 $0x2000;
	v18 =	vld.msk [tilespmem:s31+$0x3003 ss:$0x0], $0xffff  }
0x81: {  	s17 =	simm.s32 $0x0;
	s4 =	simm.s32 $0x0;
	s5 =	simm.s32 $0x0;
	v19 =	vld.msk [tilespmem:s31+$0x3113 ss:$0x0], $0xffff  }
0x82: {  	s6 =	simm.s32 $0x0;
	s7 =	simm.s32 $0x0;
	s19 =	simm.s32 $0x0;
	v20 =	vld.msk [tilespmem:s31+$0x3223 ss:$0x0], $0xffff  }
.LBB2_6:
0x83: {  	v26 =	vsel vm4, v28, v26;
	v60 =	vperm.xlane v21, v30  }
0x84: {  	v22 =	vperm.xlane v22, v26  }
0x85: {  	v23 =	vperm.xlane v23, v24;
	v61 =	vor.u32 $0x2, v27;
	vm3 =	vlt.s32 v60, v7  }
0x86: {  	vm15 =	vlt.s32 v29, v7;
	s21 =	sld [smem:$0x7FD];
	v27 =	vsel vm3, v61, v27;
	vm3 =	vlt.s32 v22, v7  }
0x87: {  	v22 =	vsel vm3, $0x1, v0;
	vm3 =	vlt.s32 v23, v7;
	v21 =	vperm.xlane v21, v27  }
0x88: {  	v23 =	vsel vm15, $0x1, v0;
	v22 =	vor.u32 s0, v22;
	v62 =	vsel vm3, $0x1, v0  }
0x89: {  	s7 =	simm.s32 @!p2 $0x11F;
	s8 =	spop (v2sf);
	p0 =	seq.s32 s21, $0x1;
	v22 =	vor.u32 v26, v22;
	v63 =	vor.u32 s0, v62;
	vm3 =	vlt.s32 v21, v7  }
0x8a: {  	s23 =	spop (v2sf);
	s6 =	simm.s32 @!p0 $0x11F;
	v21 =	vor.u32 s0, v23;
	[tilespmem:s7+$0x3330] =	vst v22;
	v22 =	vor.u32 v24, v63;
	v23 =	vsel vm3, $0x1, v0  }
0x8b: {  	s5 =	simm.s32 @!p3 $0x11F;
	s24 =	spop (v2sf);
	v21 =	vor.u32 v25, v21;
	[tilespmem:s6+$0x3460] =	vst v22;
	v22 =	vor.u32 s0, v23  }
0x8c: {  	s4 =	simm.s32 @!p1 $0x11F;
	s7 =	sadd.s32 s22, s24;
	[tilespmem:s5+$0x3590] =	vst v21;
	v21 =	vor.u32 v27, v22  }
0x8d: {  	s6 =	sadd.s32 s18, s23;
	s5 =	sadd.s32 s1, s8;
	[tilespmem:s4+$0x36C0] =	vst v21;
	s4 =	smov.u32 s31  }
.LBB2_7:
0x8e: {  	s19 =	sadd.s32 $0x1, s19  }
0x8f: {  	p0 =	sne.s32 s19, $0x10  }
.Ltmp5:
0x90: {  	_ = 	snop;
	(pc) =	sbr.rel @!p0 .LBB2_8-.Ltmp5, $3  }
0x91: {  	_ =	sdelay $0x1  }
0x92: {  	s17 =	sadd.s32 $0x100, s17  }
0x93: {  	s15 =	sadd.s32 $0x100, s15;
	s16 =	sadd.s32 $0x100, s16;
	s12 =	sadd.s32 $0x100, s12  }
.LBB2_3:
0x94: {  	p0 =	slt.s32 s7, s6  }
0x95: {  	s0 =	smov.u32 s6;
	p1 =	slt.s32 s5, s4;
	s1 =	smov.u32 s4  }
0x96: {  	s0 =	smov.u32 @p0 s7;
	s1 =	smov.u32 @p1 s5  }
0x97: {  	p0 =	slt.s32 s0, s1  }
0x98: {  	s1 =	smov.u32 @p0 s0  }
0x99: {  	p0 =	sgt.s32 s1, $0x1F  }
.Ltmp6:
0x9a: {  	_ = 	snop;
	(pc) =	sbr.rel @p0 .LBB2_7-.Ltmp6, $1  }
0x9b: {  	_ =	sdelay $0x3  }
0x9c: {  	s1 =	sadd.s32 $0x0, s17  }
0x9d: {  	s23 =	sadd.s32 $0x0, s15;
	v22 =	vld [tilespmem:s1+$0x0]  }
0x9e: {  	s0 =	sadd.s32 $0x0, s16;
	v23 =	vld [tilespmem:s23+$0x0]  }
0x9f: {  	v21 =	vld [tilespmem:s0+$0x0];
	_ =	sdelay $0x2  }
0xa0: {  	v24 =	vsub.f32 v22, v12  }
0xa1: {  	v25 =	vsub.f32 v22, v18;
	v26 =	vsub.f32 v23, v10  }
0xa2: {  	v27 =	vsub.f32 v21, v20;
	v28 =	vsub.f32 v22, v9  }
0xa3: {  	v29 =	vsub.f32 v21, v11;
	v30 =	vsub.f32 v21, v14  }
0xa4: {  	v31 =	vsub.f32 v23, v13;
	v22 =	vsub.f32 v22, v15;
	v25 =	vmul.f32 v25, v25  }
0xa5: {  	v32 =	vsub.f32 v23, v19;
	v26 =	vmul.f32 v26, v26;
	v28 =	vmul.f32 v28, v28  }
0xa6: {  	v23 =	vsub.f32 v23, v16;
	v29 =	vmul.f32 v29, v29;
	v30 =	vmul.f32 v30, v30  }
0xa7: {  	v24 =	vmul.f32 v24, v24;
	v26 =	vadd.f32 v26, v28;
	v28 =	vmul.f32 v31, v31  }
0xa8: {  	v21 =	vsub.f32 v21, v17;
	v22 =	vmul.f32 v22, v22;
	v31 =	vmul.f32 v32, v32  }
0xa9: {  	v23 =	vmul.f32 v23, v23;
	v26 =	vadd.f32 v29, v26;
	v24 =	vadd.f32 v28, v24  }
0xaa: {  	v27 =	vmul.f32 v27, v27;
	v21 =	vmul.f32 v21, v21;
	v25 =	vadd.f32 v31, v25  }
0xab: {  	v22 =	vadd.f32 v23, v22;
	vm3 =	vle.f32 v26, $3.999999910e-02;
	v24 =	vadd.f32 v30, v24  }
0xac: {  	v23 =	vadd.f32 v27, v25;
	v26 =	vsel vm3, $0x1, v0  }
0xad: {  	v21 =	vadd.f32 v21, v22;
	v25 =	vperm.xlane v26, v1;
	vm4 =	vle.f32 v24, $3.999999910e-02  }
0xae: {  	vm3 =	veq.s32 v2, $0x0;
	v24 =	vsel vm4, $0x1, v0;
	vm4 =	vle.f32 v23, $3.999999910e-02  }
0xaf: {  	v22 =	vsel vm3, $0x0, v25;
	v23 =	vperm.xlane v24, v1;
	v25 =	vsel vm4, $0x1, v0  }
0xb0: {  	vm4 =	vle.f32 v21, $3.999999910e-02;
	v22 =	vadd.s32 v26, v22;
	v21 =	vperm.xlane v25, v1  }
0xb1: {  	v27 =	vsel vm4, $0x1, v0;
	v26 =	vperm.xlane v22, v3;
	v23 =	vsel vm3, $0x0, v23  }
0xb2: {  	v23 =	vadd.s32 v24, v23;
	v24 =	vperm.xlane v27, v1;
	v21 =	vsel vm3, $0x0, v21  }
0xb3: {  	v26 =	vsel vm0, $0x0, v26;
	v28 =	vperm.xlane v23, v3;
	v21 =	vadd.s32 v25, v21  }
0xb4: {  	v22 =	vadd.s32 v26, v22;
	v24 =	vsel vm3, $0x0, v24;
	v25 =	vperm.xlane v21, v3  }
0xb5: {  	v26 =	vperm.xlane v22, v4;
	v28 =	vsel vm0, $0x0, v28;
	v24 =	vadd.s32 v27, v24  }
0xb6: {  	v23 =	vadd.s32 v28, v23;
	v27 =	vperm.xlane v24, v3;
	v25 =	vsel vm0, $0x0, v25  }
0xb7: {  	v26 =	vsel vm1, $0x0, v26;
	v28 =	vperm.xlane v23, v4;
	v21 =	vadd.s32 v25, v21  }
0xb8: {  	v22 =	vadd.s32 v26, v22;
	v25 =	vsel vm0, $0x0, v27;
	v26 =	vperm.xlane v21, v4  }
0xb9: {  	v27 =	vperm.xlane v22, v5;
	v28 =	vsel vm1, $0x0, v28;
	v24 =	vadd.s32 v25, v24  }
0xba: {  	v23 =	vadd.s32 v28, v23;
	v25 =	vperm.xlane v24, v4;
	v26 =	vsel vm1, $0x0, v26  }
0xbb: {  	v27 =	vsel vm2, $0x0, v27;
	v28 =	vperm.xlane v23, v5;
	v21 =	vadd.s32 v26, v21  }
0xbc: {  	v22 =	vadd.s32 v27, v22;
	v25 =	vsel vm1, $0x0, v25;
	v26 =	vperm.xlane v21, v5  }
0xbd: {  	v27 =	vperm.xlane v22, v6;
	v28 =	vsel vm2, $0x0, v28;
	v24 =	vadd.s32 v25, v24  }
0xbe: {  	v23 =	vadd.s32 v28, v23;
	v25 =	vperm.xlane v24, v5;
	v26 =	vsel vm2, $0x0, v26  }
0xbf: {  	vm4 =	vlt.s32 v27, v7;
	v27 =	vperm.xlane v23, v6;
	v21 =	vadd.s32 v26, v21  }
0xc0: {  	v26 =	vsel vm4, $0x8, v0;
	v25 =	vsel vm2, $0x0, v25;
	(v2sf) =	vpush v21, $0xF  }
0xc1: {  	v28 =	vor.u32 $0x3, v26;
	vm4 =	vlt.s32 v27, v7;
	v29 =	vadd.s32 v25, v24  }
0xc2: {  	v24 =	vsel vm4, $0x8, v0;
	v25 =	vperm.xlane v29, v6;
	(v2sf) =	vpush v29, $0xF  }
0xc3: {  	v27 =	vperm.xlane v22, v28;
	v28 =	vor.u32 $0x3, v24;
	(v2sf) =	vpush v23, $0xF  }
0xc4: {  	v28 =	vperm.xlane v23, v28;
	vm4 =	vlt.s32 v25, v7;
	(v2sf) =	vpush v22, $0xF  }
0xc5: {  	vm5 =	vlt.s32 v27, v7;
	v27 =	vperm.xlane v21, v6;
	v25 =	vsel vm4, $0x8, v0  }
0xc6: {  	vm4 =	vlt.s32 v28, v7;
	v28 =	vor.u32 $0x4, v24;
	v30 =	vor.u32 $0x3, v25  }
0xc7: {  	v24 =	vsel vm4, v28, v24;
	v28 =	vperm.xlane v29, v30;
	vm4 =	vlt.s32 v27, v7  }
0xc8: {  	v27 =	vor.u32 $0x4, v26;
	v30 =	vor.u32 $0x1, v24;
	v31 =	vsel vm4, $0x8, v0  }
0xc9: {  	v30 =	vperm.xlane v23, v30;
	vm4 =	vlt.s32 v28, v7;
	v28 =	vor.u32 $0x4, v25  }
0xca: {  	s9 =	simm.s32 $0x40;
	v63 =	vor.u32 $0x2, v24;
	v26 =	vsel vm5, v27, v26;
	v25 =	vsel vm4, v28, v25  }
0xcb: {  	p0 =	slt.s32 s5, $0x11F;
	p1 =	slt.s32 s6, $0x11F;
	p4 =	slt.s32 s4, $0x11F;
	v28 =	vor.u32 $0x3, v31;
	vm4 =	vlt.s32 v30, v7;
	v30 =	vor.u32 $0x1, v25  }
0xcc: {  	p2 =	slt.s32 s7, $0x11F;
	s8 =	smov.u32 s12;
	s18 =	smov.u32 s6;
	v34 =	vor.u32 $0x1, v26;
	v27 =	vperm.xlane v29, v30;
	v30 =	vperm.xlane v21, v28  }
0xcd: {  	s22 =	smov.u32 s7;
	p2 =	por p2, p2;
	p1 =	por p1, p1;
	v35 =	vor.u32 $0x4, v31;
	v34 =	vperm.xlane v22, v34;
	v33 =	vor.u32 $0x2, v25  }
0xce: {  	p3 =	por p0, p0;
	s1 =	smov.u32 s5;
	s0 =	simm.s32 @!p1 $0x0;
	v28 =	vor.u32 $0x2, v26;
	vm5 =	vlt.s32 v27, v7;
	vm6 =	vlt.s32 v30, v7  }
0xcf: {  	s0 =	simm.s32 @p1 $0x1;
	p1 =	por p4, p4;
	v24 =	vsel vm4, v63, v24;
	v25 =	vsel vm5, v33, v25;
	v27 =	vsel vm6, v35, v31;
	s24 =	spop (v2sf)  }
0xd0: {  	[smem:$0x7FD] =	sst s0;
	s0 =	smov.u32 s12;
	vm4 =	vlt.s32 v34, v7;
	v29 =	vperm.xlane v29, v25;
	v30 =	vor.u32 $0x1, v27;
	s31 =	sadd.s32 s4, s24  }
.LBB2_5:
0xd1: {  	v26 =	vsel vm4, v28, v26  }
0xd2: {  	p0 =	sne.s32 s9, $0x3C0;
	v28 =	vperm.xlane v21, v30;
	vm4 =	vlt.s32 v29, v7;
	v22 =	vperm.xlane v22, v26  }
0xd3: {  	v23 =	vperm.xlane v23, v24;
	s13 =	simm.s32 @!p0 $0x0;
	v29 =	vsel vm4, $0x1, v0;
	s23 =	spop (v2sf)  }
0xd4: {  	s13 =	simm.s32 @p0 $0x1;
	vm4 =	vlt.s32 v28, v7;
	v28 =	vor.u32 $0x2, v27;
	vm5 =	vlt.s32 v22, v7;
	s1 =	sadd.s32 s1, s23;
	s24 =	spop (v2sf)  }
0xd5: {  	v27 =	vsel vm4, v28, v27;
	v28 =	vsel vm5, $0x1, v0;
	s18 =	sadd.s32 s18, s24;
	s23 =	spop (v2sf);
	s24 =	sld [smem:$0x7FD]  }
0xd6: {  	[smem:$0x7FC] =	sst s13;
	v22 =	vor.u32 s0, v29;
	vm4 =	vlt.s32 v23, v7;
	s13 =	smov.u32 s7;
	v23 =	vor.u32 s0, v28;
	s22 =	sadd.s32 s22, s23  }
0xd7: {  	v21 =	vperm.xlane v21, v27;
	s13 =	simm.s32 @!p2 $0x11F;
	v28 =	vsel vm4, $0x1, v0;
	v23 =	vor.u32 v26, v23;
	p4 =	slt.s32 s22, $0x11F  }
0xd8: {  	v22 =	vor.u32 v25, v22;
	v25 =	vor.u32 s0, v28;
	[tilespmem:s13+$0x3330] =	vst v23;
	s13 =	smov.u32 s6;
	p2 =	por p4, p4;
	p4 =	seq.s32 s24, $0x1  }
0xd9: {  	vm4 =	vlt.s32 v21, v7;
	v21 =	vor.u32 v24, v25;
	s13 =	simm.s32 @!p4 $0x11F  }
0xda: {  	p0 =	slt.s32 s18, $0x11F;
	[tilespmem:s13+$0x3460] =	vst v21;
	s13 =	smov.u32 s5  }
0xdb: {  	v23 =	vsel vm4, $0x1, v0;
	p4 =	por p0, p0;
	s13 =	simm.s32 @!p3 $0x11F  }
0xdc: {  	s21 =	smov.u32 s9;
	s23 =	simm.s32 @!p4 $0x0;
	v21 =	vor.u32 s0, v23;
	[tilespmem:s13+$0x3590] =	vst v22;
	s13 =	smov.u32 s4  }
0xdd: {  	s21 =	sshra.s32 s21, $0x2;
	s23 =	simm.s32 @p4 $0x1;
	v21 =	vor.u32 v27, v21;
	s13 =	simm.s32 @!p1 $0x11F  }
0xde: {  	[smem:$0x7FD] =	sst s23;
	s23 =	sadd.s32 s21, s17;
	[tilespmem:s13+$0x36C0] =	vst v21  }
0xdf: {  	s24 =	sadd.s32 s21, s15;
	v22 =	vld [tilespmem:s23+$0x0]  }
0xe0: {  	s21 =	sadd.s32 s21, s16;
	v23 =	vld [tilespmem:s24+$0x0]  }
0xe1: {  	v21 =	vld [tilespmem:s21+$0x0];
	_ =	sdelay $0x2  }
0xe2: {  	v24 =	vsub.f32 v22, v12  }
0xe3: {  	v25 =	vsub.f32 v22, v18;
	v26 =	vsub.f32 v23, v10  }
0xe4: {  	v27 =	vsub.f32 v21, v20;
	v28 =	vsub.f32 v22, v9  }
0xe5: {  	v29 =	vsub.f32 v21, v11;
	v30 =	vsub.f32 v23, v13  }
0xe6: {  	v31 =	vsub.f32 v21, v14;
	v22 =	vsub.f32 v22, v15  }
0xe7: {  	v21 =	vsub.f32 v21, v17;
	v26 =	vmul.f32 v26, v26;
	v28 =	vmul.f32 v28, v28  }
0xe8: {  	v32 =	vsub.f32 v23, v19;
	v25 =	vmul.f32 v25, v25;
	v29 =	vmul.f32 v29, v29  }
0xe9: {  	v24 =	vmul.f32 v24, v24;
	v26 =	vadd.f32 v26, v28;
	v28 =	vmul.f32 v30, v30  }
0xea: {  	v23 =	vsub.f32 v23, v16;
	v31 =	vmul.f32 v31, v31;
	v30 =	vmul.f32 v32, v32  }
0xeb: {  	v27 =	vmul.f32 v27, v27;
	v26 =	vadd.f32 v29, v26;
	v24 =	vadd.f32 v28, v24  }
0xec: {  	v22 =	vmul.f32 v22, v22;
	v23 =	vmul.f32 v23, v23;
	v25 =	vadd.f32 v30, v25  }
0xed: {  	v21 =	vmul.f32 v21, v21;
	vm4 =	vle.f32 v26, $3.999999910e-02;
	v24 =	vadd.f32 v31, v24  }
0xee: {  	v22 =	vadd.f32 v23, v22;
	v23 =	vadd.f32 v27, v25;
	v26 =	vsel vm4, $0x1, v0  }
0xef: {  	v25 =	vperm.xlane v26, v1;
	vm4 =	vle.f32 v24, $3.999999910e-02  }
0xf0: {  	v21 =	vadd.f32 v21, v22;
	v24 =	vsel vm4, $0x1, v0;
	vm4 =	vle.f32 v23, $3.999999910e-02  }
0xf1: {  	v22 =	vsel vm3, $0x0, v25;
	v23 =	vperm.xlane v24, v1;
	v25 =	vsel vm4, $0x1, v0  }
0xf2: {  	vm4 =	vle.f32 v21, $3.999999910e-02;
	v22 =	vadd.s32 v26, v22;
	v21 =	vperm.xlane v25, v1  }
0xf3: {  	v27 =	vsel vm4, $0x1, v0;
	v26 =	vperm.xlane v22, v3;
	v23 =	vsel vm3, $0x0, v23  }
0xf4: {  	v23 =	vadd.s32 v24, v23;
	v24 =	vperm.xlane v27, v1;
	v21 =	vsel vm3, $0x0, v21  }
0xf5: {  	v26 =	vsel vm0, $0x0, v26;
	v28 =	vperm.xlane v23, v3;
	v21 =	vadd.s32 v25, v21  }
0xf6: {  	v22 =	vadd.s32 v26, v22;
	v24 =	vsel vm3, $0x0, v24;
	v25 =	vperm.xlane v21, v3  }
0xf7: {  	v26 =	vperm.xlane v22, v4;
	v28 =	vsel vm0, $0x0, v28;
	v24 =	vadd.s32 v27, v24  }
0xf8: {  	v23 =	vadd.s32 v28, v23;
	v27 =	vperm.xlane v24, v3;
	v25 =	vsel vm0, $0x0, v25  }
0xf9: {  	v26 =	vsel vm1, $0x0, v26;
	v28 =	vperm.xlane v23, v4;
	v21 =	vadd.s32 v25, v21  }
0xfa: {  	v22 =	vadd.s32 v26, v22;
	v25 =	vsel vm0, $0x0, v27;
	v26 =	vperm.xlane v21, v4  }
0xfb: {  	v27 =	vperm.xlane v22, v5;
	v28 =	vsel vm1, $0x0, v28;
	v24 =	vadd.s32 v25, v24  }
0xfc: {  	v23 =	vadd.s32 v28, v23;
	v25 =	vperm.xlane v24, v4;
	v26 =	vsel vm1, $0x0, v26  }
0xfd: {  	v27 =	vsel vm2, $0x0, v27;
	v28 =	vperm.xlane v23, v5;
	v21 =	vadd.s32 v26, v21  }
0xfe: {  	v22 =	vadd.s32 v27, v22;
	v25 =	vsel vm1, $0x0, v25;
	v26 =	vperm.xlane v21, v5  }
0xff: {  	v27 =	vperm.xlane v22, v6;
	v28 =	vsel vm2, $0x0, v28;
	v24 =	vadd.s32 v25, v24  }
0x100: {  	v23 =	vadd.s32 v28, v23;
	v25 =	vperm.xlane v24, v5;
	v26 =	vsel vm2, $0x0, v26  }
0x101: {  	vm4 =	vlt.s32 v27, v7;
	v27 =	vperm.xlane v23, v6;
	v21 =	vadd.s32 v26, v21  }
0x102: {  	v26 =	vsel vm4, $0x8, v0;
	v25 =	vsel vm2, $0x0, v25;
	(v2sf) =	vpush v21, $0xF  }
0x103: {  	v28 =	vor.u32 $0x3, v26;
	vm4 =	vlt.s32 v27, v7;
	v29 =	vadd.s32 v25, v24  }
0x104: {  	v24 =	vsel vm4, $0x8, v0;
	v25 =	vperm.xlane v29, v6;
	(v2sf) =	vpush v29, $0xF  }
0x105: {  	v27 =	vperm.xlane v22, v28;
	v28 =	vor.u32 $0x3, v24;
	(v2sf) =	vpush v23, $0xF  }
0x106: {  	v28 =	vperm.xlane v23, v28;
	vm4 =	vlt.s32 v25, v7;
	(v2sf) =	vpush v22, $0xF  }
0x107: {  	vm5 =	vlt.s32 v27, v7;
	v27 =	vperm.xlane v21, v6;
	v25 =	vsel vm4, $0x8, v0  }
0x108: {  	vm4 =	vlt.s32 v28, v7;
	v28 =	vor.u32 $0x4, v24;
	v30 =	vor.u32 $0x3, v25  }
0x109: {  	v24 =	vsel vm4, v28, v24;
	v28 =	vperm.xlane v29, v30;
	vm4 =	vlt.s32 v27, v7  }
0x10a: {  	s24 =	sld [smem:$0x7FC];
	v27 =	vor.u32 $0x4, v26;
	v30 =	vor.u32 $0x1, v24;
	v31 =	vsel vm4, $0x8, v0  }
0x10b: {  	v30 =	vperm.xlane v23, v30;
	vm4 =	vlt.s32 v28, v7;
	v28 =	vor.u32 $0x4, v25  }
0x10c: {  	v63 =	vor.u32 $0x2, v24;
	v26 =	vsel vm5, v27, v26;
	v25 =	vsel vm4, v28, v25  }
0x10d: {  	p0 =	seq.s32 s24, $0x1;
	v28 =	vor.u32 $0x3, v31;
	vm4 =	vlt.s32 v30, v7;
	v30 =	vor.u32 $0x1, v25  }
.Ltmp7:
0x10e: {  	s8 =	sadd.s32 $0x10, s8;
	v34 =	vor.u32 $0x1, v26;
	v27 =	vperm.xlane v29, v30;
	v30 =	vperm.xlane v21, v28;
	(pc) =	sbr.rel @p0 .LBB2_5-.Ltmp7, $4  }
0x10f: {  	s9 =	sadd.s32 $0x40, s9;
	p6 =	slt.s32 s31, $0x11F;
	p5 =	slt.s32 s1, $0x11F;
	v35 =	vor.u32 $0x4, v31;
	v34 =	vperm.xlane v22, v34;
	v33 =	vor.u32 $0x2, v25  }
0x110: {  	s6 =	smov.u32 s18;
	s7 =	smov.u32 s22;
	s0 =	smov.u32 s8;
	v28 =	vor.u32 $0x2, v26;
	vm5 =	vlt.s32 v27, v7;
	vm6 =	vlt.s32 v30, v7  }
0x111: {  	s5 =	smov.u32 s1;
	p3 =	por p5, p5;
	v24 =	vsel vm4, v63, v24;
	v25 =	vsel vm5, v33, v25;
	v27 =	vsel vm6, v35, v31;
	s23 =	spop (v2sf)  }
0x112: {  	s4 =	smov.u32 s31;
	p1 =	por p6, p6;
	vm4 =	vlt.s32 v34, v7;
	v29 =	vperm.xlane v29, v25;
	v30 =	vor.u32 $0x1, v27;
	s31 =	sadd.s32 s31, s23  }
.Ltmp8:
0x113: {  	_ = 	snop;
	(pc) =	sbr.rel .LBB2_6-.Ltmp8, $1  }
0x114: {  	_ =	sdelay $0x3  }
.LBB2_10:
0x115: {  	_ =	sfence.sel $0x180000  }
0x116: {  	[bflag:$0x0] =	sbarrier.arrive $0xFFFF  }
0x117: {  	_ =	strace $0x90000047  }
0x118: {  	s0 =	stileid.u32;
	[bflag:$0x2] =	sbarrier.arrive $0xFFFF  }
0x119: {  	p0 =	sne.s32 s0, $0x0;
	s0 =	rddreg [dreg:$0x2]  }
0x11a: {  	s0 =	sadd.s32 @!p0 $0x100000, s0  }
0x11b: {  	[sflag:s0] =	ssyncadd.tile.s32 @!p0 $0x1;
	_ =	shalt  }
.Lfunc_end2:
_tile_overlayer_lowered:
.L_overlay_start_2:
0x11c: {  	(tag) =	ssettag $0x2  }
0x11d: {  	s0 =	rddreg [dreg:$0x0];
	s2 =	stileid.u32  }
0x11e: {  	s1 =	rddreg [dreg:$0x1];
	p0 =	sne.s32 s2, $0x0  }
0x11f: {  	s3 =	rddreg [dreg:$0x2];
	[bflag:$0x3] =	sbarrier.arrive $0xFFFF;
	s2 =	simm.s32 @!p0 $0x1C09  }
0x120: {  	[timem:s3], [sflag:s2] =	dma.local @!p0 [hbm:s0], s1  }
0x121: {  	s0 =	simm.s32 @!p0 $0x9  }
0x122: {  	_ =	swait.ge @!p0 [sflag:s0], s1  }
0x123: {  	s1 =	ssub.s32 @!p0 $0x0, s1;
	[sflag:s0] =	ssyncset.done @!p0 $0x0  }
0x124: {  	[sflag:s0] =	ssyncadd.s32 @!p0 s1  }
0x125: {  	[bflag:$0x3] =	sbarrier.arrive $0xFFFF  }
0x126: {  	_ =	shalt  }

</sc_bundles>
